<compile_context>
chip_gen: v7x
topology: tpu7x:2x2x1
jax: 0.10.2.dev20260603
libtpu: 0.0.44.dev20260713+nightly
codegen_flags: <defaults>
</compile_context>

<pallas_src>
import dataclasses
import functools

import jax
import jax.numpy as jnp
from jax import lax
from jax.experimental import pallas as pl
from jax.experimental.pallas import tpu as pltpu
from jax.experimental.pallas import tpu_sc as plsc

N = 10000
E = 320000
D_IN = 128
D_HID = 128
D_OUT = 64
D_PE = 128

NC = 2
NS = 16
NW = NC * NS
CHUNK = 80
NCHUNK = E // (NW * CHUNK)
RPT = 624
TAIL_BASE = NS * RPT
TAIL = N - TAIL_BASE
NACC = N + 16
ZROWS = 16


def _zero_acc(zbuf, acc, sid, base_row):
  zero = jnp.zeros((16,), jnp.float32)
  D = zbuf.shape[1]

  @pl.loop(0, ZROWS)
  def _(r):
    for j in range(D // 16):
      zbuf[r, pl.ds(j * 16, 16)] = zero

  @pl.loop(0, RPT // ZROWS)
  def _(b):
    pltpu.sync_copy(zbuf, acc.at[pl.ds(base_row + b * ZROWS, ZROWS)])

  @pl.when(sid == NS - 1)
  def _():
    pltpu.sync_copy(zbuf, acc.at[pl.ds(TAIL_BASE, ZROWS)])
    pltpu.sync_copy(zbuf, acc.at[pl.ds(TAIL_BASE + ZROWS, ZROWS)])


def _edge_pipeline(y_hbm, src_hbm, dst_hbm, tix, srcv0, dstv0, srcv1, dstv1,
                   srcv2, dstv2, rows0, rows1, rows2, acc, sem0, sem1, sem2):
  ebase = tix * NCHUNK * CHUNK
  bufs = ((srcv0, dstv0, rows0, sem0),
          (srcv1, dstv1, rows1, sem1),
          (srcv2, dstv2, rows2, sem2))

  def load_idx(c, sv, dv):
    off = ebase + c * CHUNK
    pltpu.sync_copy(src_hbm.at[pl.ds(off, CHUNK)], sv)
    pltpu.sync_copy(dst_hbm.at[pl.ds(off, CHUNK)], dv)

  def issue(c, b):
    sv, dv, rw, sm = bufs[b]
    load_idx(c, sv, dv)
    pltpu.async_copy(y_hbm.at[sv], rw, sm)

  def wait_scatter(b):
    sv, dv, rw, sm = bufs[b]
    pltpu.make_async_copy(y_hbm.at[sv], rw, sm).wait()
    pltpu.sync_copy(rw, acc.at[dv], add=True)

  K = NCHUNK // 3
  issue(0, 0)
  issue(1, 1)

  @pl.loop(0, K)
  def _(p):
    c0 = 3 * p
    issue(c0 + 2, 2)
    wait_scatter(0)

    @pl.when(c0 + 3 < NCHUNK)
    def _():
      issue(c0 + 3, 0)

    wait_scatter(1)

    @pl.when(c0 + 4 < NCHUNK)
    def _():
      issue(c0 + 4, 1)

    wait_scatter(2)

  for c in range(3 * K, NCHUNK):
    wait_scatter(c % 3)


def _drain_acc(acc, out_hbm, base_row, sid):
  row_slc = pl.ds(base_row, RPT)
  tail_slc = pl.ds(TAIL_BASE, TAIL)
  pltpu.sync_copy(acc.at[row_slc], out_hbm.at[row_slc])

  @pl.when(sid == NS - 1)
  def _():
    pltpu.sync_copy(acc.at[tail_slc], out_hbm.at[tail_slc])


def _make_sc_segsum():
  mesh = plsc.VectorSubcoreMesh(core_axis_name="c", subcore_axis_name="s")
  out_type = (jax.ShapeDtypeStruct((N, D_HID), jnp.float32),
              jax.ShapeDtypeStruct((N, D_HID), jnp.float32))
  scratch = [
      pltpu.VMEM((CHUNK,), jnp.int32),
      pltpu.VMEM((CHUNK,), jnp.int32),
      pltpu.VMEM((CHUNK,), jnp.int32),
      pltpu.VMEM((CHUNK,), jnp.int32),
      pltpu.VMEM((CHUNK,), jnp.int32),
      pltpu.VMEM((CHUNK,), jnp.int32),
      pltpu.VMEM((CHUNK, D_HID), jnp.float32),
      pltpu.VMEM((CHUNK, D_HID), jnp.float32),
      pltpu.VMEM((CHUNK, D_HID), jnp.float32),
      pltpu.VMEM((ZROWS, D_HID), jnp.float32),
      pltpu.VMEM_SHARED((NACC, D_HID), jnp.float32),
      pltpu.SemaphoreType.DMA,
      pltpu.SemaphoreType.DMA,
      pltpu.SemaphoreType.DMA,
  ]

  def body(y_hbm, src_hbm, dst_hbm, p0_hbm, p1_hbm,
           srcv0, dstv0, srcv1, dstv1, srcv2, dstv2,
           rows0, rows1, rows2, zbuf, acc, sem0, sem1, sem2):
    cid = lax.axis_index("c")
    sid = lax.axis_index("s")
    wid = sid * NC + cid
    base_row = sid * RPT

    _zero_acc(zbuf, acc, sid, base_row)
    plsc.subcore_barrier()

    _edge_pipeline(y_hbm, src_hbm, dst_hbm, wid, srcv0, dstv0, srcv1, dstv1,
                   srcv2, dstv2, rows0, rows1, rows2, acc, sem0, sem1, sem2)

    plsc.subcore_barrier()

    @pl.when(cid == 0)
    def _():
      _drain_acc(acc, p0_hbm, base_row, sid)

    @pl.when(cid == 1)
    def _():
      _drain_acc(acc, p1_hbm, base_row, sid)

  return pl.kernel(body, out_type=out_type, mesh=mesh, scratch_types=scratch)


def _make_deg_hist():
  mesh = plsc.VectorSubcoreMesh(core_axis_name="c", subcore_axis_name="s")
  out_type = jax.ShapeDtypeStruct((NW, 1, NACC), jnp.float32)
  scratch = [
      pltpu.VMEM((NCHUNK, CHUNK), jnp.int32),
      pltpu.VMEM((1, NACC), jnp.float32),
  ]

  def body(dst_hbm, dh_hbm, idst, hist):
    cid = lax.axis_index("c")
    sid = lax.axis_index("s")
    wid = sid * NC + cid
    zero = jnp.zeros((16,), jnp.float32)
    ones_f = jnp.ones((16,), jnp.float32)
    zeros_i = jnp.zeros((16,), jnp.int32)

    @pl.loop(0, NACC // 16)
    def _(k):
      hist[0, pl.ds(k * 16, 16)] = zero

    pltpu.sync_copy(dst_hbm.at[wid], idst)

    @pl.loop(0, NCHUNK)
    def _(r):
      for j in range(CHUNK // 16):
        v = idst[r, pl.ds(j * 16, 16)]
        plsc.addupdate_scatter(hist, [zeros_i, v], ones_f)

    pltpu.sync_copy(hist, dh_hbm.at[wid])

  cp = pltpu.CompilerParams()
  if "needs_layout_passes" in pltpu.CompilerParams.__dataclass_fields__:
    cp = dataclasses.replace(cp, needs_layout_passes=False)
  return pl.kernel(body, out_type=out_type, mesh=mesh,
                   scratch_types=scratch, compiler_params=cp)


_sc_pass0 = _make_sc_segsum()
_sc_pass1 = _make_sc_segsum()
_sc_pass2 = _make_sc_segsum()
_sc_deg = _make_deg_hist()


BN = 1000
GRID = N // BN
_F32 = jnp.float32


def _row_spec(d):
  return pl.BlockSpec((BN, d), lambda i: (i, 0))


def _full_spec(r, c):
  return pl.BlockSpec((r, c), lambda i: (0, 0))


def _dot(a, b):
  return jnp.dot(a, b, preferred_element_type=_F32)


def _stage_a(x, emb, wr, wn, wp, b, y_o, root_o):
  xv = x[...]
  y_o[...] = _dot(xv, wn[...])
  root_o[...] = _dot(xv, wr[...]) + _dot(emb[...], wp[...]) + b[...]


def _stage_b(p0, p1, dh, root, emb, wr, wn, wp, b, y_o, root_o, recip_o):
  deg = jnp.sum(dh[...], axis=1)
  rc = (1.0 / jnp.maximum(deg, 1.0))[:, None]
  recip_o[...] = jnp.broadcast_to(rc, (BN, 16))
  h = jnp.maximum(root[...] + (p0[...] + p1[...]) * rc, 0.0)
  y_o[...] = _dot(h, wn[...])
  root_o[...] = _dot(h, wr[...]) + _dot(emb[...], wp[...]) + b[...]


def _stage_c(p0, p1, recip, root, emb, wr, wn, wp, b, y_o, root_o):
  h = jnp.maximum(root[...] + (p0[...] + p1[...]) * recip[:, :1], 0.0)
  y_o[:, :D_OUT] = _dot(h, wn[...])
  y_o[:, D_OUT:] = jnp.zeros((BN, D_HID - D_OUT), _F32)
  root_o[...] = _dot(h, wr[...]) + _dot(emb[...], wp[...]) + b[...]


def _stage_d(p0, p1, recip, root, out_o):
  out_o[...] = root[...] + (p0[:, :D_OUT] + p1[:, :D_OUT]) * recip[:, :1]


def _tc_stage_a(x, emb, wr, wn, wp, b):
  return pl.pallas_call(
      _stage_a,
      grid=(GRID,),
      in_specs=[_row_spec(D_IN), _row_spec(D_PE),
                _full_spec(D_IN, D_HID), _full_spec(D_IN, D_HID),
                _full_spec(D_PE, D_HID), _full_spec(1, D_HID)],
      out_specs=[_row_spec(D_HID), _row_spec(D_HID)],
      out_shape=[jax.ShapeDtypeStruct((N, D_HID), _F32)] * 2,
  )(x, emb, wr, wn, wp, b)


def _tc_stage_b(p0, p1, dh, root, emb, wr, wn, wp, b):
  return pl.pallas_call(
      _stage_b,
      grid=(GRID,),
      in_specs=[_row_spec(D_HID), _row_spec(D_HID),
                pl.BlockSpec((BN, NW), lambda i: (i, 0)),
                _row_spec(D_HID), _row_spec(D_PE),
                _full_spec(D_HID, D_HID), _full_spec(D_HID, D_HID),
                _full_spec(D_PE, D_HID), _full_spec(1, D_HID)],
      out_specs=[_row_spec(D_HID), _row_spec(D_HID), _row_spec(16)],
      out_shape=[jax.ShapeDtypeStruct((N, D_HID), _F32),
                 jax.ShapeDtypeStruct((N, D_HID), _F32),
                 jax.ShapeDtypeStruct((N, 16), _F32)],
  )(p0, p1, dh, root, emb, wr, wn, wp, b)


def _tc_stage_c(p0, p1, recip, root, emb, wr, wn, wp, b):
  return pl.pallas_call(
      _stage_c,
      grid=(GRID,),
      in_specs=[_row_spec(D_HID), _row_spec(D_HID), _row_spec(16),
                _row_spec(D_HID), _row_spec(D_PE),
                _full_spec(D_HID, D_OUT), _full_spec(D_HID, D_OUT),
                _full_spec(D_PE, D_OUT), _full_spec(1, D_OUT)],
      out_specs=[_row_spec(D_HID), _row_spec(D_OUT)],
      out_shape=[jax.ShapeDtypeStruct((N, D_HID), _F32),
                 jax.ShapeDtypeStruct((N, D_OUT), _F32)],
  )(p0, p1, recip, root, emb, wr, wn, wp, b)


def _tc_stage_d(p0, p1, recip, root):
  return pl.pallas_call(
      _stage_d,
      grid=(GRID,),
      in_specs=[_row_spec(D_HID), _row_spec(D_HID), _row_spec(16),
                _row_spec(D_OUT)],
      out_specs=_row_spec(D_OUT),
      out_shape=jax.ShapeDtypeStruct((N, D_OUT), _F32),
  )(p0, p1, recip, root)


def kernel(x, adj_t, embeddings, Wr0, Wn0, Wp0, b0,
           Wr1, Wn1, Wp1, b1, Wr2, Wn2, Wp2, b2):
  b0r = b0.reshape(1, D_HID)
  b1r = b1.reshape(1, D_HID)
  b2r = b2.reshape(1, D_OUT)

  src = adj_t[0]
  dst = adj_t[1]
  dst3 = dst.reshape(NW, NCHUNK, CHUNK)

  dh3 = _sc_deg(dst3)
  dh = dh3.reshape(NW, NACC)[:, :N].T
  y0, root0 = _tc_stage_a(x, embeddings, Wr0, Wn0, Wp0, b0r)
  p0, p1 = _sc_pass0(y0, src, dst)
  y1, root1, recip = _tc_stage_b(p0, p1, dh, root0, embeddings,
                                 Wr1, Wn1, Wp1, b1r)
  q0, q1 = _sc_pass1(y1, src, dst)
  y2, root2 = _tc_stage_c(q0, q1, recip, root1, embeddings,
                          Wr2, Wn2, Wp2, b2r)
  s0, s1 = _sc_pass2(y2, src, dst)
  return _tc_stage_d(s0, s1, recip, root2)

# --- scband reference (transcript-rebuilt; emitter-appended) ---
"""Pipeline reference for scband-sage-80436147519516 (READ-ONLY COPY).

The authoritative reference and input builder live on the scoring server;
editing this copy changes nothing except your own understanding.
"""

import jax, jax.numpy as jnp
import numpy as np

N = 10000
E = 320000
D_IN = 128
D_HID = 128
D_OUT = 64
D_PE = 128


def _init_linear(key, fan_in, fan_out):
    bound = 1.0 / np.sqrt(fan_in)
    return jax.random.uniform(key, (fan_in, fan_out), dtype=jnp.float32, minval=-bound, maxval=bound)


def setup_inputs(seed: int = 0) -> dict:
    key = jax.random.key(seed)
    ks = jax.random.split(key, 20)
    inp = {}
    inp['x'] = jax.random.normal(ks[0], (N, D_IN), dtype=jnp.float32)
    inp['adj_t'] = jax.random.randint(ks[1], (2, E), 0, N, dtype=jnp.int32)
    inp['embeddings'] = jax.random.normal(ks[2], (N, D_PE), dtype=jnp.float32)
    # PESAGEconv layer 0: in=D_IN -> out=D_HID
    inp['Wr0'] = _init_linear(ks[3], D_IN, D_HID)
    inp['Wn0'] = _init_linear(ks[4], D_IN, D_HID)
    inp['Wp0'] = _init_linear(ks[5], D_PE, D_HID)
    inp['b0'] = jnp.zeros((D_HID,), dtype=jnp.float32)
    # PESAGEconv layer 1: in=D_HID -> out=D_HID
    inp['Wr1'] = _init_linear(ks[6], D_HID, D_HID)
    inp['Wn1'] = _init_linear(ks[7], D_HID, D_HID)
    inp['Wp1'] = _init_linear(ks[8], D_PE, D_HID)
    inp['b1'] = jnp.zeros((D_HID,), dtype=jnp.float32)
    # output PESAGEconv: in=D_HID -> out=D_OUT
    inp['Wr2'] = _init_linear(ks[9], D_HID, D_OUT)
    inp['Wn2'] = _init_linear(ks[10], D_HID, D_OUT)
    inp['Wp2'] = _init_linear(ks[11], D_PE, D_OUT)
    inp['b2'] = jnp.zeros((D_OUT,), dtype=jnp.float32)
    return inp


def _pe_sage_conv(x, edge_index, emb, Wr, Wn, Wp, b):
    # mean aggregation of neighbor features (SAGE 'mean' aggregator)
    src = edge_index[0]
    dst = edge_index[1]
    msgs = jnp.take(x, src, axis=0)
    agg = jax.ops.segment_sum(msgs, dst, num_segments=N)
    deg = jax.ops.segment_sum(jnp.ones((E, 1), dtype=x.dtype), dst, num_segments=N)
    agg = agg / jnp.clip(deg, 1.0, None)
    # root transform + neighbor transform + positional-embedding transform
    return x @ Wr + agg @ Wn + emb @ Wp + b


def reference(x, adj_t, embeddings, Wr0, Wn0, Wp0, b0, Wr1, Wn1, Wp1, b1, Wr2, Wn2, Wp2, b2):
    h = _pe_sage_conv(x, adj_t, embeddings, Wr0, Wn0, Wp0, b0)
    h = jax.nn.relu(h)
    # dropout is identity in eval mode
    h = _pe_sage_conv(h, adj_t, embeddings, Wr1, Wn1, Wp1, b1)
    h = jax.nn.relu(h)
    out = _pe_sage_conv(h, adj_t, embeddings, Wr2, Wn2, Wp2, b2)
    return out

if __name__ == "__main__":
    import jax
    _d = setup_inputs()
    print(jax.jit(kernel)(*tuple(_d.values())))

</pallas_src>

<mosaic_0001>
#map = affine_map<(d0, d1) -> (0, 0)>
#map1 = affine_map<(d0, d1) -> (0)>
module attributes {stable_mosaic.version = 14 : i64} {
  func.func @body(%arg0: i32, %arg1: i32, %arg2: memref<10000x128xf32, #tpu.memory_space<hbm>>, %arg3: memref<320000xi32, #tpu.memory_space<hbm>>, %arg4: memref<320000xi32, #tpu.memory_space<hbm>>, %arg5: memref<10000x128xf32, #tpu.memory_space<hbm>>, %arg6: memref<10000x128xf32, #tpu.memory_space<hbm>>, %arg7: memref<80xi32, #tpu.memory_space<vmem>>, %arg8: memref<80xi32, #tpu.memory_space<vmem>>, %arg9: memref<80xi32, #tpu.memory_space<vmem>>, %arg10: memref<80xi32, #tpu.memory_space<vmem>>, %arg11: memref<80xi32, #tpu.memory_space<vmem>>, %arg12: memref<80xi32, #tpu.memory_space<vmem>>, %arg13: memref<80x128xf32, #tpu.memory_space<vmem>>, %arg14: memref<80x128xf32, #tpu.memory_space<vmem>>, %arg15: memref<80x128xf32, #tpu.memory_space<vmem>>, %arg16: memref<16x128xf32, #tpu.memory_space<vmem>>, %arg17: memref<10016x128xf32, #tpu.memory_space<vmem_shared>>, %arg18: memref<!tpu.dma_semaphore, #tpu.memory_space<semaphore_mem>>, %arg19: memref<!tpu.dma_semaphore, #tpu.memory_space<semaphore_mem>>, %arg20: memref<!tpu.dma_semaphore, #tpu.memory_space<semaphore_mem>>) attributes {dimension_semantics = [#tpu.dimension_semantics<core_parallel>, #tpu.dimension_semantics<subcore_parallel>], iteration_bounds = array<i64: 2, 16>, scalar_prefetch = 0 : i64, scratch_operands = 14 : i64, tpu.core_type = #tpu.core_type<sc_vector_subcore>, window_params = [{transform_indices = #map}, {transform_indices = #map1}, {transform_indices = #map1}, {transform_indices = #map}, {transform_indices = #map}]} {
    %mul3A = arith.constant 2 : i32
    %mul3A_0 = arith.muli %arg1, %mul3A : i32
    %add3A = arith.addi %mul3A_0, %arg0 : i32
    %mul3A_1 = arith.constant 624 : i32
    %mul3A_2 = arith.muli %arg1, %mul3A_1 : i32
    %broadcast_in_dim3A = arith.constant 0.000000e+00 : f32
    %broadcast_in_dim3A_3 = vector.broadcast %broadcast_in_dim3A : f32 to vector<16xf32>
    %scan3A = arith.constant 0 : i32
    %scan3A_4 = arith.constant 16 : i32
    %scan3A_5 = arith.addi %scan3A, %scan3A_4 : i32
    %scan3A_6 = arith.constant 1 : i32
    scf.for %scan3A_49 = %scan3A to %scan3A_5 step %scan3A_6  : i32 {
      %mul3A_50 = arith.constant 1 : i32
      %mul3A_51 = arith.muli %scan3A_49, %mul3A_50 : i32
      %add3A_52 = arith.constant 0 : i32
      %add3A_53 = arith.addi %add3A_52, %mul3A_51 : i32
      %swap3A = arith.index_cast %add3A_53 : i32 to index
      %swap3A_54 = arith.constant 0 : index
      %swap3A_55 = tpu.vector_load %arg16[%swap3A, %swap3A_54] {strides = array<i32>} : memref<16x128xf32, #tpu.memory_space<vmem>>, vector<1x16xf32>,
      %swap3A_56 = vector.shape_cast %swap3A_55 : vector<1x16xf32> to vector<16xf32>
      %swap3A_57 = vector.shape_cast %broadcast_in_dim3A_3 : vector<16xf32> to vector<1x16xf32>
      tpu.vector_store %arg16[%swap3A, %swap3A_54], %swap3A_57 {strides = array<i32>} : memref<16x128xf32, #tpu.memory_space<vmem>>, vector<1x16xf32>,
      %swap3A_58 = arith.index_cast %add3A_53 : i32 to index
      %swap3A_59 = arith.constant 16 : index
      %swap3A_60 = tpu.vector_load %arg16[%swap3A_58, %swap3A_59] {strides = array<i32>} : memref<16x128xf32, #tpu.memory_space<vmem>>, vector<1x16xf32>,
      %swap3A_61 = vector.shape_cast %swap3A_60 : vector<1x16xf32> to vector<16xf32>
      %swap3A_62 = vector.shape_cast %broadcast_in_dim3A_3 : vector<16xf32> to vector<1x16xf32>
      tpu.vector_store %arg16[%swap3A_58, %swap3A_59], %swap3A_62 {strides = array<i32>} : memref<16x128xf32, #tpu.memory_space<vmem>>, vector<1x16xf32>,
      %swap3A_63 = arith.index_cast %add3A_53 : i32 to index
      %swap3A_64 = arith.constant 32 : index
      %swap3A_65 = tpu.vector_load %arg16[%swap3A_63, %swap3A_64] {strides = array<i32>} : memref<16x128xf32, #tpu.memory_space<vmem>>, vector<1x16xf32>,
      %swap3A_66 = vector.shape_cast %swap3A_65 : vector<1x16xf32> to vector<16xf32>
      %swap3A_67 = vector.shape_cast %broadcast_in_dim3A_3 : vector<16xf32> to vector<1x16xf32>
      tpu.vector_store %arg16[%swap3A_63, %swap3A_64], %swap3A_67 {strides = array<i32>} : memref<16x128xf32, #tpu.memory_space<vmem>>, vector<1x16xf32>,
      %swap3A_68 = arith.index_cast %add3A_53 : i32 to index
      %swap3A_69 = arith.constant 48 : index
      %swap3A_70 = tpu.vector_load %arg16[%swap3A_68, %swap3A_69] {strides = array<i32>} : memref<16x128xf32, #tpu.memory_space<vmem>>, vector<1x16xf32>,
      %swap3A_71 = vector.shape_cast %swap3A_70 : vector<1x16xf32> to vector<16xf32>
      %swap3A_72 = vector.shape_cast %broadcast_in_dim3A_3 : vector<16xf32> to vector<1x16xf32>
      tpu.vector_store %arg16[%swap3A_68, %swap3A_69], %swap3A_72 {strides = array<i32>} : memref<16x128xf32, #tpu.memory_space<vmem>>, vector<1x16xf32>,
      %swap3A_73 = arith.index_cast %add3A_53 : i32 to index
      %swap3A_74 = arith.constant 64 : index
      %swap3A_75 = tpu.vector_load %arg16[%swap3A_73, %swap3A_74] {strides = array<i32>} : memref<16x128xf32, #tpu.memory_space<vmem>>, vector<1x16xf32>,
      %swap3A_76 = vector.shape_cast %swap3A_75 : vector<1x16xf32> to vector<16xf32>
      %swap3A_77 = vector.shape_cast %broadcast_in_dim3A_3 : vector<16xf32> to vector<1x16xf32>
      tpu.vector_store %arg16[%swap3A_73, %swap3A_74], %swap3A_77 {strides = array<i32>} : memref<16x128xf32, #tpu.memory_space<vmem>>, vector<1x16xf32>,
      %swap3A_78 = arith.index_cast %add3A_53 : i32 to index
      %swap3A_79 = arith.constant 80 : index
      %swap3A_80 = tpu.vector_load %arg16[%swap3A_78, %swap3A_79] {strides = array<i32>} : memref<16x128xf32, #tpu.memory_space<vmem>>, vector<1x16xf32>,
      %swap3A_81 = vector.shape_cast %swap3A_80 : vector<1x16xf32> to vector<16xf32>
      %swap3A_82 = vector.shape_cast %broadcast_in_dim3A_3 : vector<16xf32> to vector<1x16xf32>
      tpu.vector_store %arg16[%swap3A_78, %swap3A_79], %swap3A_82 {strides = array<i32>} : memref<16x128xf32, #tpu.memory_space<vmem>>, vector<1x16xf32>,
      %swap3A_83 = arith.index_cast %add3A_53 : i32 to index
      %swap3A_84 = arith.constant 96 : index
      %swap3A_85 = tpu.vector_load %arg16[%swap3A_83, %swap3A_84] {strides = array<i32>} : memref<16x128xf32, #tpu.memory_space<vmem>>, vector<1x16xf32>,
      %swap3A_86 = vector.shape_cast %swap3A_85 : vector<1x16xf32> to vector<16xf32>
      %swap3A_87 = vector.shape_cast %broadcast_in_dim3A_3 : vector<16xf32> to vector<1x16xf32>
      tpu.vector_store %arg16[%swap3A_83, %swap3A_84], %swap3A_87 {strides = array<i32>} : memref<16x128xf32, #tpu.memory_space<vmem>>, vector<1x16xf32>,
      %swap3A_88 = arith.index_cast %add3A_53 : i32 to index
      %swap3A_89 = arith.constant 112 : index
      %swap3A_90 = tpu.vector_load %arg16[%swap3A_88, %swap3A_89] {strides = array<i32>} : memref<16x128xf32, #tpu.memory_space<vmem>>, vector<1x16xf32>,
      %swap3A_91 = vector.shape_cast %swap3A_90 : vector<1x16xf32> to vector<16xf32>
      %swap3A_92 = vector.shape_cast %broadcast_in_dim3A_3 : vector<16xf32> to vector<1x16xf32>
      tpu.vector_store %arg16[%swap3A_88, %swap3A_89], %swap3A_92 {strides = array<i32>} : memref<16x128xf32, #tpu.memory_space<vmem>>, vector<1x16xf32>,
    }
    %scan3A_7 = arith.constant 16 : i32
    %scan3A_8 = arith.constant 0 : i32
    %scan3A_9 = arith.constant 39 : i32
    %scan3A_10 = arith.addi %scan3A_8, %scan3A_9 : i32
    %scan3A_11 = arith.constant 1 : i32
    scf.for %scan3A_49 = %scan3A_8 to %scan3A_10 step %scan3A_11  : i32 {
      %mul3A_50 = arith.constant 1 : i32
      %mul3A_51 = arith.muli %scan3A_49, %mul3A_50 : i32
      %add3A_52 = arith.constant 0 : i32
      %add3A_53 = arith.addi %add3A_52, %mul3A_51 : i32
      %mul3A_54 = arith.constant 16 : i32
      %mul3A_55 = arith.muli %add3A_53, %mul3A_54 : i32
      %add3A_56 = arith.addi %mul3A_2, %mul3A_55 : i32
      "tpu.region"() ({
        %run_scoped3A = tpu.sem_alloc : memref<!tpu.dma_semaphore, #tpu.memory_space<semaphore_mem>>
        %dma_start3A_57 = arith.constant 0 : i32
        %dma_start3A_58 = tpu.memref_slice %arg17[%add3A_56, %dma_start3A_57] : memref<10016x128xf32, #tpu.memory_space<vmem_shared>> -> memref<16x128xf32, #tpu.memory_space<vmem_shared>>
        %dma_start3A_59 = arith.constant 0 : i32
        %dma_start3A_60 = tpu.memref_slice %arg17[%add3A_56, %dma_start3A_59] : memref<10016x128xf32, #tpu.memory_space<vmem_shared>> -> memref<16x128xf32, #tpu.memory_space<vmem_shared>>
        tpu.enqueue_dma source(%arg16 : memref<16x128xf32, #tpu.memory_space<vmem>>) target(%dma_start3A_60 : memref<16x128xf32, #tpu.memory_space<vmem_shared>>) target_semaphore(%run_scoped3A : memref<!tpu.dma_semaphore, #tpu.memory_space<semaphore_mem>>)
        %dma_wait3A_61 = arith.constant 0 : i32
        %dma_wait3A_62 = tpu.memref_slice %arg17[%add3A_56, %dma_wait3A_61] : memref<10016x128xf32, #tpu.memory_space<vmem_shared>> -> memref<16x128xf32, #tpu.memory_space<vmem_shared>>
        %dma_wait3A_63 = arith.constant 0 : i32
        %dma_wait3A_64 = tpu.memref_slice %arg17[%add3A_56, %dma_wait3A_63] : memref<10016x128xf32, #tpu.memory_space<vmem_shared>> -> memref<16x128xf32, #tpu.memory_space<vmem_shared>>
        tpu.wait_dma2 semaphore(%run_scoped3A : memref<!tpu.dma_semaphore, #tpu.memory_space<semaphore_mem>>) src(%arg16 : memref<16x128xf32, #tpu.memory_space<vmem>>) dst(%dma_wait3A_64 : memref<16x128xf32, #tpu.memory_space<vmem_shared>>)
        tpu.yield
      }) : () -> ()
    }
    %scan3A_12 = arith.constant 39 : i32
    %eq3A = arith.constant 15 : i32
    %eq3A_13 = arith.cmpi eq, %arg1, %eq3A : i32
    %convert_element_type3A = arith.extui %eq3A_13 : i1 to i32
    %cond3A = arith.constant 0 : i32
    %cond3A_14 = arith.cmpi ne, %convert_element_type3A, %cond3A : i32
    scf.if %cond3A_14 {
      "tpu.region"() ({
        %run_scoped3A = tpu.sem_alloc : memref<!tpu.dma_semaphore, #tpu.memory_space<semaphore_mem>>
        %dma_start3A_49 = arith.constant 9984 : i32
        %dma_start3A_50 = arith.constant 0 : i32
        %dma_start3A_51 = tpu.memref_slice %arg17[%dma_start3A_49, %dma_start3A_50] : memref<10016x128xf32, #tpu.memory_space<vmem_shared>> -> memref<16x128xf32, #tpu.memory_space<vmem_shared>>
        %dma_start3A_52 = arith.constant 9984 : i32
        %dma_start3A_53 = arith.constant 0 : i32
        %dma_start3A_54 = tpu.memref_slice %arg17[%dma_start3A_52, %dma_start3A_53] : memref<10016x128xf32, #tpu.memory_space<vmem_shared>> -> memref<16x128xf32, #tpu.memory_space<vmem_shared>>
        tpu.enqueue_dma source(%arg16 : memref<16x128xf32, #tpu.memory_space<vmem>>) target(%dma_start3A_54 : memref<16x128xf32, #tpu.memory_space<vmem_shared>>) target_semaphore(%run_scoped3A : memref<!tpu.dma_semaphore, #tpu.memory_space<semaphore_mem>>)
        %dma_wait3A_55 = arith.constant 9984 : i32
        %dma_wait3A_56 = arith.constant 0 : i32
        %dma_wait3A_57 = tpu.memref_slice %arg17[%dma_wait3A_55, %dma_wait3A_56] : memref<10016x128xf32, #tpu.memory_space<vmem_shared>> -> memref<16x128xf32, #tpu.memory_space<vmem_shared>>
        %dma_wait3A_58 = arith.constant 9984 : i32
        %dma_wait3A_59 = arith.constant 0 : i32
        %dma_wait3A_60 = tpu.memref_slice %arg17[%dma_wait3A_58, %dma_wait3A_59] : memref<10016x128xf32, #tpu.memory_space<vmem_shared>> -> memref<16x128xf32, #tpu.memory_space<vmem_shared>>
        tpu.wait_dma2 semaphore(%run_scoped3A : memref<!tpu.dma_semaphore, #tpu.memory_space<semaphore_mem>>) src(%arg16 : memref<16x128xf32, #tpu.memory_space<vmem>>) dst(%dma_wait3A_60 : memref<16x128xf32, #tpu.memory_space<vmem_shared>>)
        tpu.yield
      }) : () -> ()
      "tpu.region"() ({
        %run_scoped3A = tpu.sem_alloc : memref<!tpu.dma_semaphore, #tpu.memory_space<semaphore_mem>>
        %dma_start3A_49 = arith.constant 10000 : i32
        %dma_start3A_50 = arith.constant 0 : i32
        %dma_start3A_51 = tpu.memref_slice %arg17[%dma_start3A_49, %dma_start3A_50] : memref<10016x128xf32, #tpu.memory_space<vmem_shared>> -> memref<16x128xf32, #tpu.memory_space<vmem_shared>>
        %dma_start3A_52 = arith.constant 10000 : i32
        %dma_start3A_53 = arith.constant 0 : i32
        %dma_start3A_54 = tpu.memref_slice %arg17[%dma_start3A_52, %dma_start3A_53] : memref<10016x128xf32, #tpu.memory_space<vmem_shared>> -> memref<16x128xf32, #tpu.memory_space<vmem_shared>>
        tpu.enqueue_dma source(%arg16 : memref<16x128xf32, #tpu.memory_space<vmem>>) target(%dma_start3A_54 : memref<16x128xf32, #tpu.memory_space<vmem_shared>>) target_semaphore(%run_scoped3A : memref<!tpu.dma_semaphore, #tpu.memory_space<semaphore_mem>>)
        %dma_wait3A_55 = arith.constant 10000 : i32
        %dma_wait3A_56 = arith.constant 0 : i32
        %dma_wait3A_57 = tpu.memref_slice %arg17[%dma_wait3A_55, %dma_wait3A_56] : memref<10016x128xf32, #tpu.memory_space<vmem_shared>> -> memref<16x128xf32, #tpu.memory_space<vmem_shared>>
        %dma_wait3A_58 = arith.constant 10000 : i32
        %dma_wait3A_59 = arith.constant 0 : i32
        %dma_wait3A_60 = tpu.memref_slice %arg17[%dma_wait3A_58, %dma_wait3A_59] : memref<10016x128xf32, #tpu.memory_space<vmem_shared>> -> memref<16x128xf32, #tpu.memory_space<vmem_shared>>
        tpu.wait_dma2 semaphore(%run_scoped3A : memref<!tpu.dma_semaphore, #tpu.memory_space<semaphore_mem>>) src(%arg16 : memref<16x128xf32, #tpu.memory_space<vmem>>) dst(%dma_wait3A_60 : memref<16x128xf32, #tpu.memory_space<vmem_shared>>)
        tpu.yield
      }) : () -> ()
    } else {
    }
    %barrier3A = arith.constant 0 : index
    tpu.barrier barrier_id(%barrier3A)
    %mul3A_15 = arith.constant 125 : i32
    %mul3A_16 = arith.muli %add3A, %mul3A_15 : i32
    %mul3A_17 = arith.constant 80 : i32
    %mul3A_18 = arith.muli %mul3A_16, %mul3A_17 : i32
    %add3A_19 = arith.constant 0 : i32
    %add3A_20 = arith.addi %mul3A_18, %add3A_19 : i32
    "tpu.region"() ({
      %run_scoped3A = tpu.sem_alloc : memref<!tpu.dma_semaphore, #tpu.memory_space<semaphore_mem>>
      %dma_start3A_49 = tpu.memref_slice %arg3[%add3A_20] : memref<320000xi32, #tpu.memory_space<hbm>> -> memref<80xi32, #tpu.memory_space<hbm>>
      %dma_start3A_50 = tpu.memref_slice %arg3[%add3A_20] : memref<320000xi32, #tpu.memory_space<hbm>> -> memref<80xi32, #tpu.memory_space<hbm>>
      tpu.enqueue_dma source(%dma_start3A_50 : memref<80xi32, #tpu.memory_space<hbm>>) target(%arg7 : memref<80xi32, #tpu.memory_space<vmem>>) target_semaphore(%run_scoped3A : memref<!tpu.dma_semaphore, #tpu.memory_space<semaphore_mem>>)
      %dma_wait3A_51 = tpu.memref_slice %arg3[%add3A_20] : memref<320000xi32, #tpu.memory_space<hbm>> -> memref<80xi32, #tpu.memory_space<hbm>>
      %dma_wait3A_52 = tpu.memref_slice %arg3[%add3A_20] : memref<320000xi32, #tpu.memory_space<hbm>> -> memref<80xi32, #tpu.memory_space<hbm>>
      tpu.wait_dma2 semaphore(%run_scoped3A : memref<!tpu.dma_semaphore, #tpu.memory_space<semaphore_mem>>) src(%dma_wait3A_52 : memref<80xi32, #tpu.memory_space<hbm>>) dst(%arg7 : memref<80xi32, #tpu.memory_space<vmem>>)
      tpu.yield
    }) : () -> ()
    "tpu.region"() ({
      %run_scoped3A = tpu.sem_alloc : memref<!tpu.dma_semaphore, #tpu.memory_space<semaphore_mem>>
      %dma_start3A_49 = tpu.memref_slice %arg4[%add3A_20] : memref<320000xi32, #tpu.memory_space<hbm>> -> memref<80xi32, #tpu.memory_space<hbm>>
      %dma_start3A_50 = tpu.memref_slice %arg4[%add3A_20] : memref<320000xi32, #tpu.memory_space<hbm>> -> memref<80xi32, #tpu.memory_space<hbm>>
      tpu.enqueue_dma source(%dma_start3A_50 : memref<80xi32, #tpu.memory_space<hbm>>) target(%arg8 : memref<80xi32, #tpu.memory_space<vmem>>) target_semaphore(%run_scoped3A : memref<!tpu.dma_semaphore, #tpu.memory_space<semaphore_mem>>)
      %dma_wait3A_51 = tpu.memref_slice %arg4[%add3A_20] : memref<320000xi32, #tpu.memory_space<hbm>> -> memref<80xi32, #tpu.memory_space<hbm>>
      %dma_wait3A_52 = tpu.memref_slice %arg4[%add3A_20] : memref<320000xi32, #tpu.memory_space<hbm>> -> memref<80xi32, #tpu.memory_space<hbm>>
      tpu.wait_dma2 semaphore(%run_scoped3A : memref<!tpu.dma_semaphore, #tpu.memory_space<semaphore_mem>>) src(%dma_wait3A_52 : memref<80xi32, #tpu.memory_space<hbm>>) dst(%arg8 : memref<80xi32, #tpu.memory_space<vmem>>)
      tpu.yield
    }) : () -> ()
    %dma_start3A = arith.constant 0 : i32
    %dma_start3A_21 = arith.constant 0 : i32
    %dma_start3A_22 = tpu.memref_slice %arg2[%dma_start3A, %dma_start3A_21] : memref<10000x128xf32, #tpu.memory_space<hbm>> -> memref<10000x128xf32, #tpu.memory_space<hbm>>
    tpu.enqueue_indirect_dma source(%dma_start3A_22 : memref<10000x128xf32, #tpu.memory_space<hbm>>) target(%arg13 : memref<80x128xf32, #tpu.memory_space<vmem>>) offsets(%arg7 : memref<80xi32, #tpu.memory_space<vmem>>) semaphore(%arg18 : memref<!tpu.dma_semaphore, #tpu.memory_space<semaphore_mem>>)
    %add3A_23 = arith.constant 80 : i32
    %add3A_24 = arith.addi %mul3A_18, %add3A_23 : i32
    "tpu.region"() ({
      %run_scoped3A = tpu.sem_alloc : memref<!tpu.dma_semaphore, #tpu.memory_space<semaphore_mem>>
      %dma_start3A_49 = tpu.memref_slice %arg3[%add3A_24] : memref<320000xi32, #tpu.memory_space<hbm>> -> memref<80xi32, #tpu.memory_space<hbm>>
      %dma_start3A_50 = tpu.memref_slice %arg3[%add3A_24] : memref<320000xi32, #tpu.memory_space<hbm>> -> memref<80xi32, #tpu.memory_space<hbm>>
      tpu.enqueue_dma source(%dma_start3A_50 : memref<80xi32, #tpu.memory_space<hbm>>) target(%arg9 : memref<80xi32, #tpu.memory_space<vmem>>) target_semaphore(%run_scoped3A : memref<!tpu.dma_semaphore, #tpu.memory_space<semaphore_mem>>)
      %dma_wait3A_51 = tpu.memref_slice %arg3[%add3A_24] : memref<320000xi32, #tpu.memory_space<hbm>> -> memref<80xi32, #tpu.memory_space<hbm>>
      %dma_wait3A_52 = tpu.memref_slice %arg3[%add3A_24] : memref<320000xi32, #tpu.memory_space<hbm>> -> memref<80xi32, #tpu.memory_space<hbm>>
      tpu.wait_dma2 semaphore(%run_scoped3A : memref<!tpu.dma_semaphore, #tpu.memory_space<semaphore_mem>>) src(%dma_wait3A_52 : memref<80xi32, #tpu.memory_space<hbm>>) dst(%arg9 : memref<80xi32, #tpu.memory_space<vmem>>)
      tpu.yield
    }) : () -> ()
    "tpu.region"() ({
      %run_scoped3A = tpu.sem_alloc : memref<!tpu.dma_semaphore, #tpu.memory_space<semaphore_mem>>
      %dma_start3A_49 = tpu.memref_slice %arg4[%add3A_24] : memref<320000xi32, #tpu.memory_space<hbm>> -> memref<80xi32, #tpu.memory_space<hbm>>
      %dma_start3A_50 = tpu.memref_slice %arg4[%add3A_24] : memref<320000xi32, #tpu.memory_space<hbm>> -> memref<80xi32, #tpu.memory_space<hbm>>
      tpu.enqueue_dma source(%dma_start3A_50 : memref<80xi32, #tpu.memory_space<hbm>>) target(%arg10 : memref<80xi32, #tpu.memory_space<vmem>>) target_semaphore(%run_scoped3A : memref<!tpu.dma_semaphore, #tpu.memory_space<semaphore_mem>>)
      %dma_wait3A_51 = tpu.memref_slice %arg4[%add3A_24] : memref<320000xi32, #tpu.memory_space<hbm>> -> memref<80xi32, #tpu.memory_space<hbm>>
      %dma_wait3A_52 = tpu.memref_slice %arg4[%add3A_24] : memref<320000xi32, #tpu.memory_space<hbm>> -> memref<80xi32, #tpu.memory_space<hbm>>
      tpu.wait_dma2 semaphore(%run_scoped3A : memref<!tpu.dma_semaphore, #tpu.memory_space<semaphore_mem>>) src(%dma_wait3A_52 : memref<80xi32, #tpu.memory_space<hbm>>) dst(%arg10 : memref<80xi32, #tpu.memory_space<vmem>>)
      tpu.yield
    }) : () -> ()
    %dma_start3A_25 = arith.constant 0 : i32
    %dma_start3A_26 = arith.constant 0 : i32
    %dma_start3A_27 = tpu.memref_slice %arg2[%dma_start3A_25, %dma_start3A_26] : memref<10000x128xf32, #tpu.memory_space<hbm>> -> memref<10000x128xf32, #tpu.memory_space<hbm>>
    tpu.enqueue_indirect_dma source(%dma_start3A_27 : memref<10000x128xf32, #tpu.memory_space<hbm>>) target(%arg14 : memref<80x128xf32, #tpu.memory_space<vmem>>) offsets(%arg9 : memref<80xi32, #tpu.memory_space<vmem>>) semaphore(%arg19 : memref<!tpu.dma_semaphore, #tpu.memory_space<semaphore_mem>>)
    %scan3A_28 = arith.constant 0 : i32
    %scan3A_29 = arith.constant 41 : i32
    %scan3A_30 = arith.addi %scan3A_28, %scan3A_29 : i32
    %scan3A_31 = arith.constant 1 : i32
    scf.for %scan3A_49 = %scan3A_28 to %scan3A_30 step %scan3A_31  : i32 {
      %mul3A_50 = arith.constant 1 : i32
      %mul3A_51 = arith.muli %scan3A_49, %mul3A_50 : i32
      %add3A_52 = arith.constant 0 : i32
      %add3A_53 = arith.addi %add3A_52, %mul3A_51 : i32
      %mul3A_54 = arith.constant 3 : i32
      %mul3A_55 = arith.muli %mul3A_54, %add3A_53 : i32
      %add3A_56 = arith.constant 2 : i32
      %add3A_57 = arith.addi %mul3A_55, %add3A_56 : i32
      %mul3A_58 = arith.constant 80 : i32
      %mul3A_59 = arith.muli %add3A_57, %mul3A_58 : i32
      %add3A_60 = arith.addi %mul3A_18, %mul3A_59 : i32
      "tpu.region"() ({
        %run_scoped3A = tpu.sem_alloc : memref<!tpu.dma_semaphore, #tpu.memory_space<semaphore_mem>>
        %dma_start3A_86 = tpu.memref_slice %arg3[%add3A_60] : memref<320000xi32, #tpu.memory_space<hbm>> -> memref<80xi32, #tpu.memory_space<hbm>>
        %dma_start3A_87 = tpu.memref_slice %arg3[%add3A_60] : memref<320000xi32, #tpu.memory_space<hbm>> -> memref<80xi32, #tpu.memory_space<hbm>>
        tpu.enqueue_dma source(%dma_start3A_87 : memref<80xi32, #tpu.memory_space<hbm>>) target(%arg11 : memref<80xi32, #tpu.memory_space<vmem>>) target_semaphore(%run_scoped3A : memref<!tpu.dma_semaphore, #tpu.memory_space<semaphore_mem>>)
        %dma_wait3A_88 = tpu.memref_slice %arg3[%add3A_60] : memref<320000xi32, #tpu.memory_space<hbm>> -> memref<80xi32, #tpu.memory_space<hbm>>
        %dma_wait3A_89 = tpu.memref_slice %arg3[%add3A_60] : memref<320000xi32, #tpu.memory_space<hbm>> -> memref<80xi32, #tpu.memory_space<hbm>>
        tpu.wait_dma2 semaphore(%run_scoped3A : memref<!tpu.dma_semaphore, #tpu.memory_space<semaphore_mem>>) src(%dma_wait3A_89 : memref<80xi32, #tpu.memory_space<hbm>>) dst(%arg11 : memref<80xi32, #tpu.memory_space<vmem>>)
        tpu.yield
      }) : () -> ()
      "tpu.region"() ({
        %run_scoped3A = tpu.sem_alloc : memref<!tpu.dma_semaphore, #tpu.memory_space<semaphore_mem>>
        %dma_start3A_86 = tpu.memref_slice %arg4[%add3A_60] : memref<320000xi32, #tpu.memory_space<hbm>> -> memref<80xi32, #tpu.memory_space<hbm>>
        %dma_start3A_87 = tpu.memref_slice %arg4[%add3A_60] : memref<320000xi32, #tpu.memory_space<hbm>> -> memref<80xi32, #tpu.memory_space<hbm>>
        tpu.enqueue_dma source(%dma_start3A_87 : memref<80xi32, #tpu.memory_space<hbm>>) target(%arg12 : memref<80xi32, #tpu.memory_space<vmem>>) target_semaphore(%run_scoped3A : memref<!tpu.dma_semaphore, #tpu.memory_space<semaphore_mem>>)
        %dma_wait3A_88 = tpu.memref_slice %arg4[%add3A_60] : memref<320000xi32, #tpu.memory_space<hbm>> -> memref<80xi32, #tpu.memory_space<hbm>>
        %dma_wait3A_89 = tpu.memref_slice %arg4[%add3A_60] : memref<320000xi32, #tpu.memory_space<hbm>> -> memref<80xi32, #tpu.memory_space<hbm>>
        tpu.wait_dma2 semaphore(%run_scoped3A : memref<!tpu.dma_semaphore, #tpu.memory_space<semaphore_mem>>) src(%dma_wait3A_89 : memref<80xi32, #tpu.memory_space<hbm>>) dst(%arg12 : memref<80xi32, #tpu.memory_space<vmem>>)
        tpu.yield
      }) : () -> ()
      %dma_start3A_61 = arith.constant 0 : i32
      %dma_start3A_62 = arith.constant 0 : i32
      %dma_start3A_63 = tpu.memref_slice %arg2[%dma_start3A_61, %dma_start3A_62] : memref<10000x128xf32, #tpu.memory_space<hbm>> -> memref<10000x128xf32, #tpu.memory_space<hbm>>
      tpu.enqueue_indirect_dma source(%dma_start3A_63 : memref<10000x128xf32, #tpu.memory_space<hbm>>) target(%arg15 : memref<80x128xf32, #tpu.memory_space<vmem>>) offsets(%arg11 : memref<80xi32, #tpu.memory_space<vmem>>) semaphore(%arg20 : memref<!tpu.dma_semaphore, #tpu.memory_space<semaphore_mem>>)
      %dma_wait3A_64 = arith.constant 0 : i32
      %dma_wait3A_65 = arith.constant 0 : i32
      %dma_wait3A_66 = tpu.memref_slice %arg2[%dma_wait3A_64, %dma_wait3A_65] : memref<10000x128xf32, #tpu.memory_space<hbm>> -> memref<10000x128xf32, #tpu.memory_space<hbm>>
      tpu.wait_indirect_dma semaphore(%arg18 : memref<!tpu.dma_semaphore, #tpu.memory_space<semaphore_mem>>) src(%dma_wait3A_66 : memref<10000x128xf32, #tpu.memory_space<hbm>>) dst(%arg13 : memref<80x128xf32, #tpu.memory_space<vmem>>)
      "tpu.region"() ({
        %run_scoped3A = tpu.sem_alloc : memref<!tpu.dma_semaphore, #tpu.memory_space<semaphore_mem>>
        %dma_start3A_86 = arith.constant 0 : i32
        %dma_start3A_87 = arith.constant 0 : i32
        %dma_start3A_88 = tpu.memref_slice %arg17[%dma_start3A_86, %dma_start3A_87] : memref<10016x128xf32, #tpu.memory_space<vmem_shared>> -> memref<10016x128xf32, #tpu.memory_space<vmem_shared>>
        tpu.enqueue_indirect_dma source(%arg13 : memref<80x128xf32, #tpu.memory_space<vmem>>) target(%dma_start3A_88 : memref<10016x128xf32, #tpu.memory_space<vmem_shared>>) offsets(%arg8 : memref<80xi32, #tpu.memory_space<vmem>>) semaphore(%run_scoped3A : memref<!tpu.dma_semaphore, #tpu.memory_space<semaphore_mem>>) {add = true}
        %dma_wait3A_89 = arith.constant 0 : i32
        %dma_wait3A_90 = arith.constant 0 : i32
        %dma_wait3A_91 = tpu.memref_slice %arg17[%dma_wait3A_89, %dma_wait3A_90] : memref<10016x128xf32, #tpu.memory_space<vmem_shared>> -> memref<10016x128xf32, #tpu.memory_space<vmem_shared>>
        tpu.wait_indirect_dma semaphore(%run_scoped3A : memref<!tpu.dma_semaphore, #tpu.memory_space<semaphore_mem>>) src(%arg13 : memref<80x128xf32, #tpu.memory_space<vmem>>) dst(%dma_wait3A_91 : memref<10016x128xf32, #tpu.memory_space<vmem_shared>>)
        tpu.yield
      }) : () -> ()
      %add3A_67 = arith.constant 3 : i32
      %add3A_68 = arith.addi %mul3A_55, %add3A_67 : i32
      %lt3A = arith.constant 125 : i32
      %lt3A_69 = arith.cmpi slt, %add3A_68, %lt3A : i32
      %convert_element_type3A_70 = arith.extui %lt3A_69 : i1 to i32
      %cond3A_71 = arith.constant 0 : i32
      %cond3A_72 = arith.cmpi ne, %convert_element_type3A_70, %cond3A_71 : i32
      scf.if %cond3A_72 {
        %add3A_86 = arith.constant 3 : i32
        %add3A_87 = arith.addi %mul3A_55, %add3A_86 : i32
        %mul3A_88 = arith.constant 80 : i32
        %mul3A_89 = arith.muli %add3A_87, %mul3A_88 : i32
        %add3A_90 = arith.addi %mul3A_18, %mul3A_89 : i32
        "tpu.region"() ({
          %run_scoped3A = tpu.sem_alloc : memref<!tpu.dma_semaphore, #tpu.memory_space<semaphore_mem>>
          %dma_start3A_94 = tpu.memref_slice %arg3[%add3A_90] : memref<320000xi32, #tpu.memory_space<hbm>> -> memref<80xi32, #tpu.memory_space<hbm>>
          %dma_start3A_95 = tpu.memref_slice %arg3[%add3A_90] : memref<320000xi32, #tpu.memory_space<hbm>> -> memref<80xi32, #tpu.memory_space<hbm>>
          tpu.enqueue_dma source(%dma_start3A_95 : memref<80xi32, #tpu.memory_space<hbm>>) target(%arg7 : memref<80xi32, #tpu.memory_space<vmem>>) target_semaphore(%run_scoped3A : memref<!tpu.dma_semaphore, #tpu.memory_space<semaphore_mem>>)
          %dma_wait3A_96 = tpu.memref_slice %arg3[%add3A_90] : memref<320000xi32, #tpu.memory_space<hbm>> -> memref<80xi32, #tpu.memory_space<hbm>>
          %dma_wait3A_97 = tpu.memref_slice %arg3[%add3A_90] : memref<320000xi32, #tpu.memory_space<hbm>> -> memref<80xi32, #tpu.memory_space<hbm>>
          tpu.wait_dma2 semaphore(%run_scoped3A : memref<!tpu.dma_semaphore, #tpu.memory_space<semaphore_mem>>) src(%dma_wait3A_97 : memref<80xi32, #tpu.memory_space<hbm>>) dst(%arg7 : memref<80xi32, #tpu.memory_space<vmem>>)
          tpu.yield
        }) : () -> ()
        "tpu.region"() ({
          %run_scoped3A = tpu.sem_alloc : memref<!tpu.dma_semaphore, #tpu.memory_space<semaphore_mem>>
          %dma_start3A_94 = tpu.memref_slice %arg4[%add3A_90] : memref<320000xi32, #tpu.memory_space<hbm>> -> memref<80xi32, #tpu.memory_space<hbm>>
          %dma_start3A_95 = tpu.memref_slice %arg4[%add3A_90] : memref<320000xi32, #tpu.memory_space<hbm>> -> memref<80xi32, #tpu.memory_space<hbm>>
          tpu.enqueue_dma source(%dma_start3A_95 : memref<80xi32, #tpu.memory_space<hbm>>) target(%arg8 : memref<80xi32, #tpu.memory_space<vmem>>) target_semaphore(%run_scoped3A : memref<!tpu.dma_semaphore, #tpu.memory_space<semaphore_mem>>)
          %dma_wait3A_96 = tpu.memref_slice %arg4[%add3A_90] : memref<320000xi32, #tpu.memory_space<hbm>> -> memref<80xi32, #tpu.memory_space<hbm>>
          %dma_wait3A_97 = tpu.memref_slice %arg4[%add3A_90] : memref<320000xi32, #tpu.memory_space<hbm>> -> memref<80xi32, #tpu.memory_space<hbm>>
          tpu.wait_dma2 semaphore(%run_scoped3A : memref<!tpu.dma_semaphore, #tpu.memory_space<semaphore_mem>>) src(%dma_wait3A_97 : memref<80xi32, #tpu.memory_space<hbm>>) dst(%arg8 : memref<80xi32, #tpu.memory_space<vmem>>)
          tpu.yield
        }) : () -> ()
        %dma_start3A_91 = arith.constant 0 : i32
        %dma_start3A_92 = arith.constant 0 : i32
        %dma_start3A_93 = tpu.memref_slice %arg2[%dma_start3A_91, %dma_start3A_92] : memref<10000x128xf32, #tpu.memory_space<hbm>> -> memref<10000x128xf32, #tpu.memory_space<hbm>>
        tpu.enqueue_indirect_dma source(%dma_start3A_93 : memref<10000x128xf32, #tpu.memory_space<hbm>>) target(%arg13 : memref<80x128xf32, #tpu.memory_space<vmem>>) offsets(%arg7 : memref<80xi32, #tpu.memory_space<vmem>>) semaphore(%arg18 : memref<!tpu.dma_semaphore, #tpu.memory_space<semaphore_mem>>)
      } else {
      }
      %dma_wait3A_73 = arith.constant 0 : i32
      %dma_wait3A_74 = arith.constant 0 : i32
      %dma_wait3A_75 = tpu.memref_slice %arg2[%dma_wait3A_73, %dma_wait3A_74] : memref<10000x128xf32, #tpu.memory_space<hbm>> -> memref<10000x128xf32, #tpu.memory_space<hbm>>
      tpu.wait_indirect_dma semaphore(%arg19 : memref<!tpu.dma_semaphore, #tpu.memory_space<semaphore_mem>>) src(%dma_wait3A_75 : memref<10000x128xf32, #tpu.memory_space<hbm>>) dst(%arg14 : memref<80x128xf32, #tpu.memory_space<vmem>>)
      "tpu.region"() ({
        %run_scoped3A = tpu.sem_alloc : memref<!tpu.dma_semaphore, #tpu.memory_space<semaphore_mem>>
        %dma_start3A_86 = arith.constant 0 : i32
        %dma_start3A_87 = arith.constant 0 : i32
        %dma_start3A_88 = tpu.memref_slice %arg17[%dma_start3A_86, %dma_start3A_87] : memref<10016x128xf32, #tpu.memory_space<vmem_shared>> -> memref<10016x128xf32, #tpu.memory_space<vmem_shared>>
        tpu.enqueue_indirect_dma source(%arg14 : memref<80x128xf32, #tpu.memory_space<vmem>>) target(%dma_start3A_88 : memref<10016x128xf32, #tpu.memory_space<vmem_shared>>) offsets(%arg10 : memref<80xi32, #tpu.memory_space<vmem>>) semaphore(%run_scoped3A : memref<!tpu.dma_semaphore, #tpu.memory_space<semaphore_mem>>) {add = true}
        %dma_wait3A_89 = arith.constant 0 : i32
        %dma_wait3A_90 = arith.constant 0 : i32
        %dma_wait3A_91 = tpu.memref_slice %arg17[%dma_wait3A_89, %dma_wait3A_90] : memref<10016x128xf32, #tpu.memory_space<vmem_shared>> -> memref<10016x128xf32, #tpu.memory_space<vmem_shared>>
        tpu.wait_indirect_dma semaphore(%run_scoped3A : memref<!tpu.dma_semaphore, #tpu.memory_space<semaphore_mem>>) src(%arg14 : memref<80x128xf32, #tpu.memory_space<vmem>>) dst(%dma_wait3A_91 : memref<10016x128xf32, #tpu.memory_space<vmem_shared>>)
        tpu.yield
      }) : () -> ()
      %add3A_76 = arith.constant 4 : i32
      %add3A_77 = arith.addi %mul3A_55, %add3A_76 : i32
      %lt3A_78 = arith.constant 125 : i32
      %lt3A_79 = arith.cmpi slt, %add3A_77, %lt3A_78 : i32
      %convert_element_type3A_80 = arith.extui %lt3A_79 : i1 to i32
      %cond3A_81 = arith.constant 0 : i32
      %cond3A_82 = arith.cmpi ne, %convert_element_type3A_80, %cond3A_81 : i32
      scf.if %cond3A_82 {
        %add3A_86 = arith.constant 4 : i32
        %add3A_87 = arith.addi %mul3A_55, %add3A_86 : i32
        %mul3A_88 = arith.constant 80 : i32
        %mul3A_89 = arith.muli %add3A_87, %mul3A_88 : i32
        %add3A_90 = arith.addi %mul3A_18, %mul3A_89 : i32
        "tpu.region"() ({
          %run_scoped3A = tpu.sem_alloc : memref<!tpu.dma_semaphore, #tpu.memory_space<semaphore_mem>>
          %dma_start3A_94 = tpu.memref_slice %arg3[%add3A_90] : memref<320000xi32, #tpu.memory_space<hbm>> -> memref<80xi32, #tpu.memory_space<hbm>>
          %dma_start3A_95 = tpu.memref_slice %arg3[%add3A_90] : memref<320000xi32, #tpu.memory_space<hbm>> -> memref<80xi32, #tpu.memory_space<hbm>>
          tpu.enqueue_dma source(%dma_start3A_95 : memref<80xi32, #tpu.memory_space<hbm>>) target(%arg9 : memref<80xi32, #tpu.memory_space<vmem>>) target_semaphore(%run_scoped3A : memref<!tpu.dma_semaphore, #tpu.memory_space<semaphore_mem>>)
          %dma_wait3A_96 = tpu.memref_slice %arg3[%add3A_90] : memref<320000xi32, #tpu.memory_space<hbm>> -> memref<80xi32, #tpu.memory_space<hbm>>
          %dma_wait3A_97 = tpu.memref_slice %arg3[%add3A_90] : memref<320000xi32, #tpu.memory_space<hbm>> -> memref<80xi32, #tpu.memory_space<hbm>>
          tpu.wait_dma2 semaphore(%run_scoped3A : memref<!tpu.dma_semaphore, #tpu.memory_space<semaphore_mem>>) src(%dma_wait3A_97 : memref<80xi32, #tpu.memory_space<hbm>>) dst(%arg9 : memref<80xi32, #tpu.memory_space<vmem>>)
          tpu.yield
        }) : () -> ()
        "tpu.region"() ({
          %run_scoped3A = tpu.sem_alloc : memref<!tpu.dma_semaphore, #tpu.memory_space<semaphore_mem>>
          %dma_start3A_94 = tpu.memref_slice %arg4[%add3A_90] : memref<320000xi32, #tpu.memory_space<hbm>> -> memref<80xi32, #tpu.memory_space<hbm>>
          %dma_start3A_95 = tpu.memref_slice %arg4[%add3A_90] : memref<320000xi32, #tpu.memory_space<hbm>> -> memref<80xi32, #tpu.memory_space<hbm>>
          tpu.enqueue_dma source(%dma_start3A_95 : memref<80xi32, #tpu.memory_space<hbm>>) target(%arg10 : memref<80xi32, #tpu.memory_space<vmem>>) target_semaphore(%run_scoped3A : memref<!tpu.dma_semaphore, #tpu.memory_space<semaphore_mem>>)
          %dma_wait3A_96 = tpu.memref_slice %arg4[%add3A_90] : memref<320000xi32, #tpu.memory_space<hbm>> -> memref<80xi32, #tpu.memory_space<hbm>>
          %dma_wait3A_97 = tpu.memref_slice %arg4[%add3A_90] : memref<320000xi32, #tpu.memory_space<hbm>> -> memref<80xi32, #tpu.memory_space<hbm>>
          tpu.wait_dma2 semaphore(%run_scoped3A : memref<!tpu.dma_semaphore, #tpu.memory_space<semaphore_mem>>) src(%dma_wait3A_97 : memref<80xi32, #tpu.memory_space<hbm>>) dst(%arg10 : memref<80xi32, #tpu.memory_space<vmem>>)
          tpu.yield
        }) : () -> ()
        %dma_start3A_91 = arith.constant 0 : i32
        %dma_start3A_92 = arith.constant 0 : i32
        %dma_start3A_93 = tpu.memref_slice %arg2[%dma_start3A_91, %dma_start3A_92] : memref<10000x128xf32, #tpu.memory_space<hbm>> -> memref<10000x128xf32, #tpu.memory_space<hbm>>
        tpu.enqueue_indirect_dma source(%dma_start3A_93 : memref<10000x128xf32, #tpu.memory_space<hbm>>) target(%arg14 : memref<80x128xf32, #tpu.memory_space<vmem>>) offsets(%arg9 : memref<80xi32, #tpu.memory_space<vmem>>) semaphore(%arg19 : memref<!tpu.dma_semaphore, #tpu.memory_space<semaphore_mem>>)
      } else {
      }
      %dma_wait3A_83 = arith.constant 0 : i32
      %dma_wait3A_84 = arith.constant 0 : i32
      %dma_wait3A_85 = tpu.memref_slice %arg2[%dma_wait3A_83, %dma_wait3A_84] : memref<10000x128xf32, #tpu.memory_space<hbm>> -> memref<10000x128xf32, #tpu.memory_space<hbm>>
      tpu.wait_indirect_dma semaphore(%arg20 : memref<!tpu.dma_semaphore, #tpu.memory_space<semaphore_mem>>) src(%dma_wait3A_85 : memref<10000x128xf32, #tpu.memory_space<hbm>>) dst(%arg15 : memref<80x128xf32, #tpu.memory_space<vmem>>)
      "tpu.region"() ({
        %run_scoped3A = tpu.sem_alloc : memref<!tpu.dma_semaphore, #tpu.memory_space<semaphore_mem>>
        %dma_start3A_86 = arith.constant 0 : i32
        %dma_start3A_87 = arith.constant 0 : i32
        %dma_start3A_88 = tpu.memref_slice %arg17[%dma_start3A_86, %dma_start3A_87] : memref<10016x128xf32, #tpu.memory_space<vmem_shared>> -> memref<10016x128xf32, #tpu.memory_space<vmem_shared>>
        tpu.enqueue_indirect_dma source(%arg15 : memref<80x128xf32, #tpu.memory_space<vmem>>) target(%dma_start3A_88 : memref<10016x128xf32, #tpu.memory_space<vmem_shared>>) offsets(%arg12 : memref<80xi32, #tpu.memory_space<vmem>>) semaphore(%run_scoped3A : memref<!tpu.dma_semaphore, #tpu.memory_space<semaphore_mem>>) {add = true}
        %dma_wait3A_89 = arith.constant 0 : i32
        %dma_wait3A_90 = arith.constant 0 : i32
        %dma_wait3A_91 = tpu.memref_slice %arg17[%dma_wait3A_89, %dma_wait3A_90] : memref<10016x128xf32, #tpu.memory_space<vmem_shared>> -> memref<10016x128xf32, #tpu.memory_space<vmem_shared>>
        tpu.wait_indirect_dma semaphore(%run_scoped3A : memref<!tpu.dma_semaphore, #tpu.memory_space<semaphore_mem>>) src(%arg15 : memref<80x128xf32, #tpu.memory_space<vmem>>) dst(%dma_wait3A_91 : memref<10016x128xf32, #tpu.memory_space<vmem_shared>>)
        tpu.yield
      }) : () -> ()
    }
    %scan3A_32 = arith.constant 41 : i32
    %dma_wait3A = arith.constant 0 : i32
    %dma_wait3A_33 = arith.constant 0 : i32
    %dma_wait3A_34 = tpu.memref_slice %arg2[%dma_wait3A, %dma_wait3A_33] : memref<10000x128xf32, #tpu.memory_space<hbm>> -> memref<10000x128xf32, #tpu.memory_space<hbm>>
    tpu.wait_indirect_dma semaphore(%arg18 : memref<!tpu.dma_semaphore, #tpu.memory_space<semaphore_mem>>) src(%dma_wait3A_34 : memref<10000x128xf32, #tpu.memory_space<hbm>>) dst(%arg13 : memref<80x128xf32, #tpu.memory_space<vmem>>)
    "tpu.region"() ({
      %run_scoped3A = tpu.sem_alloc : memref<!tpu.dma_semaphore, #tpu.memory_space<semaphore_mem>>
      %dma_start3A_49 = arith.constant 0 : i32
      %dma_start3A_50 = arith.constant 0 : i32
      %dma_start3A_51 = tpu.memref_slice %arg17[%dma_start3A_49, %dma_start3A_50] : memref<10016x128xf32, #tpu.memory_space<vmem_shared>> -> memref<10016x128xf32, #tpu.memory_space<vmem_shared>>
      tpu.enqueue_indirect_dma source(%arg13 : memref<80x128xf32, #tpu.memory_space<vmem>>) target(%dma_start3A_51 : memref<10016x128xf32, #tpu.memory_space<vmem_shared>>) offsets(%arg8 : memref<80xi32, #tpu.memory_space<vmem>>) semaphore(%run_scoped3A : memref<!tpu.dma_semaphore, #tpu.memory_space<semaphore_mem>>) {add = true}
      %dma_wait3A_52 = arith.constant 0 : i32
      %dma_wait3A_53 = arith.constant 0 : i32
      %dma_wait3A_54 = tpu.memref_slice %arg17[%dma_wait3A_52, %dma_wait3A_53] : memref<10016x128xf32, #tpu.memory_space<vmem_shared>> -> memref<10016x128xf32, #tpu.memory_space<vmem_shared>>
      tpu.wait_indirect_dma semaphore(%run_scoped3A : memref<!tpu.dma_semaphore, #tpu.memory_space<semaphore_mem>>) src(%arg13 : memref<80x128xf32, #tpu.memory_space<vmem>>) dst(%dma_wait3A_54 : memref<10016x128xf32, #tpu.memory_space<vmem_shared>>)
      tpu.yield
    }) : () -> ()
    %dma_wait3A_35 = arith.constant 0 : i32
    %dma_wait3A_36 = arith.constant 0 : i32
    %dma_wait3A_37 = tpu.memref_slice %arg2[%dma_wait3A_35, %dma_wait3A_36] : memref<10000x128xf32, #tpu.memory_space<hbm>> -> memref<10000x128xf32, #tpu.memory_space<hbm>>
    tpu.wait_indirect_dma semaphore(%arg19 : memref<!tpu.dma_semaphore, #tpu.memory_space<semaphore_mem>>) src(%dma_wait3A_37 : memref<10000x128xf32, #tpu.memory_space<hbm>>) dst(%arg14 : memref<80x128xf32, #tpu.memory_space<vmem>>)
    "tpu.region"() ({
      %run_scoped3A = tpu.sem_alloc : memref<!tpu.dma_semaphore, #tpu.memory_space<semaphore_mem>>
      %dma_start3A_49 = arith.constant 0 : i32
      %dma_start3A_50 = arith.constant 0 : i32
      %dma_start3A_51 = tpu.memref_slice %arg17[%dma_start3A_49, %dma_start3A_50] : memref<10016x128xf32, #tpu.memory_space<vmem_shared>> -> memref<10016x128xf32, #tpu.memory_space<vmem_shared>>
      tpu.enqueue_indirect_dma source(%arg14 : memref<80x128xf32, #tpu.memory_space<vmem>>) target(%dma_start3A_51 : memref<10016x128xf32, #tpu.memory_space<vmem_shared>>) offsets(%arg10 : memref<80xi32, #tpu.memory_space<vmem>>) semaphore(%run_scoped3A : memref<!tpu.dma_semaphore, #tpu.memory_space<semaphore_mem>>) {add = true}
      %dma_wait3A_52 = arith.constant 0 : i32
      %dma_wait3A_53 = arith.constant 0 : i32
      %dma_wait3A_54 = tpu.memref_slice %arg17[%dma_wait3A_52, %dma_wait3A_53] : memref<10016x128xf32, #tpu.memory_space<vmem_shared>> -> memref<10016x128xf32, #tpu.memory_space<vmem_shared>>
      tpu.wait_indirect_dma semaphore(%run_scoped3A : memref<!tpu.dma_semaphore, #tpu.memory_space<semaphore_mem>>) src(%arg14 : memref<80x128xf32, #tpu.memory_space<vmem>>) dst(%dma_wait3A_54 : memref<10016x128xf32, #tpu.memory_space<vmem_shared>>)
      tpu.yield
    }) : () -> ()
    %barrier3A_38 = arith.constant 0 : index
    tpu.barrier barrier_id(%barrier3A_38)
    %eq3A_39 = arith.constant 0 : i32
    %eq3A_40 = arith.cmpi eq, %arg0, %eq3A_39 : i32
    %convert_element_type3A_41 = arith.extui %eq3A_40 : i1 to i32
    %cond3A_42 = arith.constant 0 : i32
    %cond3A_43 = arith.cmpi ne, %convert_element_type3A_41, %cond3A_42 : i32
    scf.if %cond3A_43 {
      "tpu.region"() ({
        %run_scoped3A = tpu.sem_alloc : memref<!tpu.dma_semaphore, #tpu.memory_space<semaphore_mem>>
        %dma_start3A_54 = arith.constant 0 : i32
        %dma_start3A_55 = tpu.memref_slice %arg5[%mul3A_2, %dma_start3A_54] : memref<10000x128xf32, #tpu.memory_space<hbm>> -> memref<624x128xf32, #tpu.memory_space<hbm>>
        %dma_start3A_56 = arith.constant 0 : i32
        %dma_start3A_57 = tpu.memref_slice %arg17[%mul3A_2, %dma_start3A_56] : memref<10016x128xf32, #tpu.memory_space<vmem_shared>> -> memref<624x128xf32, #tpu.memory_space<vmem_shared>>
        tpu.enqueue_dma source(%dma_start3A_57 : memref<624x128xf32, #tpu.memory_space<vmem_shared>>) target(%dma_start3A_55 : memref<624x128xf32, #tpu.memory_space<hbm>>) target_semaphore(%run_scoped3A : memref<!tpu.dma_semaphore, #tpu.memory_space<semaphore_mem>>)
        %dma_wait3A_58 = arith.constant 0 : i32
        %dma_wait3A_59 = tpu.memref_slice %arg5[%mul3A_2, %dma_wait3A_58] : memref<10000x128xf32, #tpu.memory_space<hbm>> -> memref<624x128xf32, #tpu.memory_space<hbm>>
        %dma_wait3A_60 = arith.constant 0 : i32
        %dma_wait3A_61 = tpu.memref_slice %arg17[%mul3A_2, %dma_wait3A_60] : memref<10016x128xf32, #tpu.memory_space<vmem_shared>> -> memref<624x128xf32, #tpu.memory_space<vmem_shared>>
        tpu.wait_dma2 semaphore(%run_scoped3A : memref<!tpu.dma_semaphore, #tpu.memory_space<semaphore_mem>>) src(%dma_wait3A_61 : memref<624x128xf32, #tpu.memory_space<vmem_shared>>) dst(%dma_wait3A_59 : memref<624x128xf32, #tpu.memory_space<hbm>>)
        tpu.yield
      }) : () -> ()
      %eq3A_49 = arith.constant 15 : i32
      %eq3A_50 = arith.cmpi eq, %arg1, %eq3A_49 : i32
      %convert_element_type3A_51 = arith.extui %eq3A_50 : i1 to i32
      %cond3A_52 = arith.constant 0 : i32
      %cond3A_53 = arith.cmpi ne, %convert_element_type3A_51, %cond3A_52 : i32
      scf.if %cond3A_53 {
        "tpu.region"() ({
          %run_scoped3A = tpu.sem_alloc : memref<!tpu.dma_semaphore, #tpu.memory_space<semaphore_mem>>
          %dma_start3A_54 = arith.constant 9984 : i32
          %dma_start3A_55 = arith.constant 0 : i32
          %dma_start3A_56 = tpu.memref_slice %arg5[%dma_start3A_54, %dma_start3A_55] : memref<10000x128xf32, #tpu.memory_space<hbm>> -> memref<16x128xf32, #tpu.memory_space<hbm>>
          %dma_start3A_57 = arith.constant 9984 : i32
          %dma_start3A_58 = arith.constant 0 : i32
          %dma_start3A_59 = tpu.memref_slice %arg17[%dma_start3A_57, %dma_start3A_58] : memref<10016x128xf32, #tpu.memory_space<vmem_shared>> -> memref<16x128xf32, #tpu.memory_space<vmem_shared>>
          tpu.enqueue_dma source(%dma_start3A_59 : memref<16x128xf32, #tpu.memory_space<vmem_shared>>) target(%dma_start3A_56 : memref<16x128xf32, #tpu.memory_space<hbm>>) target_semaphore(%run_scoped3A : memref<!tpu.dma_semaphore, #tpu.memory_space<semaphore_mem>>)
          %dma_wait3A_60 = arith.constant 9984 : i32
          %dma_wait3A_61 = arith.constant 0 : i32
          %dma_wait3A_62 = tpu.memref_slice %arg5[%dma_wait3A_60, %dma_wait3A_61] : memref<10000x128xf32, #tpu.memory_space<hbm>> -> memref<16x128xf32, #tpu.memory_space<hbm>>
          %dma_wait3A_63 = arith.constant 9984 : i32
          %dma_wait3A_64 = arith.constant 0 : i32
          %dma_wait3A_65 = tpu.memref_slice %arg17[%dma_wait3A_63, %dma_wait3A_64] : memref<10016x128xf32, #tpu.memory_space<vmem_shared>> -> memref<16x128xf32, #tpu.memory_space<vmem_shared>>
          tpu.wait_dma2 semaphore(%run_scoped3A : memref<!tpu.dma_semaphore, #tpu.memory_space<semaphore_mem>>) src(%dma_wait3A_65 : memref<16x128xf32, #tpu.memory_space<vmem_shared>>) dst(%dma_wait3A_62 : memref<16x128xf32, #tpu.memory_space<hbm>>)
          tpu.yield
        }) : () -> ()
      } else {
      }
    } else {
    }
    %eq3A_44 = arith.constant 1 : i32
    %eq3A_45 = arith.cmpi eq, %arg0, %eq3A_44 : i32
    %convert_element_type3A_46 = arith.extui %eq3A_45 : i1 to i32
    %cond3A_47 = arith.constant 0 : i32
    %cond3A_48 = arith.cmpi ne, %convert_element_type3A_46, %cond3A_47 : i32
    scf.if %cond3A_48 {
      "tpu.region"() ({
        %run_scoped3A = tpu.sem_alloc : memref<!tpu.dma_semaphore, #tpu.memory_space<semaphore_mem>>
        %dma_start3A_54 = arith.constant 0 : i32
        %dma_start3A_55 = tpu.memref_slice %arg6[%mul3A_2, %dma_start3A_54] : memref<10000x128xf32, #tpu.memory_space<hbm>> -> memref<624x128xf32, #tpu.memory_space<hbm>>
        %dma_start3A_56 = arith.constant 0 : i32
        %dma_start3A_57 = tpu.memref_slice %arg17[%mul3A_2, %dma_start3A_56] : memref<10016x128xf32, #tpu.memory_space<vmem_shared>> -> memref<624x128xf32, #tpu.memory_space<vmem_shared>>
        tpu.enqueue_dma source(%dma_start3A_57 : memref<624x128xf32, #tpu.memory_space<vmem_shared>>) target(%dma_start3A_55 : memref<624x128xf32, #tpu.memory_space<hbm>>) target_semaphore(%run_scoped3A : memref<!tpu.dma_semaphore, #tpu.memory_space<semaphore_mem>>)
        %dma_wait3A_58 = arith.constant 0 : i32
        %dma_wait3A_59 = tpu.memref_slice %arg6[%mul3A_2, %dma_wait3A_58] : memref<10000x128xf32, #tpu.memory_space<hbm>> -> memref<624x128xf32, #tpu.memory_space<hbm>>
        %dma_wait3A_60 = arith.constant 0 : i32
        %dma_wait3A_61 = tpu.memref_slice %arg17[%mul3A_2, %dma_wait3A_60] : memref<10016x128xf32, #tpu.memory_space<vmem_shared>> -> memref<624x128xf32, #tpu.memory_space<vmem_shared>>
        tpu.wait_dma2 semaphore(%run_scoped3A : memref<!tpu.dma_semaphore, #tpu.memory_space<semaphore_mem>>) src(%dma_wait3A_61 : memref<624x128xf32, #tpu.memory_space<vmem_shared>>) dst(%dma_wait3A_59 : memref<624x128xf32, #tpu.memory_space<hbm>>)
        tpu.yield
      }) : () -> ()
      %eq3A_49 = arith.constant 15 : i32
      %eq3A_50 = arith.cmpi eq, %arg1, %eq3A_49 : i32
      %convert_element_type3A_51 = arith.extui %eq3A_50 : i1 to i32
      %cond3A_52 = arith.constant 0 : i32
      %cond3A_53 = arith.cmpi ne, %convert_element_type3A_51, %cond3A_52 : i32
      scf.if %cond3A_53 {
        "tpu.region"() ({
          %run_scoped3A = tpu.sem_alloc : memref<!tpu.dma_semaphore, #tpu.memory_space<semaphore_mem>>
          %dma_start3A_54 = arith.constant 9984 : i32
          %dma_start3A_55 = arith.constant 0 : i32
          %dma_start3A_56 = tpu.memref_slice %arg6[%dma_start3A_54, %dma_start3A_55] : memref<10000x128xf32, #tpu.memory_space<hbm>> -> memref<16x128xf32, #tpu.memory_space<hbm>>
          %dma_start3A_57 = arith.constant 9984 : i32
          %dma_start3A_58 = arith.constant 0 : i32
          %dma_start3A_59 = tpu.memref_slice %arg17[%dma_start3A_57, %dma_start3A_58] : memref<10016x128xf32, #tpu.memory_space<vmem_shared>> -> memref<16x128xf32, #tpu.memory_space<vmem_shared>>
          tpu.enqueue_dma source(%dma_start3A_59 : memref<16x128xf32, #tpu.memory_space<vmem_shared>>) target(%dma_start3A_56 : memref<16x128xf32, #tpu.memory_space<hbm>>) target_semaphore(%run_scoped3A : memref<!tpu.dma_semaphore, #tpu.memory_space<semaphore_mem>>)
          %dma_wait3A_60 = arith.constant 9984 : i32
          %dma_wait3A_61 = arith.constant 0 : i32
          %dma_wait3A_62 = tpu.memref_slice %arg6[%dma_wait3A_60, %dma_wait3A_61] : memref<10000x128xf32, #tpu.memory_space<hbm>> -> memref<16x128xf32, #tpu.memory_space<hbm>>
          %dma_wait3A_63 = arith.constant 9984 : i32
          %dma_wait3A_64 = arith.constant 0 : i32
          %dma_wait3A_65 = tpu.memref_slice %arg17[%dma_wait3A_63, %dma_wait3A_64] : memref<10016x128xf32, #tpu.memory_space<vmem_shared>> -> memref<16x128xf32, #tpu.memory_space<vmem_shared>>
          tpu.wait_dma2 semaphore(%run_scoped3A : memref<!tpu.dma_semaphore, #tpu.memory_space<semaphore_mem>>) src(%dma_wait3A_65 : memref<16x128xf32, #tpu.memory_space<vmem_shared>>) dst(%dma_wait3A_62 : memref<16x128xf32, #tpu.memory_space<hbm>>)
          tpu.yield
        }) : () -> ()
      } else {
      }
    } else {
    }
    return
  }
}

#map = affine_map<(d0, d1) -> (0, 0)>
#map1 = affine_map<(d0, d1) -> (0)>
module attributes {stable_mosaic.version = 14 : i64} {
  func.func @body(%arg0: i32, %arg1: i32, %arg2: memref<10000x128xf32, #tpu.memory_space<hbm>>, %arg3: memref<320000xi32, #tpu.memory_space<hbm>>, %arg4: memref<320000xi32, #tpu.memory_space<hbm>>, %arg5: memref<10000x128xf32, #tpu.memory_space<hbm>>, %arg6: memref<10000x128xf32, #tpu.memory_space<hbm>>, %arg7: memref<80xi32, #tpu.memory_space<vmem>>, %arg8: memref<80xi32, #tpu.memory_space<vmem>>, %arg9: memref<80xi32, #tpu.memory_space<vmem>>, %arg10: memref<80xi32, #tpu.memory_space<vmem>>, %arg11: memref<80xi32, #tpu.memory_space<vmem>>, %arg12: memref<80xi32, #tpu.memory_space<vmem>>, %arg13: memref<80x128xf32, #tpu.memory_space<vmem>>, %arg14: memref<80x128xf32, #tpu.memory_space<vmem>>, %arg15: memref<80x128xf32, #tpu.memory_space<vmem>>, %arg16: memref<16x128xf32, #tpu.memory_space<vmem>>, %arg17: memref<10016x128xf32, #tpu.memory_space<vmem_shared>>, %arg18: memref<!tpu.dma_semaphore, #tpu.memory_space<semaphore_mem>>, %arg19: memref<!tpu.dma_semaphore, #tpu.memory_space<semaphore_mem>>, %arg20: memref<!tpu.dma_semaphore, #tpu.memory_space<semaphore_mem>>) attributes {dimension_semantics = [#tpu.dimension_semantics<core_parallel>, #tpu.dimension_semantics<subcore_parallel>], iteration_bounds = array<i64: 2, 16>, scalar_prefetch = 0 : i64, scratch_operands = 14 : i64, tpu.core_type = #tpu.core_type<sc_vector_subcore>, window_params = [{transform_indices = #map}, {transform_indices = #map1}, {transform_indices = #map1}, {transform_indices = #map}, {transform_indices = #map}]} {
    %mul3A = arith.constant 2 : i32
    %mul3A_0 = arith.muli %arg1, %mul3A : i32
    %add3A = arith.addi %mul3A_0, %arg0 : i32
    %mul3A_1 = arith.constant 624 : i32
    %mul3A_2 = arith.muli %arg1, %mul3A_1 : i32
    %broadcast_in_dim3A = arith.constant 0.000000e+00 : f32
    %broadcast_in_dim3A_3 = vector.broadcast %broadcast_in_dim3A : f32 to vector<16xf32>
    %scan3A = arith.constant 0 : i32
    %scan3A_4 = arith.constant 16 : i32
    %scan3A_5 = arith.addi %scan3A, %scan3A_4 : i32
    %scan3A_6 = arith.constant 1 : i32
    scf.for %scan3A_49 = %scan3A to %scan3A_5 step %scan3A_6  : i32 {
      %mul3A_50 = arith.constant 1 : i32
      %mul3A_51 = arith.muli %scan3A_49, %mul3A_50 : i32
      %add3A_52 = arith.constant 0 : i32
      %add3A_53 = arith.addi %add3A_52, %mul3A_51 : i32
      %swap3A = arith.index_cast %add3A_53 : i32 to index
      %swap3A_54 = arith.constant 0 : index
      %swap3A_55 = tpu.vector_load %arg16[%swap3A, %swap3A_54] {strides = array<i32>} : memref<16x128xf32, #tpu.memory_space<vmem>>, vector<1x16xf32>,
      %swap3A_56 = vector.shape_cast %swap3A_55 : vector<1x16xf32> to vector<16xf32>
      %swap3A_57 = vector.shape_cast %broadcast_in_dim3A_3 : vector<16xf32> to vector<1x16xf32>
      tpu.vector_store %arg16[%swap3A, %swap3A_54], %swap3A_57 {strides = array<i32>} : memref<16x128xf32, #tpu.memory_space<vmem>>, vector<1x16xf32>,
      %swap3A_58 = arith.index_cast %add3A_53 : i32 to index
      %swap3A_59 = arith.constant 16 : index
      %swap3A_60 = tpu.vector_load %arg16[%swap3A_58, %swap3A_59] {strides = array<i32>} : memref<16x128xf32, #tpu.memory_space<vmem>>, vector<1x16xf32>,
      %swap3A_61 = vector.shape_cast %swap3A_60 : vector<1x16xf32> to vector<16xf32>
      %swap3A_62 = vector.shape_cast %broadcast_in_dim3A_3 : vector<16xf32> to vector<1x16xf32>
      tpu.vector_store %arg16[%swap3A_58, %swap3A_59], %swap3A_62 {strides = array<i32>} : memref<16x128xf32, #tpu.memory_space<vmem>>, vector<1x16xf32>,
      %swap3A_63 = arith.index_cast %add3A_53 : i32 to index
      %swap3A_64 = arith.constant 32 : index
      %swap3A_65 = tpu.vector_load %arg16[%swap3A_63, %swap3A_64] {strides = array<i32>} : memref<16x128xf32, #tpu.memory_space<vmem>>, vector<1x16xf32>,
      %swap3A_66 = vector.shape_cast %swap3A_65 : vector<1x16xf32> to vector<16xf32>
      %swap3A_67 = vector.shape_cast %broadcast_in_dim3A_3 : vector<16xf32> to vector<1x16xf32>
      tpu.vector_store %arg16[%swap3A_63, %swap3A_64], %swap3A_67 {strides = array<i32>} : memref<16x128xf32, #tpu.memory_space<vmem>>, vector<1x16xf32>,
      %swap3A_68 = arith.index_cast %add3A_53 : i32 to index
      %swap3A_69 = arith.constant 48 : index
      %swap3A_70 = tpu.vector_load %arg16[%swap3A_68, %swap3A_69] {strides = array<i32>} : memref<16x128xf32, #tpu.memory_space<vmem>>, vector<1x16xf32>,
      %swap3A_71 = vector.shape_cast %swap3A_70 : vector<1x16xf32> to vector<16xf32>
      %swap3A_72 = vector.shape_cast %broadcast_in_dim3A_3 : vector<16xf32> to vector<1x16xf32>
      tpu.vector_store %arg16[%swap3A_68, %swap3A_69], %swap3A_72 {strides = array<i32>} : memref<16x128xf32, #tpu.memory_space<vmem>>, vector<1x16xf32>,
      %swap3A_73 = arith.index_cast %add3A_53 : i32 to index
      %swap3A_74 = arith.constant 64 : index
      %swap3A_75 = tpu.vector_load %arg16[%swap3A_73, %swap3A_74] {strides = array<i32>} : memref<16x128xf32, #tpu.memory_space<vmem>>, vector<1x16xf32>,
      %swap3A_76 = vector.shape_cast %swap3A_75 : vector<1x16xf32> to vector<16xf32>
      %swap3A_77 = vector.shape_cast %broadcast_in_dim3A_3 : vector<16xf32> to vector<1x16xf32>
      tpu.vector_store %arg16[%swap3A_73, %swap3A_74], %swap3A_77 {strides = array<i32>} : memref<16x128xf32, #tpu.memory_space<vmem>>, vector<1x16xf32>,
      %swap3A_78 = arith.index_cast %add3A_53 : i32 to index
      %swap3A_79 = arith.constant 80 : index
      %swap3A_80 = tpu.vector_load %arg16[%swap3A_78, %swap3A_79] {strides = array<i32>} : memref<16x128xf32, #tpu.memory_space<vmem>>, vector<1x16xf32>,
      %swap3A_81 = vector.shape_cast %swap3A_80 : vector<1x16xf32> to vector<16xf32>
      %swap3A_82 = vector.shape_cast %broadcast_in_dim3A_3 : vector<16xf32> to vector<1x16xf32>
      tpu.vector_store %arg16[%swap3A_78, %swap3A_79], %swap3A_82 {strides = array<i32>} : memref<16x128xf32, #tpu.memory_space<vmem>>, vector<1x16xf32>,
      %swap3A_83 = arith.index_cast %add3A_53 : i32 to index
      %swap3A_84 = arith.constant 96 : index
      %swap3A_85 = tpu.vector_load %arg16[%swap3A_83, %swap3A_84] {strides = array<i32>} : memref<16x128xf32, #tpu.memory_space<vmem>>, vector<1x16xf32>,
      %swap3A_86 = vector.shape_cast %swap3A_85 : vector<1x16xf32> to vector<16xf32>
      %swap3A_87 = vector.shape_cast %broadcast_in_dim3A_3 : vector<16xf32> to vector<1x16xf32>
      tpu.vector_store %arg16[%swap3A_83, %swap3A_84], %swap3A_87 {strides = array<i32>} : memref<16x128xf32, #tpu.memory_space<vmem>>, vector<1x16xf32>,
      %swap3A_88 = arith.index_cast %add3A_53 : i32 to index
      %swap3A_89 = arith.constant 112 : index
      %swap3A_90 = tpu.vector_load %arg16[%swap3A_88, %swap3A_89] {strides = array<i32>} : memref<16x128xf32, #tpu.memory_space<vmem>>, vector<1x16xf32>,
      %swap3A_91 = vector.shape_cast %swap3A_90 : vector<1x16xf32> to vector<16xf32>
      %swap3A_92 = vector.shape_cast %broadcast_in_dim3A_3 : vector<16xf32> to vector<1x16xf32>
      tpu.vector_store %arg16[%swap3A_88, %swap3A_89], %swap3A_92 {strides = array<i32>} : memref<16x128xf32, #tpu.memory_space<vmem>>, vector<1x16xf32>,
    }
    %scan3A_7 = arith.constant 16 : i32
    %scan3A_8 = arith.constant 0 : i32
    %scan3A_9 = arith.constant 39 : i32
    %scan3A_10 = arith.addi %scan3A_8, %scan3A_9 : i32
    %scan3A_11 = arith.constant 1 : i32
    scf.for %scan3A_49 = %scan3A_8 to %scan3A_10 step %scan3A_11  : i32 {
      %mul3A_50 = arith.constant 1 : i32
      %mul3A_51 = arith.muli %scan3A_49, %mul3A_50 : i32
      %add3A_52 = arith.constant 0 : i32
      %add3A_53 = arith.addi %add3A_52, %mul3A_51 : i32
      %mul3A_54 = arith.constant 16 : i32
      %mul3A_55 = arith.muli %add3A_53, %mul3A_54 : i32
      %add3A_56 = arith.addi %mul3A_2, %mul3A_55 : i32
      "tpu.region"() ({
        %run_scoped3A = tpu.sem_alloc : memref<!tpu.dma_semaphore, #tpu.memory_space<semaphore_mem>>
        %dma_start3A_57 = arith.constant 0 : i32
        %dma_start3A_58 = tpu.memref_slice %arg17[%add3A_56, %dma_start3A_57] : memref<10016x128xf32, #tpu.memory_space<vmem_shared>> -> memref<16x128xf32, #tpu.memory_space<vmem_shared>>
        %dma_start3A_59 = arith.constant 0 : i32
        %dma_start3A_60 = tpu.memref_slice %arg17[%add3A_56, %dma_start3A_59] : memref<10016x128xf32, #tpu.memory_space<vmem_shared>> -> memref<16x128xf32, #tpu.memory_space<vmem_shared>>
        tpu.enqueue_dma source(%arg16 : memref<16x128xf32, #tpu.memory_space<vmem>>) target(%dma_start3A_60 : memref<16x128xf32, #tpu.memory_space<vmem_shared>>) target_semaphore(%run_scoped3A : memref<!tpu.dma_semaphore, #tpu.memory_space<semaphore_mem>>)
        %dma_wait3A_61 = arith.constant 0 : i32
        %dma_wait3A_62 = tpu.memref_slice %arg17[%add3A_56, %dma_wait3A_61] : memref<10016x128xf32, #tpu.memory_space<vmem_shared>> -> memref<16x128xf32, #tpu.memory_space<vmem_shared>>
        %dma_wait3A_63 = arith.constant 0 : i32
        %dma_wait3A_64 = tpu.memref_slice %arg17[%add3A_56, %dma_wait3A_63] : memref<10016x128xf32, #tpu.memory_space<vmem_shared>> -> memref<16x128xf32, #tpu.memory_space<vmem_shared>>
        tpu.wait_dma2 semaphore(%run_scoped3A : memref<!tpu.dma_semaphore, #tpu.memory_space<semaphore_mem>>) src(%arg16 : memref<16x128xf32, #tpu.memory_space<vmem>>) dst(%dma_wait3A_64 : memref<16x128xf32, #tpu.memory_space<vmem_shared>>)
        tpu.yield
      }) : () -> ()
    }
    %scan3A_12 = arith.constant 39 : i32
    %eq3A = arith.constant 15 : i32
    %eq3A_13 = arith.cmpi eq, %arg1, %eq3A : i32
    %convert_element_type3A = arith.extui %eq3A_13 : i1 to i32
    %cond3A = arith.constant 0 : i32
    %cond3A_14 = arith.cmpi ne, %convert_element_type3A, %cond3A : i32
    scf.if %cond3A_14 {
      "tpu.region"() ({
        %run_scoped3A = tpu.sem_alloc : memref<!tpu.dma_semaphore, #tpu.memory_space<semaphore_mem>>
        %dma_start3A_49 = arith.constant 9984 : i32
        %dma_start3A_50 = arith.constant 0 : i32
        %dma_start3A_51 = tpu.memref_slice %arg17[%dma_start3A_49, %dma_start3A_50] : memref<10016x128xf32, #tpu.memory_space<vmem_shared>> -> memref<16x128xf32, #tpu.memory_space<vmem_shared>>
        %dma_start3A_52 = arith.constant 9984 : i32
        %dma_start3A_53 = arith.constant 0 : i32
        %dma_start3A_54 = tpu.memref_slice %arg17[%dma_start3A_52, %dma_start3A_53] : memref<10016x128xf32, #tpu.memory_space<vmem_shared>> -> memref<16x128xf32, #tpu.memory_space<vmem_shared>>
        tpu.enqueue_dma source(%arg16 : memref<16x128xf32, #tpu.memory_space<vmem>>) target(%dma_start3A_54 : memref<16x128xf32, #tpu.memory_space<vmem_shared>>) target_semaphore(%run_scoped3A : memref<!tpu.dma_semaphore, #tpu.memory_space<semaphore_mem>>)
        %dma_wait3A_55 = arith.constant 9984 : i32
        %dma_wait3A_56 = arith.constant 0 : i32
        %dma_wait3A_57 = tpu.memref_slice %arg17[%dma_wait3A_55, %dma_wait3A_56] : memref<10016x128xf32, #tpu.memory_space<vmem_shared>> -> memref<16x128xf32, #tpu.memory_space<vmem_shared>>
        %dma_wait3A_58 = arith.constant 9984 : i32
        %dma_wait3A_59 = arith.constant 0 : i32
        %dma_wait3A_60 = tpu.memref_slice %arg17[%dma_wait3A_58, %dma_wait3A_59] : memref<10016x128xf32, #tpu.memory_space<vmem_shared>> -> memref<16x128xf32, #tpu.memory_space<vmem_shared>>
        tpu.wait_dma2 semaphore(%run_scoped3A : memref<!tpu.dma_semaphore, #tpu.memory_space<semaphore_mem>>) src(%arg16 : memref<16x128xf32, #tpu.memory_space<vmem>>) dst(%dma_wait3A_60 : memref<16x128xf32, #tpu.memory_space<vmem_shared>>)
        tpu.yield
      }) : () -> ()
      "tpu.region"() ({
        %run_scoped3A = tpu.sem_alloc : memref<!tpu.dma_semaphore, #tpu.memory_space<semaphore_mem>>
        %dma_start3A_49 = arith.constant 10000 : i32
        %dma_start3A_50 = arith.constant 0 : i32
        %dma_start3A_51 = tpu.memref_slice %arg17[%dma_start3A_49, %dma_start3A_50] : memref<10016x128xf32, #tpu.memory_space<vmem_shared>> -> memref<16x128xf32, #tpu.memory_space<vmem_shared>>
        %dma_start3A_52 = arith.constant 10000 : i32
        %dma_start3A_53 = arith.constant 0 : i32
        %dma_start3A_54 = tpu.memref_slice %arg17[%dma_start3A_52, %dma_start3A_53] : memref<10016x128xf32, #tpu.memory_space<vmem_shared>> -> memref<16x128xf32, #tpu.memory_space<vmem_shared>>
        tpu.enqueue_dma source(%arg16 : memref<16x128xf32, #tpu.memory_space<vmem>>) target(%dma_start3A_54 : memref<16x128xf32, #tpu.memory_space<vmem_shared>>) target_semaphore(%run_scoped3A : memref<!tpu.dma_semaphore, #tpu.memory_space<semaphore_mem>>)
        %dma_wait3A_55 = arith.constant 10000 : i32
        %dma_wait3A_56 = arith.constant 0 : i32
        %dma_wait3A_57 = tpu.memref_slice %arg17[%dma_wait3A_55, %dma_wait3A_56] : memref<10016x128xf32, #tpu.memory_space<vmem_shared>> -> memref<16x128xf32, #tpu.memory_space<vmem_shared>>
        %dma_wait3A_58 = arith.constant 10000 : i32
        %dma_wait3A_59 = arith.constant 0 : i32
        %dma_wait3A_60 = tpu.memref_slice %arg17[%dma_wait3A_58, %dma_wait3A_59] : memref<10016x128xf32, #tpu.memory_space<vmem_shared>> -> memref<16x128xf32, #tpu.memory_space<vmem_shared>>
        tpu.wait_dma2 semaphore(%run_scoped3A : memref<!tpu.dma_semaphore, #tpu.memory_space<semaphore_mem>>) src(%arg16 : memref<16x128xf32, #tpu.memory_space<vmem>>) dst(%dma_wait3A_60 : memref<16x128xf32, #tpu.memory_space<vmem_shared>>)
        tpu.yield
      }) : () -> ()
    } else {
    }
    %barrier3A = arith.constant 0 : index
    tpu.barrier barrier_id(%barrier3A)
    %mul3A_15 = arith.constant 125 : i32
    %mul3A_16 = arith.muli %add3A, %mul3A_15 : i32
    %mul3A_17 = arith.constant 80 : i32
    %mul3A_18 = arith.muli %mul3A_16, %mul3A_17 : i32
    %add3A_19 = arith.constant 0 : i32
    %add3A_20 = arith.addi %mul3A_18, %add3A_19 : i32
    "tpu.region"() ({
      %run_scoped3A = tpu.sem_alloc : memref<!tpu.dma_semaphore, #tpu.memory_space<semaphore_mem>>
      %dma_start3A_49 = tpu.memref_slice %arg3[%add3A_20] : memref<320000xi32, #tpu.memory_space<hbm>> -> memref<80xi32, #tpu.memory_space<hbm>>
      %dma_start3A_50 = tpu.memref_slice %arg3[%add3A_20] : memref<320000xi32, #tpu.memory_space<hbm>> -> memref<80xi32, #tpu.memory_space<hbm>>
      tpu.enqueue_dma source(%dma_start3A_50 : memref<80xi32, #tpu.memory_space<hbm>>) target(%arg7 : memref<80xi32, #tpu.memory_space<vmem>>) target_semaphore(%run_scoped3A : memref<!tpu.dma_semaphore, #tpu.memory_space<semaphore_mem>>)
      %dma_wait3A_51 = tpu.memref_slice %arg3[%add3A_20] : memref<320000xi32, #tpu.memory_space<hbm>> -> memref<80xi32, #tpu.memory_space<hbm>>
      %dma_wait3A_52 = tpu.memref_slice %arg3[%add3A_20] : memref<320000xi32, #tpu.memory_space<hbm>> -> memref<80xi32, #tpu.memory_space<hbm>>
      tpu.wait_dma2 semaphore(%run_scoped3A : memref<!tpu.dma_semaphore, #tpu.memory_space<semaphore_mem>>) src(%dma_wait3A_52 : memref<80xi32, #tpu.memory_space<hbm>>) dst(%arg7 : memref<80xi32, #tpu.memory_space<vmem>>)
      tpu.yield
    }) : () -> ()
    "tpu.region"() ({
      %run_scoped3A = tpu.sem_alloc : memref<!tpu.dma_semaphore, #tpu.memory_space<semaphore_mem>>
      %dma_start3A_49 = tpu.memref_slice %arg4[%add3A_20] : memref<320000xi32, #tpu.memory_space<hbm>> -> memref<80xi32, #tpu.memory_space<hbm>>
      %dma_start3A_50 = tpu.memref_slice %arg4[%add3A_20] : memref<320000xi32, #tpu.memory_space<hbm>> -> memref<80xi32, #tpu.memory_space<hbm>>
      tpu.enqueue_dma source(%dma_start3A_50 : memref<80xi32, #tpu.memory_space<hbm>>) target(%arg8 : memref<80xi32, #tpu.memory_space<vmem>>) target_semaphore(%run_scoped3A : memref<!tpu.dma_semaphore, #tpu.memory_space<semaphore_mem>>)
      %dma_wait3A_51 = tpu.memref_slice %arg4[%add3A_20] : memref<320000xi32, #tpu.memory_space<hbm>> -> memref<80xi32, #tpu.memory_space<hbm>>
      %dma_wait3A_52 = tpu.memref_slice %arg4[%add3A_20] : memref<320000xi32, #tpu.memory_space<hbm>> -> memref<80xi32, #tpu.memory_space<hbm>>
      tpu.wait_dma2 semaphore(%run_scoped3A : memref<!tpu.dma_semaphore, #tpu.memory_space<semaphore_mem>>) src(%dma_wait3A_52 : memref<80xi32, #tpu.memory_space<hbm>>) dst(%arg8 : memref<80xi32, #tpu.memory_space<vmem>>)
      tpu.yield
    }) : () -> ()
    %dma_start3A = arith.constant 0 : i32
    %dma_start3A_21 = arith.constant 0 : i32
    %dma_start3A_22 = tpu.memref_slice %arg2[%dma_start3A, %dma_start3A_21] : memref<10000x128xf32, #tpu.memory_space<hbm>> -> memref<10000x128xf32, #tpu.memory_space<hbm>>
    tpu.enqueue_indirect_dma source(%dma_start3A_22 : memref<10000x128xf32, #tpu.memory_space<hbm>>) target(%arg13 : memref<80x128xf32, #tpu.memory_space<vmem>>) offsets(%arg7 : memref<80xi32, #tpu.memory_space<vmem>>) semaphore(%arg18 : memref<!tpu.dma_semaphore, #tpu.memory_space<semaphore_mem>>)
    %add3A_23 = arith.constant 80 : i32
    %add3A_24 = arith.addi %mul3A_18, %add3A_23 : i32
    "tpu.region"() ({
      %run_scoped3A = tpu.sem_alloc : memref<!tpu.dma_semaphore, #tpu.memory_space<semaphore_mem>>
      %dma_start3A_49 = tpu.memref_slice %arg3[%add3A_24] : memref<320000xi32, #tpu.memory_space<hbm>> -> memref<80xi32, #tpu.memory_space<hbm>>
      %dma_start3A_50 = tpu.memref_slice %arg3[%add3A_24] : memref<320000xi32, #tpu.memory_space<hbm>> -> memref<80xi32, #tpu.memory_space<hbm>>
      tpu.enqueue_dma source(%dma_start3A_50 : memref<80xi32, #tpu.memory_space<hbm>>) target(%arg9 : memref<80xi32, #tpu.memory_space<vmem>>) target_semaphore(%run_scoped3A : memref<!tpu.dma_semaphore, #tpu.memory_space<semaphore_mem>>)
      %dma_wait3A_51 = tpu.memref_slice %arg3[%add3A_24] : memref<320000xi32, #tpu.memory_space<hbm>> -> memref<80xi32, #tpu.memory_space<hbm>>
      %dma_wait3A_52 = tpu.memref_slice %arg3[%add3A_24] : memref<320000xi32, #tpu.memory_space<hbm>> -> memref<80xi32, #tpu.memory_space<hbm>>
      tpu.wait_dma2 semaphore(%run_scoped3A : memref<!tpu.dma_semaphore, #tpu.memory_space<semaphore_mem>>) src(%dma_wait3A_52 : memref<80xi32, #tpu.memory_space<hbm>>) dst(%arg9 : memref<80xi32, #tpu.memory_space<vmem>>)
      tpu.yield
    }) : () -> ()
    "tpu.region"() ({
      %run_scoped3A = tpu.sem_alloc : memref<!tpu.dma_semaphore, #tpu.memory_space<semaphore_mem>>
      %dma_start3A_49 = tpu.memref_slice %arg4[%add3A_24] : memref<320000xi32, #tpu.memory_space<hbm>> -> memref<80xi32, #tpu.memory_space<hbm>>
      %dma_start3A_50 = tpu.memref_slice %arg4[%add3A_24] : memref<320000xi32, #tpu.memory_space<hbm>> -> memref<80xi32, #tpu.memory_space<hbm>>
      tpu.enqueue_dma source(%dma_start3A_50 : memref<80xi32, #tpu.memory_space<hbm>>) target(%arg10 : memref<80xi32, #tpu.memory_space<vmem>>) target_semaphore(%run_scoped3A : memref<!tpu.dma_semaphore, #tpu.memory_space<semaphore_mem>>)
      %dma_wait3A_51 = tpu.memref_slice %arg4[%add3A_24] : memref<320000xi32, #tpu.memory_space<hbm>> -> memref<80xi32, #tpu.memory_space<hbm>>
      %dma_wait3A_52 = tpu.memref_slice %arg4[%add3A_24] : memref<320000xi32, #tpu.memory_space<hbm>> -> memref<80xi32, #tpu.memory_space<hbm>>
      tpu.wait_dma2 semaphore(%run_scoped3A : memref<!tpu.dma_semaphore, #tpu.memory_space<semaphore_mem>>) src(%dma_wait3A_52 : memref<80xi32, #tpu.memory_space<hbm>>) dst(%arg10 : memref<80xi32, #tpu.memory_space<vmem>>)
      tpu.yield
    }) : () -> ()
    %dma_start3A_25 = arith.constant 0 : i32
    %dma_start3A_26 = arith.constant 0 : i32
    %dma_start3A_27 = tpu.memref_slice %arg2[%dma_start3A_25, %dma_start3A_26] : memref<10000x128xf32, #tpu.memory_space<hbm>> -> memref<10000x128xf32, #tpu.memory_space<hbm>>
    tpu.enqueue_indirect_dma source(%dma_start3A_27 : memref<10000x128xf32, #tpu.memory_space<hbm>>) target(%arg14 : memref<80x128xf32, #tpu.memory_space<vmem>>) offsets(%arg9 : memref<80xi32, #tpu.memory_space<vmem>>) semaphore(%arg19 : memref<!tpu.dma_semaphore, #tpu.memory_space<semaphore_mem>>)
    %scan3A_28 = arith.constant 0 : i32
    %scan3A_29 = arith.constant 41 : i32
    %scan3A_30 = arith.addi %scan3A_28, %scan3A_29 : i32
    %scan3A_31 = arith.constant 1 : i32
    scf.for %scan3A_49 = %scan3A_28 to %scan3A_30 step %scan3A_31  : i32 {
      %mul3A_50 = arith.constant 1 : i32
      %mul3A_51 = arith.muli %scan3A_49, %mul3A_50 : i32
      %add3A_52 = arith.constant 0 : i32
      %add3A_53 = arith.addi %add3A_52, %mul3A_51 : i32
      %mul3A_54 = arith.constant 3 : i32
      %mul3A_55 = arith.muli %mul3A_54, %add3A_53 : i32
      %add3A_56 = arith.constant 2 : i32
      %add3A_57 = arith.addi %mul3A_55, %add3A_56 : i32
      %mul3A_58 = arith.constant 80 : i32
      %mul3A_59 = arith.muli %add3A_57, %mul3A_58 : i32
      %add3A_60 = arith.addi %mul3A_18, %mul3A_59 : i32
      "tpu.region"() ({
        %run_scoped3A = tpu.sem_alloc : memref<!tpu.dma_semaphore, #tpu.memory_space<semaphore_mem>>
        %dma_start3A_86 = tpu.memref_slice %arg3[%add3A_60] : memref<320000xi32, #tpu.memory_space<hbm>> -> memref<80xi32, #tpu.memory_space<hbm>>
        %dma_start3A_87 = tpu.memref_slice %arg3[%add3A_60] : memref<320000xi32, #tpu.memory_space<hbm>> -> memref<80xi32, #tpu.memory_space<hbm>>
        tpu.enqueue_dma source(%dma_start3A_87 : memref<80xi32, #tpu.memory_space<hbm>>) target(%arg11 : memref<80xi32, #tpu.memory_space<vmem>>) target_semaphore(%run_scoped3A : memref<!tpu.dma_semaphore, #tpu.memory_space<semaphore_mem>>)
        %dma_wait3A_88 = tpu.memref_slice %arg3[%add3A_60] : memref<320000xi32, #tpu.memory_space<hbm>> -> memref<80xi32, #tpu.memory_space<hbm>>
        %dma_wait3A_89 = tpu.memref_slice %arg3[%add3A_60] : memref<320000xi32, #tpu.memory_space<hbm>> -> memref<80xi32, #tpu.memory_space<hbm>>
        tpu.wait_dma2 semaphore(%run_scoped3A : memref<!tpu.dma_semaphore, #tpu.memory_space<semaphore_mem>>) src(%dma_wait3A_89 : memref<80xi32, #tpu.memory_space<hbm>>) dst(%arg11 : memref<80xi32, #tpu.memory_space<vmem>>)
        tpu.yield
      }) : () -> ()
      "tpu.region"() ({
        %run_scoped3A = tpu.sem_alloc : memref<!tpu.dma_semaphore, #tpu.memory_space<semaphore_mem>>
        %dma_start3A_86 = tpu.memref_slice %arg4[%add3A_60] : memref<320000xi32, #tpu.memory_space<hbm>> -> memref<80xi32, #tpu.memory_space<hbm>>
        %dma_start3A_87 = tpu.memref_slice %arg4[%add3A_60] : memref<320000xi32, #tpu.memory_space<hbm>> -> memref<80xi32, #tpu.memory_space<hbm>>
        tpu.enqueue_dma source(%dma_start3A_87 : memref<80xi32, #tpu.memory_space<hbm>>) target(%arg12 : memref<80xi32, #tpu.memory_space<vmem>>) target_semaphore(%run_scoped3A : memref<!tpu.dma_semaphore, #tpu.memory_space<semaphore_mem>>)
        %dma_wait3A_88 = tpu.memref_slice %arg4[%add3A_60] : memref<320000xi32, #tpu.memory_space<hbm>> -> memref<80xi32, #tpu.memory_space<hbm>>
        %dma_wait3A_89 = tpu.memref_slice %arg4[%add3A_60] : memref<320000xi32, #tpu.memory_space<hbm>> -> memref<80xi32, #tpu.memory_space<hbm>>
        tpu.wait_dma2 semaphore(%run_scoped3A : memref<!tpu.dma_semaphore, #tpu.memory_space<semaphore_mem>>) src(%dma_wait3A_89 : memref<80xi32, #tpu.memory_space<hbm>>) dst(%arg12 : memref<80xi32, #tpu.memory_space<vmem>>)
        tpu.yield
      }) : () -> ()
      %dma_start3A_61 = arith.constant 0 : i32
      %dma_start3A_62 = arith.constant 0 : i32
      %dma_start3A_63 = tpu.memref_slice %arg2[%dma_start3A_61, %dma_start3A_62] : memref<10000x128xf32, #tpu.memory_space<hbm>> -> memref<10000x128xf32, #tpu.memory_space<hbm>>
      tpu.enqueue_indirect_dma source(%dma_start3A_63 : memref<10000x128xf32, #tpu.memory_space<hbm>>) target(%arg15 : memref<80x128xf32, #tpu.memory_space<vmem>>) offsets(%arg11 : memref<80xi32, #tpu.memory_space<vmem>>) semaphore(%arg20 : memref<!tpu.dma_semaphore, #tpu.memory_space<semaphore_mem>>)
      %dma_wait3A_64 = arith.constant 0 : i32
      %dma_wait3A_65 = arith.constant 0 : i32
      %dma_wait3A_66 = tpu.memref_slice %arg2[%dma_wait3A_64, %dma_wait3A_65] : memref<10000x128xf32, #tpu.memory_space<hbm>> -> memref<10000x128xf32, #tpu.memory_space<hbm>>
      tpu.wait_indirect_dma semaphore(%arg18 : memref<!tpu.dma_semaphore, #tpu.memory_space<semaphore_mem>>) src(%dma_wait3A_66 : memref<10000x128xf32, #tpu.memory_space<hbm>>) dst(%arg13 : memref<80x128xf32, #tpu.memory_space<vmem>>)
      "tpu.region"() ({
        %run_scoped3A = tpu.sem_alloc : memref<!tpu.dma_semaphore, #tpu.memory_space<semaphore_mem>>
        %dma_start3A_86 = arith.constant 0 : i32
        %dma_start3A_87 = arith.constant 0 : i32
        %dma_start3A_88 = tpu.memref_slice %arg17[%dma_start3A_86, %dma_start3A_87] : memref<10016x128xf32, #tpu.memory_space<vmem_shared>> -> memref<10016x128xf32, #tpu.memory_space<vmem_shared>>
        tpu.enqueue_indirect_dma source(%arg13 : memref<80x128xf32, #tpu.memory_space<vmem>>) target(%dma_start3A_88 : memref<10016x128xf32, #tpu.memory_space<vmem_shared>>) offsets(%arg8 : memref<80xi32, #tpu.memory_space<vmem>>) semaphore(%run_scoped3A : memref<!tpu.dma_semaphore, #tpu.memory_space<semaphore_mem>>) {add = true}
        %dma_wait3A_89 = arith.constant 0 : i32
        %dma_wait3A_90 = arith.constant 0 : i32
        %dma_wait3A_91 = tpu.memref_slice %arg17[%dma_wait3A_89, %dma_wait3A_90] : memref<10016x128xf32, #tpu.memory_space<vmem_shared>> -> memref<10016x128xf32, #tpu.memory_space<vmem_shared>>
        tpu.wait_indirect_dma semaphore(%run_scoped3A : memref<!tpu.dma_semaphore, #tpu.memory_space<semaphore_mem>>) src(%arg13 : memref<80x128xf32, #tpu.memory_space<vmem>>) dst(%dma_wait3A_91 : memref<10016x128xf32, #tpu.memory_space<vmem_shared>>)
        tpu.yield
      }) : () -> ()
      %add3A_67 = arith.constant 3 : i32
      %add3A_68 = arith.addi %mul3A_55, %add3A_67 : i32
      %lt3A = arith.constant 125 : i32
      %lt3A_69 = arith.cmpi slt, %add3A_68, %lt3A : i32
      %convert_element_type3A_70 = arith.extui %lt3A_69 : i1 to i32
      %cond3A_71 = arith.constant 0 : i32
      %cond3A_72 = arith.cmpi ne, %convert_element_type3A_70, %cond3A_71 : i32
      scf.if %cond3A_72 {
        %add3A_86 = arith.constant 3 : i32
        %add3A_87 = arith.addi %mul3A_55, %add3A_86 : i32
        %mul3A_88 = arith.constant 80 : i32
        %mul3A_89 = arith.muli %add3A_87, %mul3A_88 : i32
        %add3A_90 = arith.addi %mul3A_18, %mul3A_89 : i32
        "tpu.region"() ({
          %run_scoped3A = tpu.sem_alloc : memref<!tpu.dma_semaphore, #tpu.memory_space<semaphore_mem>>
          %dma_start3A_94 = tpu.memref_slice %arg3[%add3A_90] : memref<320000xi32, #tpu.memory_space<hbm>> -> memref<80xi32, #tpu.memory_space<hbm>>
          %dma_start3A_95 = tpu.memref_slice %arg3[%add3A_90] : memref<320000xi32, #tpu.memory_space<hbm>> -> memref<80xi32, #tpu.memory_space<hbm>>
          tpu.enqueue_dma source(%dma_start3A_95 : memref<80xi32, #tpu.memory_space<hbm>>) target(%arg7 : memref<80xi32, #tpu.memory_space<vmem>>) target_semaphore(%run_scoped3A : memref<!tpu.dma_semaphore, #tpu.memory_space<semaphore_mem>>)
          %dma_wait3A_96 = tpu.memref_slice %arg3[%add3A_90] : memref<320000xi32, #tpu.memory_space<hbm>> -> memref<80xi32, #tpu.memory_space<hbm>>
          %dma_wait3A_97 = tpu.memref_slice %arg3[%add3A_90] : memref<320000xi32, #tpu.memory_space<hbm>> -> memref<80xi32, #tpu.memory_space<hbm>>
          tpu.wait_dma2 semaphore(%run_scoped3A : memref<!tpu.dma_semaphore, #tpu.memory_space<semaphore_mem>>) src(%dma_wait3A_97 : memref<80xi32, #tpu.memory_space<hbm>>) dst(%arg7 : memref<80xi32, #tpu.memory_space<vmem>>)
          tpu.yield
        }) : () -> ()
        "tpu.region"() ({
          %run_scoped3A = tpu.sem_alloc : memref<!tpu.dma_semaphore, #tpu.memory_space<semaphore_mem>>
          %dma_start3A_94 = tpu.memref_slice %arg4[%add3A_90] : memref<320000xi32, #tpu.memory_space<hbm>> -> memref<80xi32, #tpu.memory_space<hbm>>
          %dma_start3A_95 = tpu.memref_slice %arg4[%add3A_90] : memref<320000xi32, #tpu.memory_space<hbm>> -> memref<80xi32, #tpu.memory_space<hbm>>
          tpu.enqueue_dma source(%dma_start3A_95 : memref<80xi32, #tpu.memory_space<hbm>>) target(%arg8 : memref<80xi32, #tpu.memory_space<vmem>>) target_semaphore(%run_scoped3A : memref<!tpu.dma_semaphore, #tpu.memory_space<semaphore_mem>>)
          %dma_wait3A_96 = tpu.memref_slice %arg4[%add3A_90] : memref<320000xi32, #tpu.memory_space<hbm>> -> memref<80xi32, #tpu.memory_space<hbm>>
          %dma_wait3A_97 = tpu.memref_slice %arg4[%add3A_90] : memref<320000xi32, #tpu.memory_space<hbm>> -> memref<80xi32, #tpu.memory_space<hbm>>
          tpu.wait_dma2 semaphore(%run_scoped3A : memref<!tpu.dma_semaphore, #tpu.memory_space<semaphore_mem>>) src(%dma_wait3A_97 : memref<80xi32, #tpu.memory_space<hbm>>) dst(%arg8 : memref<80xi32, #tpu.memory_space<vmem>>)
          tpu.yield
        }) : () -> ()
        %dma_start3A_91 = arith.constant 0 : i32
        %dma_start3A_92 = arith.constant 0 : i32
        %dma_start3A_93 = tpu.memref_slice %arg2[%dma_start3A_91, %dma_start3A_92] : memref<10000x128xf32, #tpu.memory_space<hbm>> -> memref<10000x128xf32, #tpu.memory_space<hbm>>
        tpu.enqueue_indirect_dma source(%dma_start3A_93 : memref<10000x128xf32, #tpu.memory_space<hbm>>) target(%arg13 : memref<80x128xf32, #tpu.memory_space<vmem>>) offsets(%arg7 : memref<80xi32, #tpu.memory_space<vmem>>) semaphore(%arg18 : memref<!tpu.dma_semaphore, #tpu.memory_space<semaphore_mem>>)
      } else {
      }
      %dma_wait3A_73 = arith.constant 0 : i32
      %dma_wait3A_74 = arith.constant 0 : i32
      %dma_wait3A_75 = tpu.memref_slice %arg2[%dma_wait3A_73, %dma_wait3A_74] : memref<10000x128xf32, #tpu.memory_space<hbm>> -> memref<10000x128xf32, #tpu.memory_space<hbm>>
      tpu.wait_indirect_dma semaphore(%arg19 : memref<!tpu.dma_semaphore, #tpu.memory_space<semaphore_mem>>) src(%dma_wait3A_75 : memref<10000x128xf32, #tpu.memory_space<hbm>>) dst(%arg14 : memref<80x128xf32, #tpu.memory_space<vmem>>)
      "tpu.region"() ({
        %run_scoped3A = tpu.sem_alloc : memref<!tpu.dma_semaphore, #tpu.memory_space<semaphore_mem>>
        %dma_start3A_86 = arith.constant 0 : i32
        %dma_start3A_87 = arith.constant 0 : i32
        %dma_start3A_88 = tpu.memref_slice %arg17[%dma_start3A_86, %dma_start3A_87] : memref<10016x128xf32, #tpu.memory_space<vmem_shared>> -> memref<10016x128xf32, #tpu.memory_space<vmem_shared>>
        tpu.enqueue_indirect_dma source(%arg14 : memref<80x128xf32, #tpu.memory_space<vmem>>) target(%dma_start3A_88 : memref<10016x128xf32, #tpu.memory_space<vmem_shared>>) offsets(%arg10 : memref<80xi32, #tpu.memory_space<vmem>>) semaphore(%run_scoped3A : memref<!tpu.dma_semaphore, #tpu.memory_space<semaphore_mem>>) {add = true}
        %dma_wait3A_89 = arith.constant 0 : i32
        %dma_wait3A_90 = arith.constant 0 : i32
        %dma_wait3A_91 = tpu.memref_slice %arg17[%dma_wait3A_89, %dma_wait3A_90] : memref<10016x128xf32, #tpu.memory_space<vmem_shared>> -> memref<10016x128xf32, #tpu.memory_space<vmem_shared>>
        tpu.wait_indirect_dma semaphore(%run_scoped3A : memref<!tpu.dma_semaphore, #tpu.memory_space<semaphore_mem>>) src(%arg14 : memref<80x128xf32, #tpu.memory_space<vmem>>) dst(%dma_wait3A_91 : memref<10016x128xf32, #tpu.memory_space<vmem_shared>>)
        tpu.yield
      }) : () -> ()
      %add3A_76 = arith.constant 4 : i32
      %add3A_77 = arith.addi %mul3A_55, %add3A_76 : i32
      %lt3A_78 = arith.constant 125 : i32
      %lt3A_79 = arith.cmpi slt, %add3A_77, %lt3A_78 : i32
      %convert_element_type3A_80 = arith.extui %lt3A_79 : i1 to i32
      %cond3A_81 = arith.constant 0 : i32
      %cond3A_82 = arith.cmpi ne, %convert_element_type3A_80, %cond3A_81 : i32
      scf.if %cond3A_82 {
        %add3A_86 = arith.constant 4 : i32
        %add3A_87 = arith.addi %mul3A_55, %add3A_86 : i32
        %mul3A_88 = arith.constant 80 : i32
        %mul3A_89 = arith.muli %add3A_87, %mul3A_88 : i32
        %add3A_90 = arith.addi %mul3A_18, %mul3A_89 : i32
        "tpu.region"() ({
          %run_scoped3A = tpu.sem_alloc : memref<!tpu.dma_semaphore, #tpu.memory_space<semaphore_mem>>
          %dma_start3A_94 = tpu.memref_slice %arg3[%add3A_90] : memref<320000xi32, #tpu.memory_space<hbm>> -> memref<80xi32, #tpu.memory_space<hbm>>
          %dma_start3A_95 = tpu.memref_slice %arg3[%add3A_90] : memref<320000xi32, #tpu.memory_space<hbm>> -> memref<80xi32, #tpu.memory_space<hbm>>
          tpu.enqueue_dma source(%dma_start3A_95 : memref<80xi32, #tpu.memory_space<hbm>>) target(%arg9 : memref<80xi32, #tpu.memory_space<vmem>>) target_semaphore(%run_scoped3A : memref<!tpu.dma_semaphore, #tpu.memory_space<semaphore_mem>>)
          %dma_wait3A_96 = tpu.memref_slice %arg3[%add3A_90] : memref<320000xi32, #tpu.memory_space<hbm>> -> memref<80xi32, #tpu.memory_space<hbm>>
          %dma_wait3A_97 = tpu.memref_slice %arg3[%add3A_90] : memref<320000xi32, #tpu.memory_space<hbm>> -> memref<80xi32, #tpu.memory_space<hbm>>
          tpu.wait_dma2 semaphore(%run_scoped3A : memref<!tpu.dma_semaphore, #tpu.memory_space<semaphore_mem>>) src(%dma_wait3A_97 : memref<80xi32, #tpu.memory_space<hbm>>) dst(%arg9 : memref<80xi32, #tpu.memory_space<vmem>>)
          tpu.yield
        }) : () -> ()
        "tpu.region"() ({
          %run_scoped3A = tpu.sem_alloc : memref<!tpu.dma_semaphore, #tpu.memory_space<semaphore_mem>>
          %dma_start3A_94 = tpu.memref_slice %arg4[%add3A_90] : memref<320000xi32, #tpu.memory_space<hbm>> -> memref<80xi32, #tpu.memory_space<hbm>>
          %dma_start3A_95 = tpu.memref_slice %arg4[%add3A_90] : memref<320000xi32, #tpu.memory_space<hbm>> -> memref<80xi32, #tpu.memory_space<hbm>>
          tpu.enqueue_dma source(%dma_start3A_95 : memref<80xi32, #tpu.memory_space<hbm>>) target(%arg10 : memref<80xi32, #tpu.memory_space<vmem>>) target_semaphore(%run_scoped3A : memref<!tpu.dma_semaphore, #tpu.memory_space<semaphore_mem>>)
          %dma_wait3A_96 = tpu.memref_slice %arg4[%add3A_90] : memref<320000xi32, #tpu.memory_space<hbm>> -> memref<80xi32, #tpu.memory_space<hbm>>
          %dma_wait3A_97 = tpu.memref_slice %arg4[%add3A_90] : memref<320000xi32, #tpu.memory_space<hbm>> -> memref<80xi32, #tpu.memory_space<hbm>>
          tpu.wait_dma2 semaphore(%run_scoped3A : memref<!tpu.dma_semaphore, #tpu.memory_space<semaphore_mem>>) src(%dma_wait3A_97 : memref<80xi32, #tpu.memory_space<hbm>>) dst(%arg10 : memref<80xi32, #tpu.memory_space<vmem>>)
          tpu.yield
        }) : () -> ()
        %dma_start3A_91 = arith.constant 0 : i32
        %dma_start3A_92 = arith.constant 0 : i32
        %dma_start3A_93 = tpu.memref_slice %arg2[%dma_start3A_91, %dma_start3A_92] : memref<10000x128xf32, #tpu.memory_space<hbm>> -> memref<10000x128xf32, #tpu.memory_space<hbm>>
        tpu.enqueue_indirect_dma source(%dma_start3A_93 : memref<10000x128xf32, #tpu.memory_space<hbm>>) target(%arg14 : memref<80x128xf32, #tpu.memory_space<vmem>>) offsets(%arg9 : memref<80xi32, #tpu.memory_space<vmem>>) semaphore(%arg19 : memref<!tpu.dma_semaphore, #tpu.memory_space<semaphore_mem>>)
      } else {
      }
      %dma_wait3A_83 = arith.constant 0 : i32
      %dma_wait3A_84 = arith.constant 0 : i32
      %dma_wait3A_85 = tpu.memref_slice %arg2[%dma_wait3A_83, %dma_wait3A_84] : memref<10000x128xf32, #tpu.memory_space<hbm>> -> memref<10000x128xf32, #tpu.memory_space<hbm>>
      tpu.wait_indirect_dma semaphore(%arg20 : memref<!tpu.dma_semaphore, #tpu.memory_space<semaphore_mem>>) src(%dma_wait3A_85 : memref<10000x128xf32, #tpu.memory_space<hbm>>) dst(%arg15 : memref<80x128xf32, #tpu.memory_space<vmem>>)
      "tpu.region"() ({
        %run_scoped3A = tpu.sem_alloc : memref<!tpu.dma_semaphore, #tpu.memory_space<semaphore_mem>>
        %dma_start3A_86 = arith.constant 0 : i32
        %dma_start3A_87 = arith.constant 0 : i32
        %dma_start3A_88 = tpu.memref_slice %arg17[%dma_start3A_86, %dma_start3A_87] : memref<10016x128xf32, #tpu.memory_space<vmem_shared>> -> memref<10016x128xf32, #tpu.memory_space<vmem_shared>>
        tpu.enqueue_indirect_dma source(%arg15 : memref<80x128xf32, #tpu.memory_space<vmem>>) target(%dma_start3A_88 : memref<10016x128xf32, #tpu.memory_space<vmem_shared>>) offsets(%arg12 : memref<80xi32, #tpu.memory_space<vmem>>) semaphore(%run_scoped3A : memref<!tpu.dma_semaphore, #tpu.memory_space<semaphore_mem>>) {add = true}
        %dma_wait3A_89 = arith.constant 0 : i32
        %dma_wait3A_90 = arith.constant 0 : i32
        %dma_wait3A_91 = tpu.memref_slice %arg17[%dma_wait3A_89, %dma_wait3A_90] : memref<10016x128xf32, #tpu.memory_space<vmem_shared>> -> memref<10016x128xf32, #tpu.memory_space<vmem_shared>>
        tpu.wait_indirect_dma semaphore(%run_scoped3A : memref<!tpu.dma_semaphore, #tpu.memory_space<semaphore_mem>>) src(%arg15 : memref<80x128xf32, #tpu.memory_space<vmem>>) dst(%dma_wait3A_91 : memref<10016x128xf32, #tpu.memory_space<vmem_shared>>)
        tpu.yield
      }) : () -> ()
    }
    %scan3A_32 = arith.constant 41 : i32
    %dma_wait3A = arith.constant 0 : i32
    %dma_wait3A_33 = arith.constant 0 : i32
    %dma_wait3A_34 = tpu.memref_slice %arg2[%dma_wait3A, %dma_wait3A_33] : memref<10000x128xf32, #tpu.memory_space<hbm>> -> memref<10000x128xf32, #tpu.memory_space<hbm>>
    tpu.wait_indirect_dma semaphore(%arg18 : memref<!tpu.dma_semaphore, #tpu.memory_space<semaphore_mem>>) src(%dma_wait3A_34 : memref<10000x128xf32, #tpu.memory_space<hbm>>) dst(%arg13 : memref<80x128xf32, #tpu.memory_space<vmem>>)
    "tpu.region"() ({
      %run_scoped3A = tpu.sem_alloc : memref<!tpu.dma_semaphore, #tpu.memory_space<semaphore_mem>>
      %dma_start3A_49 = arith.constant 0 : i32
      %dma_start3A_50 = arith.constant 0 : i32
      %dma_start3A_51 = tpu.memref_slice %arg17[%dma_start3A_49, %dma_start3A_50] : memref<10016x128xf32, #tpu.memory_space<vmem_shared>> -> memref<10016x128xf32, #tpu.memory_space<vmem_shared>>
      tpu.enqueue_indirect_dma source(%arg13 : memref<80x128xf32, #tpu.memory_space<vmem>>) target(%dma_start3A_51 : memref<10016x128xf32, #tpu.memory_space<vmem_shared>>) offsets(%arg8 : memref<80xi32, #tpu.memory_space<vmem>>) semaphore(%run_scoped3A : memref<!tpu.dma_semaphore, #tpu.memory_space<semaphore_mem>>) {add = true}
      %dma_wait3A_52 = arith.constant 0 : i32
      %dma_wait3A_53 = arith.constant 0 : i32
      %dma_wait3A_54 = tpu.memref_slice %arg17[%dma_wait3A_52, %dma_wait3A_53] : memref<10016x128xf32, #tpu.memory_space<vmem_shared>> -> memref<10016x128xf32, #tpu.memory_space<vmem_shared>>
      tpu.wait_indirect_dma semaphore(%run_scoped3A : memref<!tpu.dma_semaphore, #tpu.memory_space<semaphore_mem>>) src(%arg13 : memref<80x128xf32, #tpu.memory_space<vmem>>) dst(%dma_wait3A_54 : memref<10016x128xf32, #tpu.memory_space<vmem_shared>>)
      tpu.yield
    }) : () -> ()
    %dma_wait3A_35 = arith.constant 0 : i32
    %dma_wait3A_36 = arith.constant 0 : i32
    %dma_wait3A_37 = tpu.memref_slice %arg2[%dma_wait3A_35, %dma_wait3A_36] : memref<10000x128xf32, #tpu.memory_space<hbm>> -> memref<10000x128xf32, #tpu.memory_space<hbm>>
    tpu.wait_indirect_dma semaphore(%arg19 : memref<!tpu.dma_semaphore, #tpu.memory_space<semaphore_mem>>) src(%dma_wait3A_37 : memref<10000x128xf32, #tpu.memory_space<hbm>>) dst(%arg14 : memref<80x128xf32, #tpu.memory_space<vmem>>)
    "tpu.region"() ({
      %run_scoped3A = tpu.sem_alloc : memref<!tpu.dma_semaphore, #tpu.memory_space<semaphore_mem>>
      %dma_start3A_49 = arith.constant 0 : i32
      %dma_start3A_50 = arith.constant 0 : i32
      %dma_start3A_51 = tpu.memref_slice %arg17[%dma_start3A_49, %dma_start3A_50] : memref<10016x128xf32, #tpu.memory_space<vmem_shared>> -> memref<10016x128xf32, #tpu.memory_space<vmem_shared>>
      tpu.enqueue_indirect_dma source(%arg14 : memref<80x128xf32, #tpu.memory_space<vmem>>) target(%dma_start3A_51 : memref<10016x128xf32, #tpu.memory_space<vmem_shared>>) offsets(%arg10 : memref<80xi32, #tpu.memory_space<vmem>>) semaphore(%run_scoped3A : memref<!tpu.dma_semaphore, #tpu.memory_space<semaphore_mem>>) {add = true}
      %dma_wait3A_52 = arith.constant 0 : i32
      %dma_wait3A_53 = arith.constant 0 : i32
      %dma_wait3A_54 = tpu.memref_slice %arg17[%dma_wait3A_52, %dma_wait3A_53] : memref<10016x128xf32, #tpu.memory_space<vmem_shared>> -> memref<10016x128xf32, #tpu.memory_space<vmem_shared>>
      tpu.wait_indirect_dma semaphore(%run_scoped3A : memref<!tpu.dma_semaphore, #tpu.memory_space<semaphore_mem>>) src(%arg14 : memref<80x128xf32, #tpu.memory_space<vmem>>) dst(%dma_wait3A_54 : memref<10016x128xf32, #tpu.memory_space<vmem_shared>>)
      tpu.yield
    }) : () -> ()
    %barrier3A_38 = arith.constant 0 : index
    tpu.barrier barrier_id(%barrier3A_38)
    %eq3A_39 = arith.constant 0 : i32
    %eq3A_40 = arith.cmpi eq, %arg0, %eq3A_39 : i32
    %convert_element_type3A_41 = arith.extui %eq3A_40 : i1 to i32
    %cond3A_42 = arith.constant 0 : i32
    %cond3A_43 = arith.cmpi ne, %convert_element_type3A_41, %cond3A_42 : i32
    scf.if %cond3A_43 {
      "tpu.region"() ({
        %run_scoped3A = tpu.sem_alloc : memref<!tpu.dma_semaphore, #tpu.memory_space<semaphore_mem>>
        %dma_start3A_54 = arith.constant 0 : i32
        %dma_start3A_55 = tpu.memref_slice %arg5[%mul3A_2, %dma_start3A_54] : memref<10000x128xf32, #tpu.memory_space<hbm>> -> memref<624x128xf32, #tpu.memory_space<hbm>>
        %dma_start3A_56 = arith.constant 0 : i32
        %dma_start3A_57 = tpu.memref_slice %arg17[%mul3A_2, %dma_start3A_56] : memref<10016x128xf32, #tpu.memory_space<vmem_shared>> -> memref<624x128xf32, #tpu.memory_space<vmem_shared>>
        tpu.enqueue_dma source(%dma_start3A_57 : memref<624x128xf32, #tpu.memory_space<vmem_shared>>) target(%dma_start3A_55 : memref<624x128xf32, #tpu.memory_space<hbm>>) target_semaphore(%run_scoped3A : memref<!tpu.dma_semaphore, #tpu.memory_space<semaphore_mem>>)
        %dma_wait3A_58 = arith.constant 0 : i32
        %dma_wait3A_59 = tpu.memref_slice %arg5[%mul3A_2, %dma_wait3A_58] : memref<10000x128xf32, #tpu.memory_space<hbm>> -> memref<624x128xf32, #tpu.memory_space<hbm>>
        %dma_wait3A_60 = arith.constant 0 : i32
        %dma_wait3A_61 = tpu.memref_slice %arg17[%mul3A_2, %dma_wait3A_60] : memref<10016x128xf32, #tpu.memory_space<vmem_shared>> -> memref<624x128xf32, #tpu.memory_space<vmem_shared>>
        tpu.wait_dma2 semaphore(%run_scoped3A : memref<!tpu.dma_semaphore, #tpu.memory_space<semaphore_mem>>) src(%dma_wait3A_61 : memref<624x128xf32, #tpu.memory_space<vmem_shared>>) dst(%dma_wait3A_59 : memref<624x128xf32, #tpu.memory_space<hbm>>)
        tpu.yield
      }) : () -> ()
      %eq3A_49 = arith.constant 15 : i32
      %eq3A_50 = arith.cmpi eq, %arg1, %eq3A_49 : i32
      %convert_element_type3A_51 = arith.extui %eq3A_50 : i1 to i32
      %cond3A_52 = arith.constant 0 : i32
      %cond3A_53 = arith.cmpi ne, %convert_element_type3A_51, %cond3A_52 : i32
      scf.if %cond3A_53 {
        "tpu.region"() ({
          %run_scoped3A = tpu.sem_alloc : memref<!tpu.dma_semaphore, #tpu.memory_space<semaphore_mem>>
          %dma_start3A_54 = arith.constant 9984 : i32
          %dma_start3A_55 = arith.constant 0 : i32
          %dma_start3A_56 = tpu.memref_slice %arg5[%dma_start3A_54, %dma_start3A_55] : memref<10000x128xf32, #tpu.memory_space<hbm>> -> memref<16x128xf32, #tpu.memory_space<hbm>>
          %dma_start3A_57 = arith.constant 9984 : i32
          %dma_start3A_58 = arith.constant 0 : i32
          %dma_start3A_59 = tpu.memref_slice %arg17[%dma_start3A_57, %dma_start3A_58] : memref<10016x128xf32, #tpu.memory_space<vmem_shared>> -> memref<16x128xf32, #tpu.memory_space<vmem_shared>>
          tpu.enqueue_dma source(%dma_start3A_59 : memref<16x128xf32, #tpu.memory_space<vmem_shared>>) target(%dma_start3A_56 : memref<16x128xf32, #tpu.memory_space<hbm>>) target_semaphore(%run_scoped3A : memref<!tpu.dma_semaphore, #tpu.memory_space<semaphore_mem>>)
          %dma_wait3A_60 = arith.constant 9984 : i32
          %dma_wait3A_61 = arith.constant 0 : i32
          %dma_wait3A_62 = tpu.memref_slice %arg5[%dma_wait3A_60, %dma_wait3A_61] : memref<10000x128xf32, #tpu.memory_space<hbm>> -> memref<16x128xf32, #tpu.memory_space<hbm>>
          %dma_wait3A_63 = arith.constant 9984 : i32
          %dma_wait3A_64 = arith.constant 0 : i32
          %dma_wait3A_65 = tpu.memref_slice %arg17[%dma_wait3A_63, %dma_wait3A_64] : memref<10016x128xf32, #tpu.memory_space<vmem_shared>> -> memref<16x128xf32, #tpu.memory_space<vmem_shared>>
          tpu.wait_dma2 semaphore(%run_scoped3A : memref<!tpu.dma_semaphore, #tpu.memory_space<semaphore_mem>>) src(%dma_wait3A_65 : memref<16x128xf32, #tpu.memory_space<vmem_shared>>) dst(%dma_wait3A_62 : memref<16x128xf32, #tpu.memory_space<hbm>>)
          tpu.yield
        }) : () -> ()
      } else {
      }
    } else {
    }
    %eq3A_44 = arith.constant 1 : i32
    %eq3A_45 = arith.cmpi eq, %arg0, %eq3A_44 : i32
    %convert_element_type3A_46 = arith.extui %eq3A_45 : i1 to i32
    %cond3A_47 = arith.constant 0 : i32
    %cond3A_48 = arith.cmpi ne, %convert_element_type3A_46, %cond3A_47 : i32
    scf.if %cond3A_48 {
      "tpu.region"() ({
        %run_scoped3A = tpu.sem_alloc : memref<!tpu.dma_semaphore, #tpu.memory_space<semaphore_mem>>
        %dma_start3A_54 = arith.constant 0 : i32
        %dma_start3A_55 = tpu.memref_slice %arg6[%mul3A_2, %dma_start3A_54] : memref<10000x128xf32, #tpu.memory_space<hbm>> -> memref<624x128xf32, #tpu.memory_space<hbm>>
        %dma_start3A_56 = arith.constant 0 : i32
        %dma_start3A_57 = tpu.memref_slice %arg17[%mul3A_2, %dma_start3A_56] : memref<10016x128xf32, #tpu.memory_space<vmem_shared>> -> memref<624x128xf32, #tpu.memory_space<vmem_shared>>
        tpu.enqueue_dma source(%dma_start3A_57 : memref<624x128xf32, #tpu.memory_space<vmem_shared>>) target(%dma_start3A_55 : memref<624x128xf32, #tpu.memory_space<hbm>>) target_semaphore(%run_scoped3A : memref<!tpu.dma_semaphore, #tpu.memory_space<semaphore_mem>>)
        %dma_wait3A_58 = arith.constant 0 : i32
        %dma_wait3A_59 = tpu.memref_slice %arg6[%mul3A_2, %dma_wait3A_58] : memref<10000x128xf32, #tpu.memory_space<hbm>> -> memref<624x128xf32, #tpu.memory_space<hbm>>
        %dma_wait3A_60 = arith.constant 0 : i32
        %dma_wait3A_61 = tpu.memref_slice %arg17[%mul3A_2, %dma_wait3A_60] : memref<10016x128xf32, #tpu.memory_space<vmem_shared>> -> memref<624x128xf32, #tpu.memory_space<vmem_shared>>
        tpu.wait_dma2 semaphore(%run_scoped3A : memref<!tpu.dma_semaphore, #tpu.memory_space<semaphore_mem>>) src(%dma_wait3A_61 : memref<624x128xf32, #tpu.memory_space<vmem_shared>>) dst(%dma_wait3A_59 : memref<624x128xf32, #tpu.memory_space<hbm>>)
        tpu.yield
      }) : () -> ()
      %eq3A_49 = arith.constant 15 : i32
      %eq3A_50 = arith.cmpi eq, %arg1, %eq3A_49 : i32
      %convert_element_type3A_51 = arith.extui %eq3A_50 : i1 to i32
      %cond3A_52 = arith.constant 0 : i32
      %cond3A_53 = arith.cmpi ne, %convert_element_type3A_51, %cond3A_52 : i32
      scf.if %cond3A_53 {
        "tpu.region"() ({
          %run_scoped3A = tpu.sem_alloc : memref<!tpu.dma_semaphore, #tpu.memory_space<semaphore_mem>>
          %dma_start3A_54 = arith.constant 9984 : i32
          %dma_start3A_55 = arith.constant 0 : i32
          %dma_start3A_56 = tpu.memref_slice %arg6[%dma_start3A_54, %dma_start3A_55] : memref<10000x128xf32, #tpu.memory_space<hbm>> -> memref<16x128xf32, #tpu.memory_space<hbm>>
          %dma_start3A_57 = arith.constant 9984 : i32
          %dma_start3A_58 = arith.constant 0 : i32
          %dma_start3A_59 = tpu.memref_slice %arg17[%dma_start3A_57, %dma_start3A_58] : memref<10016x128xf32, #tpu.memory_space<vmem_shared>> -> memref<16x128xf32, #tpu.memory_space<vmem_shared>>
          tpu.enqueue_dma source(%dma_start3A_59 : memref<16x128xf32, #tpu.memory_space<vmem_shared>>) target(%dma_start3A_56 : memref<16x128xf32, #tpu.memory_space<hbm>>) target_semaphore(%run_scoped3A : memref<!tpu.dma_semaphore, #tpu.memory_space<semaphore_mem>>)
          %dma_wait3A_60 = arith.constant 9984 : i32
          %dma_wait3A_61 = arith.constant 0 : i32
          %dma_wait3A_62 = tpu.memref_slice %arg6[%dma_wait3A_60, %dma_wait3A_61] : memref<10000x128xf32, #tpu.memory_space<hbm>> -> memref<16x128xf32, #tpu.memory_space<hbm>>
          %dma_wait3A_63 = arith.constant 9984 : i32
          %dma_wait3A_64 = arith.constant 0 : i32
          %dma_wait3A_65 = tpu.memref_slice %arg17[%dma_wait3A_63, %dma_wait3A_64] : memref<10016x128xf32, #tpu.memory_space<vmem_shared>> -> memref<16x128xf32, #tpu.memory_space<vmem_shared>>
          tpu.wait_dma2 semaphore(%run_scoped3A : memref<!tpu.dma_semaphore, #tpu.memory_space<semaphore_mem>>) src(%dma_wait3A_65 : memref<16x128xf32, #tpu.memory_space<vmem_shared>>) dst(%dma_wait3A_62 : memref<16x128xf32, #tpu.memory_space<hbm>>)
          tpu.yield
        }) : () -> ()
      } else {
      }
    } else {
    }
    return
  }
}

#map = affine_map<(d0, d1) -> (0, 0, 0)>
module attributes {stable_mosaic.version = 14 : i64} {
  func.func @body(%arg0: i32, %arg1: i32, %arg2: memref<32x125x80xi32, #tpu.memory_space<hbm>>, %arg3: memref<32x1x10016xf32, #tpu.memory_space<hbm>>, %arg4: memref<125x80xi32, #tpu.memory_space<vmem>>, %arg5: memref<1x10016xf32, #tpu.memory_space<vmem>>) attributes {dimension_semantics = [#tpu.dimension_semantics<core_parallel>, #tpu.dimension_semantics<subcore_parallel>], iteration_bounds = array<i64: 2, 16>, scalar_prefetch = 0 : i64, scratch_operands = 2 : i64, tpu.core_type = #tpu.core_type<sc_vector_subcore>, window_params = [{transform_indices = #map}, {transform_indices = #map}]} {
    %mul3A = arith.constant 2 : i32
    %mul3A_0 = arith.muli %arg1, %mul3A : i32
    %add3A = arith.addi %mul3A_0, %arg0 : i32
    %broadcast_in_dim3A = arith.constant 0.000000e+00 : f32
    %broadcast_in_dim3A_1 = vector.broadcast %broadcast_in_dim3A : f32 to vector<16xf32>
    %broadcast_in_dim3A_2 = arith.constant 1.000000e+00 : f32
    %broadcast_in_dim3A_3 = vector.broadcast %broadcast_in_dim3A_2 : f32 to vector<16xf32>
    %broadcast_in_dim3A_4 = arith.constant 0 : i32
    %broadcast_in_dim3A_5 = vector.broadcast %broadcast_in_dim3A_4 : i32 to vector<16xi32>
    %scan3A = arith.constant 0 : i32
    %scan3A_6 = arith.constant 626 : i32
    %scan3A_7 = arith.addi %scan3A, %scan3A_6 : i32
    %scan3A_8 = arith.constant 1 : i32
    scf.for %scan3A_15 = %scan3A to %scan3A_7 step %scan3A_8  : i32 {
      %mul3A_16 = arith.constant 1 : i32
      %mul3A_17 = arith.muli %scan3A_15, %mul3A_16 : i32
      %add3A_18 = arith.constant 0 : i32
      %add3A_19 = arith.addi %add3A_18, %mul3A_17 : i32
      %mul3A_20 = arith.constant 16 : i32
      %mul3A_21 = arith.muli %add3A_19, %mul3A_20 : i32
      %swap3A = arith.constant 0 : i32
      %swap3A_22 = arith.index_cast %swap3A : i32 to index
      %swap3A_23 = arith.index_cast %mul3A_21 : i32 to index
      %swap3A_24 = tpu.vector_load %arg5[%swap3A_22, %swap3A_23] {strides = array<i32>} : memref<1x10016xf32, #tpu.memory_space<vmem>>, vector<16xf32>,
      tpu.vector_store %arg5[%swap3A_22, %swap3A_23], %broadcast_in_dim3A_1 {strides = array<i32>} : memref<1x10016xf32, #tpu.memory_space<vmem>>, vector<16xf32>,
    }
    %scan3A_9 = arith.constant 626 : i32
    "tpu.region"() ({
      %run_scoped3A = tpu.sem_alloc : memref<!tpu.dma_semaphore, #tpu.memory_space<semaphore_mem>>
      %dma_start3A = arith.constant 0 : i32
      %dma_start3A_15 = arith.constant 0 : i32
      %dma_start3A_16 = tpu.memref_slice %arg2[%add3A, %dma_start3A, %dma_start3A_15] : memref<32x125x80xi32, #tpu.memory_space<hbm>> -> memref<1x125x80xi32, #tpu.memory_space<hbm>>
      %dma_start3A_17 = tpu.memref_squeeze %dma_start3A_16 : memref<1x125x80xi32, #tpu.memory_space<hbm>> -> memref<125x80xi32, #tpu.memory_space<hbm>>
      %dma_start3A_18 = arith.constant 0 : i32
      %dma_start3A_19 = arith.constant 0 : i32
      %dma_start3A_20 = tpu.memref_slice %arg2[%add3A, %dma_start3A_18, %dma_start3A_19] : memref<32x125x80xi32, #tpu.memory_space<hbm>> -> memref<1x125x80xi32, #tpu.memory_space<hbm>>
      %dma_start3A_21 = tpu.memref_squeeze %dma_start3A_20 : memref<1x125x80xi32, #tpu.memory_space<hbm>> -> memref<125x80xi32, #tpu.memory_space<hbm>>
      tpu.enqueue_dma source(%dma_start3A_21 : memref<125x80xi32, #tpu.memory_space<hbm>>) target(%arg4 : memref<125x80xi32, #tpu.memory_space<vmem>>) target_semaphore(%run_scoped3A : memref<!tpu.dma_semaphore, #tpu.memory_space<semaphore_mem>>)
      %dma_wait3A = arith.constant 0 : i32
      %dma_wait3A_22 = arith.constant 0 : i32
      %dma_wait3A_23 = tpu.memref_slice %arg2[%add3A, %dma_wait3A, %dma_wait3A_22] : memref<32x125x80xi32, #tpu.memory_space<hbm>> -> memref<1x125x80xi32, #tpu.memory_space<hbm>>
      %dma_wait3A_24 = tpu.memref_squeeze %dma_wait3A_23 : memref<1x125x80xi32, #tpu.memory_space<hbm>> -> memref<125x80xi32, #tpu.memory_space<hbm>>
      %dma_wait3A_25 = arith.constant 0 : i32
      %dma_wait3A_26 = arith.constant 0 : i32
      %dma_wait3A_27 = tpu.memref_slice %arg2[%add3A, %dma_wait3A_25, %dma_wait3A_26] : memref<32x125x80xi32, #tpu.memory_space<hbm>> -> memref<1x125x80xi32, #tpu.memory_space<hbm>>
      %dma_wait3A_28 = tpu.memref_squeeze %dma_wait3A_27 : memref<1x125x80xi32, #tpu.memory_space<hbm>> -> memref<125x80xi32, #tpu.memory_space<hbm>>
      tpu.wait_dma2 semaphore(%run_scoped3A : memref<!tpu.dma_semaphore, #tpu.memory_space<semaphore_mem>>) src(%dma_wait3A_28 : memref<125x80xi32, #tpu.memory_space<hbm>>) dst(%arg4 : memref<125x80xi32, #tpu.memory_space<vmem>>)
      tpu.yield
    }) : () -> ()
    %scan3A_10 = arith.constant 0 : i32
    %scan3A_11 = arith.constant 125 : i32
    %scan3A_12 = arith.addi %scan3A_10, %scan3A_11 : i32
    %scan3A_13 = arith.constant 1 : i32
    scf.for %scan3A_15 = %scan3A_10 to %scan3A_12 step %scan3A_13  : i32 {
      %mul3A_16 = arith.constant 1 : i32
      %mul3A_17 = arith.muli %scan3A_15, %mul3A_16 : i32
      %add3A_18 = arith.constant 0 : i32
      %add3A_19 = arith.addi %add3A_18, %mul3A_17 : i32
      %get3A = arith.index_cast %add3A_19 : i32 to index
      %get3A_20 = arith.constant 0 : index
      %get3A_21 = tpu.vector_load %arg4[%get3A, %get3A_20] {strides = array<i32>} : memref<125x80xi32, #tpu.memory_space<vmem>>, vector<16xi32>,
      tpu.vector_store_idx %arg5[%broadcast_in_dim3A_5, %get3A_21], %broadcast_in_dim3A_3 {add = true} : memref<1x10016xf32, #tpu.memory_space<vmem>>[vector<16xi32>, vector<16xi32>], vector<16xf32>,
      %get3A_22 = arith.index_cast %add3A_19 : i32 to index
      %get3A_23 = arith.constant 16 : index
      %get3A_24 = tpu.vector_load %arg4[%get3A_22, %get3A_23] {strides = array<i32>} : memref<125x80xi32, #tpu.memory_space<vmem>>, vector<16xi32>,
      tpu.vector_store_idx %arg5[%broadcast_in_dim3A_5, %get3A_24], %broadcast_in_dim3A_3 {add = true} : memref<1x10016xf32, #tpu.memory_space<vmem>>[vector<16xi32>, vector<16xi32>], vector<16xf32>,
      %get3A_25 = arith.index_cast %add3A_19 : i32 to index
      %get3A_26 = arith.constant 32 : index
      %get3A_27 = tpu.vector_load %arg4[%get3A_25, %get3A_26] {strides = array<i32>} : memref<125x80xi32, #tpu.memory_space<vmem>>, vector<16xi32>,
      tpu.vector_store_idx %arg5[%broadcast_in_dim3A_5, %get3A_27], %broadcast_in_dim3A_3 {add = true} : memref<1x10016xf32, #tpu.memory_space<vmem>>[vector<16xi32>, vector<16xi32>], vector<16xf32>,
      %get3A_28 = arith.index_cast %add3A_19 : i32 to index
      %get3A_29 = arith.constant 48 : index
      %get3A_30 = tpu.vector_load %arg4[%get3A_28, %get3A_29] {strides = array<i32>} : memref<125x80xi32, #tpu.memory_space<vmem>>, vector<16xi32>,
      tpu.vector_store_idx %arg5[%broadcast_in_dim3A_5, %get3A_30], %broadcast_in_dim3A_3 {add = true} : memref<1x10016xf32, #tpu.memory_space<vmem>>[vector<16xi32>, vector<16xi32>], vector<16xf32>,
      %get3A_31 = arith.index_cast %add3A_19 : i32 to index
      %get3A_32 = arith.constant 64 : index
      %get3A_33 = tpu.vector_load %arg4[%get3A_31, %get3A_32] {strides = array<i32>} : memref<125x80xi32, #tpu.memory_space<vmem>>, vector<16xi32>,
      tpu.vector_store_idx %arg5[%broadcast_in_dim3A_5, %get3A_33], %broadcast_in_dim3A_3 {add = true} : memref<1x10016xf32, #tpu.memory_space<vmem>>[vector<16xi32>, vector<16xi32>], vector<16xf32>,
    }
    %scan3A_14 = arith.constant 125 : i32
    "tpu.region"() ({
      %run_scoped3A = tpu.sem_alloc : memref<!tpu.dma_semaphore, #tpu.memory_space<semaphore_mem>>
      %dma_start3A = arith.constant 0 : i32
      %dma_start3A_15 = arith.constant 0 : i32
      %dma_start3A_16 = tpu.memref_slice %arg3[%add3A, %dma_start3A, %dma_start3A_15] : memref<32x1x10016xf32, #tpu.memory_space<hbm>> -> memref<1x1x10016xf32, #tpu.memory_space<hbm>>
      %dma_start3A_17 = tpu.memref_squeeze %dma_start3A_16 : memref<1x1x10016xf32, #tpu.memory_space<hbm>> -> memref<1x10016xf32, #tpu.memory_space<hbm>>
      %dma_start3A_18 = arith.constant 0 : i32
      %dma_start3A_19 = arith.constant 0 : i32
      %dma_start3A_20 = tpu.memref_slice %arg3[%add3A, %dma_start3A_18, %dma_start3A_19] : memref<32x1x10016xf32, #tpu.memory_space<hbm>> -> memref<1x1x10016xf32, #tpu.memory_space<hbm>>
      %dma_start3A_21 = tpu.memref_squeeze %dma_start3A_20 : memref<1x1x10016xf32, #tpu.memory_space<hbm>> -> memref<1x10016xf32, #tpu.memory_space<hbm>>
      tpu.enqueue_dma source(%arg5 : memref<1x10016xf32, #tpu.memory_space<vmem>>) target(%dma_start3A_21 : memref<1x10016xf32, #tpu.memory_space<hbm>>) target_semaphore(%run_scoped3A : memref<!tpu.dma_semaphore, #tpu.memory_space<semaphore_mem>>)
      %dma_wait3A = arith.constant 0 : i32
      %dma_wait3A_22 = arith.constant 0 : i32
      %dma_wait3A_23 = tpu.memref_slice %arg3[%add3A, %dma_wait3A, %dma_wait3A_22] : memref<32x1x10016xf32, #tpu.memory_space<hbm>> -> memref<1x1x10016xf32, #tpu.memory_space<hbm>>
      %dma_wait3A_24 = tpu.memref_squeeze %dma_wait3A_23 : memref<1x1x10016xf32, #tpu.memory_space<hbm>> -> memref<1x10016xf32, #tpu.memory_space<hbm>>
      %dma_wait3A_25 = arith.constant 0 : i32
      %dma_wait3A_26 = arith.constant 0 : i32
      %dma_wait3A_27 = tpu.memref_slice %arg3[%add3A, %dma_wait3A_25, %dma_wait3A_26] : memref<32x1x10016xf32, #tpu.memory_space<hbm>> -> memref<1x1x10016xf32, #tpu.memory_space<hbm>>
      %dma_wait3A_28 = tpu.memref_squeeze %dma_wait3A_27 : memref<1x1x10016xf32, #tpu.memory_space<hbm>> -> memref<1x10016xf32, #tpu.memory_space<hbm>>
      tpu.wait_dma2 semaphore(%run_scoped3A : memref<!tpu.dma_semaphore, #tpu.memory_space<semaphore_mem>>) src(%arg5 : memref<1x10016xf32, #tpu.memory_space<vmem>>) dst(%dma_wait3A_28 : memref<1x10016xf32, #tpu.memory_space<hbm>>)
      tpu.yield
    }) : () -> ()
    return
  }
}

#map = affine_map<(d0, d1) -> (0, 0)>
#map1 = affine_map<(d0, d1) -> (0)>
module attributes {stable_mosaic.version = 14 : i64} {
  func.func @body(%arg0: i32, %arg1: i32, %arg2: memref<10000x128xf32, #tpu.memory_space<hbm>>, %arg3: memref<320000xi32, #tpu.memory_space<hbm>>, %arg4: memref<320000xi32, #tpu.memory_space<hbm>>, %arg5: memref<10000x128xf32, #tpu.memory_space<hbm>>, %arg6: memref<10000x128xf32, #tpu.memory_space<hbm>>, %arg7: memref<80xi32, #tpu.memory_space<vmem>>, %arg8: memref<80xi32, #tpu.memory_space<vmem>>, %arg9: memref<80xi32, #tpu.memory_space<vmem>>, %arg10: memref<80xi32, #tpu.memory_space<vmem>>, %arg11: memref<80xi32, #tpu.memory_space<vmem>>, %arg12: memref<80xi32, #tpu.memory_space<vmem>>, %arg13: memref<80x128xf32, #tpu.memory_space<vmem>>, %arg14: memref<80x128xf32, #tpu.memory_space<vmem>>, %arg15: memref<80x128xf32, #tpu.memory_space<vmem>>, %arg16: memref<16x128xf32, #tpu.memory_space<vmem>>, %arg17: memref<10016x128xf32, #tpu.memory_space<vmem_shared>>, %arg18: memref<!tpu.dma_semaphore, #tpu.memory_space<semaphore_mem>>, %arg19: memref<!tpu.dma_semaphore, #tpu.memory_space<semaphore_mem>>, %arg20: memref<!tpu.dma_semaphore, #tpu.memory_space<semaphore_mem>>) attributes {dimension_semantics = [#tpu.dimension_semantics<core_parallel>, #tpu.dimension_semantics<subcore_parallel>], iteration_bounds = array<i64: 2, 16>, scalar_prefetch = 0 : i64, scratch_operands = 14 : i64, tpu.core_type = #tpu.core_type<sc_vector_subcore>, window_params = [{transform_indices = #map}, {transform_indices = #map1}, {transform_indices = #map1}, {transform_indices = #map}, {transform_indices = #map}]} {
    %mul3A = arith.constant 2 : i32
    %mul3A_0 = arith.muli %arg1, %mul3A : i32
    %add3A = arith.addi %mul3A_0, %arg0 : i32
    %mul3A_1 = arith.constant 624 : i32
    %mul3A_2 = arith.muli %arg1, %mul3A_1 : i32
    %broadcast_in_dim3A = arith.constant 0.000000e+00 : f32
    %broadcast_in_dim3A_3 = vector.broadcast %broadcast_in_dim3A : f32 to vector<16xf32>
    %scan3A = arith.constant 0 : i32
    %scan3A_4 = arith.constant 16 : i32
    %scan3A_5 = arith.addi %scan3A, %scan3A_4 : i32
    %scan3A_6 = arith.constant 1 : i32
    scf.for %scan3A_49 = %scan3A to %scan3A_5 step %scan3A_6  : i32 {
      %mul3A_50 = arith.constant 1 : i32
      %mul3A_51 = arith.muli %scan3A_49, %mul3A_50 : i32
      %add3A_52 = arith.constant 0 : i32
      %add3A_53 = arith.addi %add3A_52, %mul3A_51 : i32
      %swap3A = arith.index_cast %add3A_53 : i32 to index
      %swap3A_54 = arith.constant 0 : index
      %swap3A_55 = tpu.vector_load %arg16[%swap3A, %swap3A_54] {strides = array<i32>} : memref<16x128xf32, #tpu.memory_space<vmem>>, vector<1x16xf32>,
      %swap3A_56 = vector.shape_cast %swap3A_55 : vector<1x16xf32> to vector<16xf32>
      %swap3A_57 = vector.shape_cast %broadcast_in_dim3A_3 : vector<16xf32> to vector<1x16xf32>
      tpu.vector_store %arg16[%swap3A, %swap3A_54], %swap3A_57 {strides = array<i32>} : memref<16x128xf32, #tpu.memory_space<vmem>>, vector<1x16xf32>,
      %swap3A_58 = arith.index_cast %add3A_53 : i32 to index
      %swap3A_59 = arith.constant 16 : index
      %swap3A_60 = tpu.vector_load %arg16[%swap3A_58, %swap3A_59] {strides = array<i32>} : memref<16x128xf32, #tpu.memory_space<vmem>>, vector<1x16xf32>,
      %swap3A_61 = vector.shape_cast %swap3A_60 : vector<1x16xf32> to vector<16xf32>
      %swap3A_62 = vector.shape_cast %broadcast_in_dim3A_3 : vector<16xf32> to vector<1x16xf32>
      tpu.vector_store %arg16[%swap3A_58, %swap3A_59], %swap3A_62 {strides = array<i32>} : memref<16x128xf32, #tpu.memory_space<vmem>>, vector<1x16xf32>,
      %swap3A_63 = arith.index_cast %add3A_53 : i32 to index
      %swap3A_64 = arith.constant 32 : index
      %swap3A_65 = tpu.vector_load %arg16[%swap3A_63, %swap3A_64] {strides = array<i32>} : memref<16x128xf32, #tpu.memory_space<vmem>>, vector<1x16xf32>,
      %swap3A_66 = vector.shape_cast %swap3A_65 : vector<1x16xf32> to vector<16xf32>
      %swap3A_67 = vector.shape_cast %broadcast_in_dim3A_3 : vector<16xf32> to vector<1x16xf32>
      tpu.vector_store %arg16[%swap3A_63, %swap3A_64], %swap3A_67 {strides = array<i32>} : memref<16x128xf32, #tpu.memory_space<vmem>>, vector<1x16xf32>,
      %swap3A_68 = arith.index_cast %add3A_53 : i32 to index
      %swap3A_69 = arith.constant 48 : index
      %swap3A_70 = tpu.vector_load %arg16[%swap3A_68, %swap3A_69] {strides = array<i32>} : memref<16x128xf32, #tpu.memory_space<vmem>>, vector<1x16xf32>,
      %swap3A_71 = vector.shape_cast %swap3A_70 : vector<1x16xf32> to vector<16xf32>
      %swap3A_72 = vector.shape_cast %broadcast_in_dim3A_3 : vector<16xf32> to vector<1x16xf32>
      tpu.vector_store %arg16[%swap3A_68, %swap3A_69], %swap3A_72 {strides = array<i32>} : memref<16x128xf32, #tpu.memory_space<vmem>>, vector<1x16xf32>,
      %swap3A_73 = arith.index_cast %add3A_53 : i32 to index
      %swap3A_74 = arith.constant 64 : index
      %swap3A_75 = tpu.vector_load %arg16[%swap3A_73, %swap3A_74] {strides = array<i32>} : memref<16x128xf32, #tpu.memory_space<vmem>>, vector<1x16xf32>,
      %swap3A_76 = vector.shape_cast %swap3A_75 : vector<1x16xf32> to vector<16xf32>
      %swap3A_77 = vector.shape_cast %broadcast_in_dim3A_3 : vector<16xf32> to vector<1x16xf32>
      tpu.vector_store %arg16[%swap3A_73, %swap3A_74], %swap3A_77 {strides = array<i32>} : memref<16x128xf32, #tpu.memory_space<vmem>>, vector<1x16xf32>,
      %swap3A_78 = arith.index_cast %add3A_53 : i32 to index
      %swap3A_79 = arith.constant 80 : index
      %swap3A_80 = tpu.vector_load %arg16[%swap3A_78, %swap3A_79] {strides = array<i32>} : memref<16x128xf32, #tpu.memory_space<vmem>>, vector<1x16xf32>,
      %swap3A_81 = vector.shape_cast %swap3A_80 : vector<1x16xf32> to vector<16xf32>
      %swap3A_82 = vector.shape_cast %broadcast_in_dim3A_3 : vector<16xf32> to vector<1x16xf32>
      tpu.vector_store %arg16[%swap3A_78, %swap3A_79], %swap3A_82 {strides = array<i32>} : memref<16x128xf32, #tpu.memory_space<vmem>>, vector<1x16xf32>,
      %swap3A_83 = arith.index_cast %add3A_53 : i32 to index
      %swap3A_84 = arith.constant 96 : index
      %swap3A_85 = tpu.vector_load %arg16[%swap3A_83, %swap3A_84] {strides = array<i32>} : memref<16x128xf32, #tpu.memory_space<vmem>>, vector<1x16xf32>,
      %swap3A_86 = vector.shape_cast %swap3A_85 : vector<1x16xf32> to vector<16xf32>
      %swap3A_87 = vector.shape_cast %broadcast_in_dim3A_3 : vector<16xf32> to vector<1x16xf32>
      tpu.vector_store %arg16[%swap3A_83, %swap3A_84], %swap3A_87 {strides = array<i32>} : memref<16x128xf32, #tpu.memory_space<vmem>>, vector<1x16xf32>,
      %swap3A_88 = arith.index_cast %add3A_53 : i32 to index
      %swap3A_89 = arith.constant 112 : index
      %swap3A_90 = tpu.vector_load %arg16[%swap3A_88, %swap3A_89] {strides = array<i32>} : memref<16x128xf32, #tpu.memory_space<vmem>>, vector<1x16xf32>,
      %swap3A_91 = vector.shape_cast %swap3A_90 : vector<1x16xf32> to vector<16xf32>
      %swap3A_92 = vector.shape_cast %broadcast_in_dim3A_3 : vector<16xf32> to vector<1x16xf32>
      tpu.vector_store %arg16[%swap3A_88, %swap3A_89], %swap3A_92 {strides = array<i32>} : memref<16x128xf32, #tpu.memory_space<vmem>>, vector<1x16xf32>,
    }
    %scan3A_7 = arith.constant 16 : i32
    %scan3A_8 = arith.constant 0 : i32
    %scan3A_9 = arith.constant 39 : i32
    %scan3A_10 = arith.addi %scan3A_8, %scan3A_9 : i32
    %scan3A_11 = arith.constant 1 : i32
    scf.for %scan3A_49 = %scan3A_8 to %scan3A_10 step %scan3A_11  : i32 {
      %mul3A_50 = arith.constant 1 : i32
      %mul3A_51 = arith.muli %scan3A_49, %mul3A_50 : i32
      %add3A_52 = arith.constant 0 : i32
      %add3A_53 = arith.addi %add3A_52, %mul3A_51 : i32
      %mul3A_54 = arith.constant 16 : i32
      %mul3A_55 = arith.muli %add3A_53, %mul3A_54 : i32
      %add3A_56 = arith.addi %mul3A_2, %mul3A_55 : i32
      "tpu.region"() ({
        %run_scoped3A = tpu.sem_alloc : memref<!tpu.dma_semaphore, #tpu.memory_space<semaphore_mem>>
        %dma_start3A_57 = arith.constant 0 : i32
        %dma_start3A_58 = tpu.memref_slice %arg17[%add3A_56, %dma_start3A_57] : memref<10016x128xf32, #tpu.memory_space<vmem_shared>> -> memref<16x128xf32, #tpu.memory_space<vmem_shared>>
        %dma_start3A_59 = arith.constant 0 : i32
        %dma_start3A_60 = tpu.memref_slice %arg17[%add3A_56, %dma_start3A_59] : memref<10016x128xf32, #tpu.memory_space<vmem_shared>> -> memref<16x128xf32, #tpu.memory_space<vmem_shared>>
        tpu.enqueue_dma source(%arg16 : memref<16x128xf32, #tpu.memory_space<vmem>>) target(%dma_start3A_60 : memref<16x128xf32, #tpu.memory_space<vmem_shared>>) target_semaphore(%run_scoped3A : memref<!tpu.dma_semaphore, #tpu.memory_space<semaphore_mem>>)
        %dma_wait3A_61 = arith.constant 0 : i32
        %dma_wait3A_62 = tpu.memref_slice %arg17[%add3A_56, %dma_wait3A_61] : memref<10016x128xf32, #tpu.memory_space<vmem_shared>> -> memref<16x128xf32, #tpu.memory_space<vmem_shared>>
        %dma_wait3A_63 = arith.constant 0 : i32
        %dma_wait3A_64 = tpu.memref_slice %arg17[%add3A_56, %dma_wait3A_63] : memref<10016x128xf32, #tpu.memory_space<vmem_shared>> -> memref<16x128xf32, #tpu.memory_space<vmem_shared>>
        tpu.wait_dma2 semaphore(%run_scoped3A : memref<!tpu.dma_semaphore, #tpu.memory_space<semaphore_mem>>) src(%arg16 : memref<16x128xf32, #tpu.memory_space<vmem>>) dst(%dma_wait3A_64 : memref<16x128xf32, #tpu.memory_space<vmem_shared>>)
        tpu.yield
      }) : () -> ()
    }
    %scan3A_12 = arith.constant 39 : i32
    %eq3A = arith.constant 15 : i32
    %eq3A_13 = arith.cmpi eq, %arg1, %eq3A : i32
    %convert_element_type3A = arith.extui %eq3A_13 : i1 to i32
    %cond3A = arith.constant 0 : i32
    %cond3A_14 = arith.cmpi ne, %convert_element_type3A, %cond3A : i32
    scf.if %cond3A_14 {
      "tpu.region"() ({
        %run_scoped3A = tpu.sem_alloc : memref<!tpu.dma_semaphore, #tpu.memory_space<semaphore_mem>>
        %dma_start3A_49 = arith.constant 9984 : i32
        %dma_start3A_50 = arith.constant 0 : i32
        %dma_start3A_51 = tpu.memref_slice %arg17[%dma_start3A_49, %dma_start3A_50] : memref<10016x128xf32, #tpu.memory_space<vmem_shared>> -> memref<16x128xf32, #tpu.memory_space<vmem_shared>>
        %dma_start3A_52 = arith.constant 9984 : i32
        %dma_start3A_53 = arith.constant 0 : i32
        %dma_start3A_54 = tpu.memref_slice %arg17[%dma_start3A_52, %dma_start3A_53] : memref<10016x128xf32, #tpu.memory_space<vmem_shared>> -> memref<16x128xf32, #tpu.memory_space<vmem_shared>>
        tpu.enqueue_dma source(%arg16 : memref<16x128xf32, #tpu.memory_space<vmem>>) target(%dma_start3A_54 : memref<16x128xf32, #tpu.memory_space<vmem_shared>>) target_semaphore(%run_scoped3A : memref<!tpu.dma_semaphore, #tpu.memory_space<semaphore_mem>>)
        %dma_wait3A_55 = arith.constant 9984 : i32
        %dma_wait3A_56 = arith.constant 0 : i32
        %dma_wait3A_57 = tpu.memref_slice %arg17[%dma_wait3A_55, %dma_wait3A_56] : memref<10016x128xf32, #tpu.memory_space<vmem_shared>> -> memref<16x128xf32, #tpu.memory_space<vmem_shared>>
        %dma_wait3A_58 = arith.constant 9984 : i32
        %dma_wait3A_59 = arith.constant 0 : i32
        %dma_wait3A_60 = tpu.memref_slice %arg17[%dma_wait3A_58, %dma_wait3A_59] : memref<10016x128xf32, #tpu.memory_space<vmem_shared>> -> memref<16x128xf32, #tpu.memory_space<vmem_shared>>
        tpu.wait_dma2 semaphore(%run_scoped3A : memref<!tpu.dma_semaphore, #tpu.memory_space<semaphore_mem>>) src(%arg16 : memref<16x128xf32, #tpu.memory_space<vmem>>) dst(%dma_wait3A_60 : memref<16x128xf32, #tpu.memory_space<vmem_shared>>)
        tpu.yield
      }) : () -> ()
      "tpu.region"() ({
        %run_scoped3A = tpu.sem_alloc : memref<!tpu.dma_semaphore, #tpu.memory_space<semaphore_mem>>
        %dma_start3A_49 = arith.constant 10000 : i32
        %dma_start3A_50 = arith.constant 0 : i32
        %dma_start3A_51 = tpu.memref_slice %arg17[%dma_start3A_49, %dma_start3A_50] : memref<10016x128xf32, #tpu.memory_space<vmem_shared>> -> memref<16x128xf32, #tpu.memory_space<vmem_shared>>
        %dma_start3A_52 = arith.constant 10000 : i32
        %dma_start3A_53 = arith.constant 0 : i32
        %dma_start3A_54 = tpu.memref_slice %arg17[%dma_start3A_52, %dma_start3A_53] : memref<10016x128xf32, #tpu.memory_space<vmem_shared>> -> memref<16x128xf32, #tpu.memory_space<vmem_shared>>
        tpu.enqueue_dma source(%arg16 : memref<16x128xf32, #tpu.memory_space<vmem>>) target(%dma_start3A_54 : memref<16x128xf32, #tpu.memory_space<vmem_shared>>) target_semaphore(%run_scoped3A : memref<!tpu.dma_semaphore, #tpu.memory_space<semaphore_mem>>)
        %dma_wait3A_55 = arith.constant 10000 : i32
        %dma_wait3A_56 = arith.constant 0 : i32
        %dma_wait3A_57 = tpu.memref_slice %arg17[%dma_wait3A_55, %dma_wait3A_56] : memref<10016x128xf32, #tpu.memory_space<vmem_shared>> -> memref<16x128xf32, #tpu.memory_space<vmem_shared>>
        %dma_wait3A_58 = arith.constant 10000 : i32
        %dma_wait3A_59 = arith.constant 0 : i32
        %dma_wait3A_60 = tpu.memref_slice %arg17[%dma_wait3A_58, %dma_wait3A_59] : memref<10016x128xf32, #tpu.memory_space<vmem_shared>> -> memref<16x128xf32, #tpu.memory_space<vmem_shared>>
        tpu.wait_dma2 semaphore(%run_scoped3A : memref<!tpu.dma_semaphore, #tpu.memory_space<semaphore_mem>>) src(%arg16 : memref<16x128xf32, #tpu.memory_space<vmem>>) dst(%dma_wait3A_60 : memref<16x128xf32, #tpu.memory_space<vmem_shared>>)
        tpu.yield
      }) : () -> ()
    } else {
    }
    %barrier3A = arith.constant 0 : index
    tpu.barrier barrier_id(%barrier3A)
    %mul3A_15 = arith.constant 125 : i32
    %mul3A_16 = arith.muli %add3A, %mul3A_15 : i32
    %mul3A_17 = arith.constant 80 : i32
    %mul3A_18 = arith.muli %mul3A_16, %mul3A_17 : i32
    %add3A_19 = arith.constant 0 : i32
    %add3A_20 = arith.addi %mul3A_18, %add3A_19 : i32
    "tpu.region"() ({
      %run_scoped3A = tpu.sem_alloc : memref<!tpu.dma_semaphore, #tpu.memory_space<semaphore_mem>>
      %dma_start3A_49 = tpu.memref_slice %arg3[%add3A_20] : memref<320000xi32, #tpu.memory_space<hbm>> -> memref<80xi32, #tpu.memory_space<hbm>>
      %dma_start3A_50 = tpu.memref_slice %arg3[%add3A_20] : memref<320000xi32, #tpu.memory_space<hbm>> -> memref<80xi32, #tpu.memory_space<hbm>>
      tpu.enqueue_dma source(%dma_start3A_50 : memref<80xi32, #tpu.memory_space<hbm>>) target(%arg7 : memref<80xi32, #tpu.memory_space<vmem>>) target_semaphore(%run_scoped3A : memref<!tpu.dma_semaphore, #tpu.memory_space<semaphore_mem>>)
      %dma_wait3A_51 = tpu.memref_slice %arg3[%add3A_20] : memref<320000xi32, #tpu.memory_space<hbm>> -> memref<80xi32, #tpu.memory_space<hbm>>
      %dma_wait3A_52 = tpu.memref_slice %arg3[%add3A_20] : memref<320000xi32, #tpu.memory_space<hbm>> -> memref<80xi32, #tpu.memory_space<hbm>>
      tpu.wait_dma2 semaphore(%run_scoped3A : memref<!tpu.dma_semaphore, #tpu.memory_space<semaphore_mem>>) src(%dma_wait3A_52 : memref<80xi32, #tpu.memory_space<hbm>>) dst(%arg7 : memref<80xi32, #tpu.memory_space<vmem>>)
      tpu.yield
    }) : () -> ()
    "tpu.region"() ({
      %run_scoped3A = tpu.sem_alloc : memref<!tpu.dma_semaphore, #tpu.memory_space<semaphore_mem>>
      %dma_start3A_49 = tpu.memref_slice %arg4[%add3A_20] : memref<320000xi32, #tpu.memory_space<hbm>> -> memref<80xi32, #tpu.memory_space<hbm>>
      %dma_start3A_50 = tpu.memref_slice %arg4[%add3A_20] : memref<320000xi32, #tpu.memory_space<hbm>> -> memref<80xi32, #tpu.memory_space<hbm>>
      tpu.enqueue_dma source(%dma_start3A_50 : memref<80xi32, #tpu.memory_space<hbm>>) target(%arg8 : memref<80xi32, #tpu.memory_space<vmem>>) target_semaphore(%run_scoped3A : memref<!tpu.dma_semaphore, #tpu.memory_space<semaphore_mem>>)
      %dma_wait3A_51 = tpu.memref_slice %arg4[%add3A_20] : memref<320000xi32, #tpu.memory_space<hbm>> -> memref<80xi32, #tpu.memory_space<hbm>>
      %dma_wait3A_52 = tpu.memref_slice %arg4[%add3A_20] : memref<320000xi32, #tpu.memory_space<hbm>> -> memref<80xi32, #tpu.memory_space<hbm>>
      tpu.wait_dma2 semaphore(%run_scoped3A : memref<!tpu.dma_semaphore, #tpu.memory_space<semaphore_mem>>) src(%dma_wait3A_52 : memref<80xi32, #tpu.memory_space<hbm>>) dst(%arg8 : memref<80xi32, #tpu.memory_space<vmem>>)
      tpu.yield
    }) : () -> ()
    %dma_start3A = arith.constant 0 : i32
    %dma_start3A_21 = arith.constant 0 : i32
    %dma_start3A_22 = tpu.memref_slice %arg2[%dma_start3A, %dma_start3A_21] : memref<10000x128xf32, #tpu.memory_space<hbm>> -> memref<10000x128xf32, #tpu.memory_space<hbm>>
    tpu.enqueue_indirect_dma source(%dma_start3A_22 : memref<10000x128xf32, #tpu.memory_space<hbm>>) target(%arg13 : memref<80x128xf32, #tpu.memory_space<vmem>>) offsets(%arg7 : memref<80xi32, #tpu.memory_space<vmem>>) semaphore(%arg18 : memref<!tpu.dma_semaphore, #tpu.memory_space<semaphore_mem>>)
    %add3A_23 = arith.constant 80 : i32
    %add3A_24 = arith.addi %mul3A_18, %add3A_23 : i32
    "tpu.region"() ({
      %run_scoped3A = tpu.sem_alloc : memref<!tpu.dma_semaphore, #tpu.memory_space<semaphore_mem>>
      %dma_start3A_49 = tpu.memref_slice %arg3[%add3A_24] : memref<320000xi32, #tpu.memory_space<hbm>> -> memref<80xi32, #tpu.memory_space<hbm>>
      %dma_start3A_50 = tpu.memref_slice %arg3[%add3A_24] : memref<320000xi32, #tpu.memory_space<hbm>> -> memref<80xi32, #tpu.memory_space<hbm>>
      tpu.enqueue_dma source(%dma_start3A_50 : memref<80xi32, #tpu.memory_space<hbm>>) target(%arg9 : memref<80xi32, #tpu.memory_space<vmem>>) target_semaphore(%run_scoped3A : memref<!tpu.dma_semaphore, #tpu.memory_space<semaphore_mem>>)
      %dma_wait3A_51 = tpu.memref_slice %arg3[%add3A_24] : memref<320000xi32, #tpu.memory_space<hbm>> -> memref<80xi32, #tpu.memory_space<hbm>>
      %dma_wait3A_52 = tpu.memref_slice %arg3[%add3A_24] : memref<320000xi32, #tpu.memory_space<hbm>> -> memref<80xi32, #tpu.memory_space<hbm>>
      tpu.wait_dma2 semaphore(%run_scoped3A : memref<!tpu.dma_semaphore, #tpu.memory_space<semaphore_mem>>) src(%dma_wait3A_52 : memref<80xi32, #tpu.memory_space<hbm>>) dst(%arg9 : memref<80xi32, #tpu.memory_space<vmem>>)
      tpu.yield
    }) : () -> ()
    "tpu.region"() ({
      %run_scoped3A = tpu.sem_alloc : memref<!tpu.dma_semaphore, #tpu.memory_space<semaphore_mem>>
      %dma_start3A_49 = tpu.memref_slice %arg4[%add3A_24] : memref<320000xi32, #tpu.memory_space<hbm>> -> memref<80xi32, #tpu.memory_space<hbm>>
      %dma_start3A_50 = tpu.memref_slice %arg4[%add3A_24] : memref<320000xi32, #tpu.memory_space<hbm>> -> memref<80xi32, #tpu.memory_space<hbm>>
      tpu.enqueue_dma source(%dma_start3A_50 : memref<80xi32, #tpu.memory_space<hbm>>) target(%arg10 : memref<80xi32, #tpu.memory_space<vmem>>) target_semaphore(%run_scoped3A : memref<!tpu.dma_semaphore, #tpu.memory_space<semaphore_mem>>)
      %dma_wait3A_51 = tpu.memref_slice %arg4[%add3A_24] : memref<320000xi32, #tpu.memory_space<hbm>> -> memref<80xi32, #tpu.memory_space<hbm>>
      %dma_wait3A_52 = tpu.memref_slice %arg4[%add3A_24] : memref<320000xi32, #tpu.memory_space<hbm>> -> memref<80xi32, #tpu.memory_space<hbm>>
      tpu.wait_dma2 semaphore(%run_scoped3A : memref<!tpu.dma_semaphore, #tpu.memory_space<semaphore_mem>>) src(%dma_wait3A_52 : memref<80xi32, #tpu.memory_space<hbm>>) dst(%arg10 : memref<80xi32, #tpu.memory_space<vmem>>)
      tpu.yield
    }) : () -> ()
    %dma_start3A_25 = arith.constant 0 : i32
    %dma_start3A_26 = arith.constant 0 : i32
    %dma_start3A_27 = tpu.memref_slice %arg2[%dma_start3A_25, %dma_start3A_26] : memref<10000x128xf32, #tpu.memory_space<hbm>> -> memref<10000x128xf32, #tpu.memory_space<hbm>>
    tpu.enqueue_indirect_dma source(%dma_start3A_27 : memref<10000x128xf32, #tpu.memory_space<hbm>>) target(%arg14 : memref<80x128xf32, #tpu.memory_space<vmem>>) offsets(%arg9 : memref<80xi32, #tpu.memory_space<vmem>>) semaphore(%arg19 : memref<!tpu.dma_semaphore, #tpu.memory_space<semaphore_mem>>)
    %scan3A_28 = arith.constant 0 : i32
    %scan3A_29 = arith.constant 41 : i32
    %scan3A_30 = arith.addi %scan3A_28, %scan3A_29 : i32
    %scan3A_31 = arith.constant 1 : i32
    scf.for %scan3A_49 = %scan3A_28 to %scan3A_30 step %scan3A_31  : i32 {
      %mul3A_50 = arith.constant 1 : i32
      %mul3A_51 = arith.muli %scan3A_49, %mul3A_50 : i32
      %add3A_52 = arith.constant 0 : i32
      %add3A_53 = arith.addi %add3A_52, %mul3A_51 : i32
      %mul3A_54 = arith.constant 3 : i32
      %mul3A_55 = arith.muli %mul3A_54, %add3A_53 : i32
      %add3A_56 = arith.constant 2 : i32
      %add3A_57 = arith.addi %mul3A_55, %add3A_56 : i32
      %mul3A_58 = arith.constant 80 : i32
      %mul3A_59 = arith.muli %add3A_57, %mul3A_58 : i32
      %add3A_60 = arith.addi %mul3A_18, %mul3A_59 : i32
      "tpu.region"() ({
        %run_scoped3A = tpu.sem_alloc : memref<!tpu.dma_semaphore, #tpu.memory_space<semaphore_mem>>
        %dma_start3A_86 = tpu.memref_slice %arg3[%add3A_60] : memref<320000xi32, #tpu.memory_space<hbm>> -> memref<80xi32, #tpu.memory_space<hbm>>
        %dma_start3A_87 = tpu.memref_slice %arg3[%add3A_60] : memref<320000xi32, #tpu.memory_space<hbm>> -> memref<80xi32, #tpu.memory_space<hbm>>
        tpu.enqueue_dma source(%dma_start3A_87 : memref<80xi32, #tpu.memory_space<hbm>>) target(%arg11 : memref<80xi32, #tpu.memory_space<vmem>>) target_semaphore(%run_scoped3A : memref<!tpu.dma_semaphore, #tpu.memory_space<semaphore_mem>>)
        %dma_wait3A_88 = tpu.memref_slice %arg3[%add3A_60] : memref<320000xi32, #tpu.memory_space<hbm>> -> memref<80xi32, #tpu.memory_space<hbm>>
        %dma_wait3A_89 = tpu.memref_slice %arg3[%add3A_60] : memref<320000xi32, #tpu.memory_space<hbm>> -> memref<80xi32, #tpu.memory_space<hbm>>
        tpu.wait_dma2 semaphore(%run_scoped3A : memref<!tpu.dma_semaphore, #tpu.memory_space<semaphore_mem>>) src(%dma_wait3A_89 : memref<80xi32, #tpu.memory_space<hbm>>) dst(%arg11 : memref<80xi32, #tpu.memory_space<vmem>>)
        tpu.yield
      }) : () -> ()
      "tpu.region"() ({
        %run_scoped3A = tpu.sem_alloc : memref<!tpu.dma_semaphore, #tpu.memory_space<semaphore_mem>>
        %dma_start3A_86 = tpu.memref_slice %arg4[%add3A_60] : memref<320000xi32, #tpu.memory_space<hbm>> -> memref<80xi32, #tpu.memory_space<hbm>>
        %dma_start3A_87 = tpu.memref_slice %arg4[%add3A_60] : memref<320000xi32, #tpu.memory_space<hbm>> -> memref<80xi32, #tpu.memory_space<hbm>>
        tpu.enqueue_dma source(%dma_start3A_87 : memref<80xi32, #tpu.memory_space<hbm>>) target(%arg12 : memref<80xi32, #tpu.memory_space<vmem>>) target_semaphore(%run_scoped3A : memref<!tpu.dma_semaphore, #tpu.memory_space<semaphore_mem>>)
        %dma_wait3A_88 = tpu.memref_slice %arg4[%add3A_60] : memref<320000xi32, #tpu.memory_space<hbm>> -> memref<80xi32, #tpu.memory_space<hbm>>
        %dma_wait3A_89 = tpu.memref_slice %arg4[%add3A_60] : memref<320000xi32, #tpu.memory_space<hbm>> -> memref<80xi32, #tpu.memory_space<hbm>>
        tpu.wait_dma2 semaphore(%run_scoped3A : memref<!tpu.dma_semaphore, #tpu.memory_space<semaphore_mem>>) src(%dma_wait3A_89 : memref<80xi32, #tpu.memory_space<hbm>>) dst(%arg12 : memref<80xi32, #tpu.memory_space<vmem>>)
        tpu.yield
      }) : () -> ()
      %dma_start3A_61 = arith.constant 0 : i32
      %dma_start3A_62 = arith.constant 0 : i32
      %dma_start3A_63 = tpu.memref_slice %arg2[%dma_start3A_61, %dma_start3A_62] : memref<10000x128xf32, #tpu.memory_space<hbm>> -> memref<10000x128xf32, #tpu.memory_space<hbm>>
      tpu.enqueue_indirect_dma source(%dma_start3A_63 : memref<10000x128xf32, #tpu.memory_space<hbm>>) target(%arg15 : memref<80x128xf32, #tpu.memory_space<vmem>>) offsets(%arg11 : memref<80xi32, #tpu.memory_space<vmem>>) semaphore(%arg20 : memref<!tpu.dma_semaphore, #tpu.memory_space<semaphore_mem>>)
      %dma_wait3A_64 = arith.constant 0 : i32
      %dma_wait3A_65 = arith.constant 0 : i32
      %dma_wait3A_66 = tpu.memref_slice %arg2[%dma_wait3A_64, %dma_wait3A_65] : memref<10000x128xf32, #tpu.memory_space<hbm>> -> memref<10000x128xf32, #tpu.memory_space<hbm>>
      tpu.wait_indirect_dma semaphore(%arg18 : memref<!tpu.dma_semaphore, #tpu.memory_space<semaphore_mem>>) src(%dma_wait3A_66 : memref<10000x128xf32, #tpu.memory_space<hbm>>) dst(%arg13 : memref<80x128xf32, #tpu.memory_space<vmem>>)
      "tpu.region"() ({
        %run_scoped3A = tpu.sem_alloc : memref<!tpu.dma_semaphore, #tpu.memory_space<semaphore_mem>>
        %dma_start3A_86 = arith.constant 0 : i32
        %dma_start3A_87 = arith.constant 0 : i32
        %dma_start3A_88 = tpu.memref_slice %arg17[%dma_start3A_86, %dma_start3A_87] : memref<10016x128xf32, #tpu.memory_space<vmem_shared>> -> memref<10016x128xf32, #tpu.memory_space<vmem_shared>>
        tpu.enqueue_indirect_dma source(%arg13 : memref<80x128xf32, #tpu.memory_space<vmem>>) target(%dma_start3A_88 : memref<10016x128xf32, #tpu.memory_space<vmem_shared>>) offsets(%arg8 : memref<80xi32, #tpu.memory_space<vmem>>) semaphore(%run_scoped3A : memref<!tpu.dma_semaphore, #tpu.memory_space<semaphore_mem>>) {add = true}
        %dma_wait3A_89 = arith.constant 0 : i32
        %dma_wait3A_90 = arith.constant 0 : i32
        %dma_wait3A_91 = tpu.memref_slice %arg17[%dma_wait3A_89, %dma_wait3A_90] : memref<10016x128xf32, #tpu.memory_space<vmem_shared>> -> memref<10016x128xf32, #tpu.memory_space<vmem_shared>>
        tpu.wait_indirect_dma semaphore(%run_scoped3A : memref<!tpu.dma_semaphore, #tpu.memory_space<semaphore_mem>>) src(%arg13 : memref<80x128xf32, #tpu.memory_space<vmem>>) dst(%dma_wait3A_91 : memref<10016x128xf32, #tpu.memory_space<vmem_shared>>)
        tpu.yield
      }) : () -> ()
      %add3A_67 = arith.constant 3 : i32
      %add3A_68 = arith.addi %mul3A_55, %add3A_67 : i32
      %lt3A = arith.constant 125 : i32
      %lt3A_69 = arith.cmpi slt, %add3A_68, %lt3A : i32
      %convert_element_type3A_70 = arith.extui %lt3A_69 : i1 to i32
      %cond3A_71 = arith.constant 0 : i32
      %cond3A_72 = arith.cmpi ne, %convert_element_type3A_70, %cond3A_71 : i32
      scf.if %cond3A_72 {
        %add3A_86 = arith.constant 3 : i32
        %add3A_87 = arith.addi %mul3A_55, %add3A_86 : i32
        %mul3A_88 = arith.constant 80 : i32
        %mul3A_89 = arith.muli %add3A_87, %mul3A_88 : i32
        %add3A_90 = arith.addi %mul3A_18, %mul3A_89 : i32
        "tpu.region"() ({
          %run_scoped3A = tpu.sem_alloc : memref<!tpu.dma_semaphore, #tpu.memory_space<semaphore_mem>>
          %dma_start3A_94 = tpu.memref_slice %arg3[%add3A_90] : memref<320000xi32, #tpu.memory_space<hbm>> -> memref<80xi32, #tpu.memory_space<hbm>>
          %dma_start3A_95 = tpu.memref_slice %arg3[%add3A_90] : memref<320000xi32, #tpu.memory_space<hbm>> -> memref<80xi32, #tpu.memory_space<hbm>>
          tpu.enqueue_dma source(%dma_start3A_95 : memref<80xi32, #tpu.memory_space<hbm>>) target(%arg7 : memref<80xi32, #tpu.memory_space<vmem>>) target_semaphore(%run_scoped3A : memref<!tpu.dma_semaphore, #tpu.memory_space<semaphore_mem>>)
          %dma_wait3A_96 = tpu.memref_slice %arg3[%add3A_90] : memref<320000xi32, #tpu.memory_space<hbm>> -> memref<80xi32, #tpu.memory_space<hbm>>
          %dma_wait3A_97 = tpu.memref_slice %arg3[%add3A_90] : memref<320000xi32, #tpu.memory_space<hbm>> -> memref<80xi32, #tpu.memory_space<hbm>>
          tpu.wait_dma2 semaphore(%run_scoped3A : memref<!tpu.dma_semaphore, #tpu.memory_space<semaphore_mem>>) src(%dma_wait3A_97 : memref<80xi32, #tpu.memory_space<hbm>>) dst(%arg7 : memref<80xi32, #tpu.memory_space<vmem>>)
          tpu.yield
        }) : () -> ()
        "tpu.region"() ({
          %run_scoped3A = tpu.sem_alloc : memref<!tpu.dma_semaphore, #tpu.memory_space<semaphore_mem>>
          %dma_start3A_94 = tpu.memref_slice %arg4[%add3A_90] : memref<320000xi32, #tpu.memory_space<hbm>> -> memref<80xi32, #tpu.memory_space<hbm>>
          %dma_start3A_95 = tpu.memref_slice %arg4[%add3A_90] : memref<320000xi32, #tpu.memory_space<hbm>> -> memref<80xi32, #tpu.memory_space<hbm>>
          tpu.enqueue_dma source(%dma_start3A_95 : memref<80xi32, #tpu.memory_space<hbm>>) target(%arg8 : memref<80xi32, #tpu.memory_space<vmem>>) target_semaphore(%run_scoped3A : memref<!tpu.dma_semaphore, #tpu.memory_space<semaphore_mem>>)
          %dma_wait3A_96 = tpu.memref_slice %arg4[%add3A_90] : memref<320000xi32, #tpu.memory_space<hbm>> -> memref<80xi32, #tpu.memory_space<hbm>>
          %dma_wait3A_97 = tpu.memref_slice %arg4[%add3A_90] : memref<320000xi32, #tpu.memory_space<hbm>> -> memref<80xi32, #tpu.memory_space<hbm>>
          tpu.wait_dma2 semaphore(%run_scoped3A : memref<!tpu.dma_semaphore, #tpu.memory_space<semaphore_mem>>) src(%dma_wait3A_97 : memref<80xi32, #tpu.memory_space<hbm>>) dst(%arg8 : memref<80xi32, #tpu.memory_space<vmem>>)
          tpu.yield
        }) : () -> ()
        %dma_start3A_91 = arith.constant 0 : i32
        %dma_start3A_92 = arith.constant 0 : i32
        %dma_start3A_93 = tpu.memref_slice %arg2[%dma_start3A_91, %dma_start3A_92] : memref<10000x128xf32, #tpu.memory_space<hbm>> -> memref<10000x128xf32, #tpu.memory_space<hbm>>
        tpu.enqueue_indirect_dma source(%dma_start3A_93 : memref<10000x128xf32, #tpu.memory_space<hbm>>) target(%arg13 : memref<80x128xf32, #tpu.memory_space<vmem>>) offsets(%arg7 : memref<80xi32, #tpu.memory_space<vmem>>) semaphore(%arg18 : memref<!tpu.dma_semaphore, #tpu.memory_space<semaphore_mem>>)
      } else {
      }
      %dma_wait3A_73 = arith.constant 0 : i32
      %dma_wait3A_74 = arith.constant 0 : i32
      %dma_wait3A_75 = tpu.memref_slice %arg2[%dma_wait3A_73, %dma_wait3A_74] : memref<10000x128xf32, #tpu.memory_space<hbm>> -> memref<10000x128xf32, #tpu.memory_space<hbm>>
      tpu.wait_indirect_dma semaphore(%arg19 : memref<!tpu.dma_semaphore, #tpu.memory_space<semaphore_mem>>) src(%dma_wait3A_75 : memref<10000x128xf32, #tpu.memory_space<hbm>>) dst(%arg14 : memref<80x128xf32, #tpu.memory_space<vmem>>)
      "tpu.region"() ({
        %run_scoped3A = tpu.sem_alloc : memref<!tpu.dma_semaphore, #tpu.memory_space<semaphore_mem>>
        %dma_start3A_86 = arith.constant 0 : i32
        %dma_start3A_87 = arith.constant 0 : i32
        %dma_start3A_88 = tpu.memref_slice %arg17[%dma_start3A_86, %dma_start3A_87] : memref<10016x128xf32, #tpu.memory_space<vmem_shared>> -> memref<10016x128xf32, #tpu.memory_space<vmem_shared>>
        tpu.enqueue_indirect_dma source(%arg14 : memref<80x128xf32, #tpu.memory_space<vmem>>) target(%dma_start3A_88 : memref<10016x128xf32, #tpu.memory_space<vmem_shared>>) offsets(%arg10 : memref<80xi32, #tpu.memory_space<vmem>>) semaphore(%run_scoped3A : memref<!tpu.dma_semaphore, #tpu.memory_space<semaphore_mem>>) {add = true}
        %dma_wait3A_89 = arith.constant 0 : i32
        %dma_wait3A_90 = arith.constant 0 : i32
        %dma_wait3A_91 = tpu.memref_slice %arg17[%dma_wait3A_89, %dma_wait3A_90] : memref<10016x128xf32, #tpu.memory_space<vmem_shared>> -> memref<10016x128xf32, #tpu.memory_space<vmem_shared>>
        tpu.wait_indirect_dma semaphore(%run_scoped3A : memref<!tpu.dma_semaphore, #tpu.memory_space<semaphore_mem>>) src(%arg14 : memref<80x128xf32, #tpu.memory_space<vmem>>) dst(%dma_wait3A_91 : memref<10016x128xf32, #tpu.memory_space<vmem_shared>>)
        tpu.yield
      }) : () -> ()
      %add3A_76 = arith.constant 4 : i32
      %add3A_77 = arith.addi %mul3A_55, %add3A_76 : i32
      %lt3A_78 = arith.constant 125 : i32
      %lt3A_79 = arith.cmpi slt, %add3A_77, %lt3A_78 : i32
      %convert_element_type3A_80 = arith.extui %lt3A_79 : i1 to i32
      %cond3A_81 = arith.constant 0 : i32
      %cond3A_82 = arith.cmpi ne, %convert_element_type3A_80, %cond3A_81 : i32
      scf.if %cond3A_82 {
        %add3A_86 = arith.constant 4 : i32
        %add3A_87 = arith.addi %mul3A_55, %add3A_86 : i32
        %mul3A_88 = arith.constant 80 : i32
        %mul3A_89 = arith.muli %add3A_87, %mul3A_88 : i32
        %add3A_90 = arith.addi %mul3A_18, %mul3A_89 : i32
        "tpu.region"() ({
          %run_scoped3A = tpu.sem_alloc : memref<!tpu.dma_semaphore, #tpu.memory_space<semaphore_mem>>
          %dma_start3A_94 = tpu.memref_slice %arg3[%add3A_90] : memref<320000xi32, #tpu.memory_space<hbm>> -> memref<80xi32, #tpu.memory_space<hbm>>
          %dma_start3A_95 = tpu.memref_slice %arg3[%add3A_90] : memref<320000xi32, #tpu.memory_space<hbm>> -> memref<80xi32, #tpu.memory_space<hbm>>
          tpu.enqueue_dma source(%dma_start3A_95 : memref<80xi32, #tpu.memory_space<hbm>>) target(%arg9 : memref<80xi32, #tpu.memory_space<vmem>>) target_semaphore(%run_scoped3A : memref<!tpu.dma_semaphore, #tpu.memory_space<semaphore_mem>>)
          %dma_wait3A_96 = tpu.memref_slice %arg3[%add3A_90] : memref<320000xi32, #tpu.memory_space<hbm>> -> memref<80xi32, #tpu.memory_space<hbm>>
          %dma_wait3A_97 = tpu.memref_slice %arg3[%add3A_90] : memref<320000xi32, #tpu.memory_space<hbm>> -> memref<80xi32, #tpu.memory_space<hbm>>
          tpu.wait_dma2 semaphore(%run_scoped3A : memref<!tpu.dma_semaphore, #tpu.memory_space<semaphore_mem>>) src(%dma_wait3A_97 : memref<80xi32, #tpu.memory_space<hbm>>) dst(%arg9 : memref<80xi32, #tpu.memory_space<vmem>>)
          tpu.yield
        }) : () -> ()
        "tpu.region"() ({
          %run_scoped3A = tpu.sem_alloc : memref<!tpu.dma_semaphore, #tpu.memory_space<semaphore_mem>>
          %dma_start3A_94 = tpu.memref_slice %arg4[%add3A_90] : memref<320000xi32, #tpu.memory_space<hbm>> -> memref<80xi32, #tpu.memory_space<hbm>>
          %dma_start3A_95 = tpu.memref_slice %arg4[%add3A_90] : memref<320000xi32, #tpu.memory_space<hbm>> -> memref<80xi32, #tpu.memory_space<hbm>>
          tpu.enqueue_dma source(%dma_start3A_95 : memref<80xi32, #tpu.memory_space<hbm>>) target(%arg10 : memref<80xi32, #tpu.memory_space<vmem>>) target_semaphore(%run_scoped3A : memref<!tpu.dma_semaphore, #tpu.memory_space<semaphore_mem>>)
          %dma_wait3A_96 = tpu.memref_slice %arg4[%add3A_90] : memref<320000xi32, #tpu.memory_space<hbm>> -> memref<80xi32, #tpu.memory_space<hbm>>
          %dma_wait3A_97 = tpu.memref_slice %arg4[%add3A_90] : memref<320000xi32, #tpu.memory_space<hbm>> -> memref<80xi32, #tpu.memory_space<hbm>>
          tpu.wait_dma2 semaphore(%run_scoped3A : memref<!tpu.dma_semaphore, #tpu.memory_space<semaphore_mem>>) src(%dma_wait3A_97 : memref<80xi32, #tpu.memory_space<hbm>>) dst(%arg10 : memref<80xi32, #tpu.memory_space<vmem>>)
          tpu.yield
        }) : () -> ()
        %dma_start3A_91 = arith.constant 0 : i32
        %dma_start3A_92 = arith.constant 0 : i32
        %dma_start3A_93 = tpu.memref_slice %arg2[%dma_start3A_91, %dma_start3A_92] : memref<10000x128xf32, #tpu.memory_space<hbm>> -> memref<10000x128xf32, #tpu.memory_space<hbm>>
        tpu.enqueue_indirect_dma source(%dma_start3A_93 : memref<10000x128xf32, #tpu.memory_space<hbm>>) target(%arg14 : memref<80x128xf32, #tpu.memory_space<vmem>>) offsets(%arg9 : memref<80xi32, #tpu.memory_space<vmem>>) semaphore(%arg19 : memref<!tpu.dma_semaphore, #tpu.memory_space<semaphore_mem>>)
      } else {
      }
      %dma_wait3A_83 = arith.constant 0 : i32
      %dma_wait3A_84 = arith.constant 0 : i32
      %dma_wait3A_85 = tpu.memref_slice %arg2[%dma_wait3A_83, %dma_wait3A_84] : memref<10000x128xf32, #tpu.memory_space<hbm>> -> memref<10000x128xf32, #tpu.memory_space<hbm>>
      tpu.wait_indirect_dma semaphore(%arg20 : memref<!tpu.dma_semaphore, #tpu.memory_space<semaphore_mem>>) src(%dma_wait3A_85 : memref<10000x128xf32, #tpu.memory_space<hbm>>) dst(%arg15 : memref<80x128xf32, #tpu.memory_space<vmem>>)
      "tpu.region"() ({
        %run_scoped3A = tpu.sem_alloc : memref<!tpu.dma_semaphore, #tpu.memory_space<semaphore_mem>>
        %dma_start3A_86 = arith.constant 0 : i32
        %dma_start3A_87 = arith.constant 0 : i32
        %dma_start3A_88 = tpu.memref_slice %arg17[%dma_start3A_86, %dma_start3A_87] : memref<10016x128xf32, #tpu.memory_space<vmem_shared>> -> memref<10016x128xf32, #tpu.memory_space<vmem_shared>>
        tpu.enqueue_indirect_dma source(%arg15 : memref<80x128xf32, #tpu.memory_space<vmem>>) target(%dma_start3A_88 : memref<10016x128xf32, #tpu.memory_space<vmem_shared>>) offsets(%arg12 : memref<80xi32, #tpu.memory_space<vmem>>) semaphore(%run_scoped3A : memref<!tpu.dma_semaphore, #tpu.memory_space<semaphore_mem>>) {add = true}
        %dma_wait3A_89 = arith.constant 0 : i32
        %dma_wait3A_90 = arith.constant 0 : i32
        %dma_wait3A_91 = tpu.memref_slice %arg17[%dma_wait3A_89, %dma_wait3A_90] : memref<10016x128xf32, #tpu.memory_space<vmem_shared>> -> memref<10016x128xf32, #tpu.memory_space<vmem_shared>>
        tpu.wait_indirect_dma semaphore(%run_scoped3A : memref<!tpu.dma_semaphore, #tpu.memory_space<semaphore_mem>>) src(%arg15 : memref<80x128xf32, #tpu.memory_space<vmem>>) dst(%dma_wait3A_91 : memref<10016x128xf32, #tpu.memory_space<vmem_shared>>)
        tpu.yield
      }) : () -> ()
    }
    %scan3A_32 = arith.constant 41 : i32
    %dma_wait3A = arith.constant 0 : i32
    %dma_wait3A_33 = arith.constant 0 : i32
    %dma_wait3A_34 = tpu.memref_slice %arg2[%dma_wait3A, %dma_wait3A_33] : memref<10000x128xf32, #tpu.memory_space<hbm>> -> memref<10000x128xf32, #tpu.memory_space<hbm>>
    tpu.wait_indirect_dma semaphore(%arg18 : memref<!tpu.dma_semaphore, #tpu.memory_space<semaphore_mem>>) src(%dma_wait3A_34 : memref<10000x128xf32, #tpu.memory_space<hbm>>) dst(%arg13 : memref<80x128xf32, #tpu.memory_space<vmem>>)
    "tpu.region"() ({
      %run_scoped3A = tpu.sem_alloc : memref<!tpu.dma_semaphore, #tpu.memory_space<semaphore_mem>>
      %dma_start3A_49 = arith.constant 0 : i32
      %dma_start3A_50 = arith.constant 0 : i32
      %dma_start3A_51 = tpu.memref_slice %arg17[%dma_start3A_49, %dma_start3A_50] : memref<10016x128xf32, #tpu.memory_space<vmem_shared>> -> memref<10016x128xf32, #tpu.memory_space<vmem_shared>>
      tpu.enqueue_indirect_dma source(%arg13 : memref<80x128xf32, #tpu.memory_space<vmem>>) target(%dma_start3A_51 : memref<10016x128xf32, #tpu.memory_space<vmem_shared>>) offsets(%arg8 : memref<80xi32, #tpu.memory_space<vmem>>) semaphore(%run_scoped3A : memref<!tpu.dma_semaphore, #tpu.memory_space<semaphore_mem>>) {add = true}
      %dma_wait3A_52 = arith.constant 0 : i32
      %dma_wait3A_53 = arith.constant 0 : i32
      %dma_wait3A_54 = tpu.memref_slice %arg17[%dma_wait3A_52, %dma_wait3A_53] : memref<10016x128xf32, #tpu.memory_space<vmem_shared>> -> memref<10016x128xf32, #tpu.memory_space<vmem_shared>>
      tpu.wait_indirect_dma semaphore(%run_scoped3A : memref<!tpu.dma_semaphore, #tpu.memory_space<semaphore_mem>>) src(%arg13 : memref<80x128xf32, #tpu.memory_space<vmem>>) dst(%dma_wait3A_54 : memref<10016x128xf32, #tpu.memory_space<vmem_shared>>)
      tpu.yield
    }) : () -> ()
    %dma_wait3A_35 = arith.constant 0 : i32
    %dma_wait3A_36 = arith.constant 0 : i32
    %dma_wait3A_37 = tpu.memref_slice %arg2[%dma_wait3A_35, %dma_wait3A_36] : memref<10000x128xf32, #tpu.memory_space<hbm>> -> memref<10000x128xf32, #tpu.memory_space<hbm>>
    tpu.wait_indirect_dma semaphore(%arg19 : memref<!tpu.dma_semaphore, #tpu.memory_space<semaphore_mem>>) src(%dma_wait3A_37 : memref<10000x128xf32, #tpu.memory_space<hbm>>) dst(%arg14 : memref<80x128xf32, #tpu.memory_space<vmem>>)
    "tpu.region"() ({
      %run_scoped3A = tpu.sem_alloc : memref<!tpu.dma_semaphore, #tpu.memory_space<semaphore_mem>>
      %dma_start3A_49 = arith.constant 0 : i32
      %dma_start3A_50 = arith.constant 0 : i32
      %dma_start3A_51 = tpu.memref_slice %arg17[%dma_start3A_49, %dma_start3A_50] : memref<10016x128xf32, #tpu.memory_space<vmem_shared>> -> memref<10016x128xf32, #tpu.memory_space<vmem_shared>>
      tpu.enqueue_indirect_dma source(%arg14 : memref<80x128xf32, #tpu.memory_space<vmem>>) target(%dma_start3A_51 : memref<10016x128xf32, #tpu.memory_space<vmem_shared>>) offsets(%arg10 : memref<80xi32, #tpu.memory_space<vmem>>) semaphore(%run_scoped3A : memref<!tpu.dma_semaphore, #tpu.memory_space<semaphore_mem>>) {add = true}
      %dma_wait3A_52 = arith.constant 0 : i32
      %dma_wait3A_53 = arith.constant 0 : i32
      %dma_wait3A_54 = tpu.memref_slice %arg17[%dma_wait3A_52, %dma_wait3A_53] : memref<10016x128xf32, #tpu.memory_space<vmem_shared>> -> memref<10016x128xf32, #tpu.memory_space<vmem_shared>>
      tpu.wait_indirect_dma semaphore(%run_scoped3A : memref<!tpu.dma_semaphore, #tpu.memory_space<semaphore_mem>>) src(%arg14 : memref<80x128xf32, #tpu.memory_space<vmem>>) dst(%dma_wait3A_54 : memref<10016x128xf32, #tpu.memory_space<vmem_shared>>)
      tpu.yield
    }) : () -> ()
    %barrier3A_38 = arith.constant 0 : index
    tpu.barrier barrier_id(%barrier3A_38)
    %eq3A_39 = arith.constant 0 : i32
    %eq3A_40 = arith.cmpi eq, %arg0, %eq3A_39 : i32
    %convert_element_type3A_41 = arith.extui %eq3A_40 : i1 to i32
    %cond3A_42 = arith.constant 0 : i32
    %cond3A_43 = arith.cmpi ne, %convert_element_type3A_41, %cond3A_42 : i32
    scf.if %cond3A_43 {
      "tpu.region"() ({
        %run_scoped3A = tpu.sem_alloc : memref<!tpu.dma_semaphore, #tpu.memory_space<semaphore_mem>>
        %dma_start3A_54 = arith.constant 0 : i32
        %dma_start3A_55 = tpu.memref_slice %arg5[%mul3A_2, %dma_start3A_54] : memref<10000x128xf32, #tpu.memory_space<hbm>> -> memref<624x128xf32, #tpu.memory_space<hbm>>
        %dma_start3A_56 = arith.constant 0 : i32
        %dma_start3A_57 = tpu.memref_slice %arg17[%mul3A_2, %dma_start3A_56] : memref<10016x128xf32, #tpu.memory_space<vmem_shared>> -> memref<624x128xf32, #tpu.memory_space<vmem_shared>>
        tpu.enqueue_dma source(%dma_start3A_57 : memref<624x128xf32, #tpu.memory_space<vmem_shared>>) target(%dma_start3A_55 : memref<624x128xf32, #tpu.memory_space<hbm>>) target_semaphore(%run_scoped3A : memref<!tpu.dma_semaphore, #tpu.memory_space<semaphore_mem>>)
        %dma_wait3A_58 = arith.constant 0 : i32
        %dma_wait3A_59 = tpu.memref_slice %arg5[%mul3A_2, %dma_wait3A_58] : memref<10000x128xf32, #tpu.memory_space<hbm>> -> memref<624x128xf32, #tpu.memory_space<hbm>>
        %dma_wait3A_60 = arith.constant 0 : i32
        %dma_wait3A_61 = tpu.memref_slice %arg17[%mul3A_2, %dma_wait3A_60] : memref<10016x128xf32, #tpu.memory_space<vmem_shared>> -> memref<624x128xf32, #tpu.memory_space<vmem_shared>>
        tpu.wait_dma2 semaphore(%run_scoped3A : memref<!tpu.dma_semaphore, #tpu.memory_space<semaphore_mem>>) src(%dma_wait3A_61 : memref<624x128xf32, #tpu.memory_space<vmem_shared>>) dst(%dma_wait3A_59 : memref<624x128xf32, #tpu.memory_space<hbm>>)
        tpu.yield
      }) : () -> ()
      %eq3A_49 = arith.constant 15 : i32
      %eq3A_50 = arith.cmpi eq, %arg1, %eq3A_49 : i32
      %convert_element_type3A_51 = arith.extui %eq3A_50 : i1 to i32
      %cond3A_52 = arith.constant 0 : i32
      %cond3A_53 = arith.cmpi ne, %convert_element_type3A_51, %cond3A_52 : i32
      scf.if %cond3A_53 {
        "tpu.region"() ({
          %run_scoped3A = tpu.sem_alloc : memref<!tpu.dma_semaphore, #tpu.memory_space<semaphore_mem>>
          %dma_start3A_54 = arith.constant 9984 : i32
          %dma_start3A_55 = arith.constant 0 : i32
          %dma_start3A_56 = tpu.memref_slice %arg5[%dma_start3A_54, %dma_start3A_55] : memref<10000x128xf32, #tpu.memory_space<hbm>> -> memref<16x128xf32, #tpu.memory_space<hbm>>
          %dma_start3A_57 = arith.constant 9984 : i32
          %dma_start3A_58 = arith.constant 0 : i32
          %dma_start3A_59 = tpu.memref_slice %arg17[%dma_start3A_57, %dma_start3A_58] : memref<10016x128xf32, #tpu.memory_space<vmem_shared>> -> memref<16x128xf32, #tpu.memory_space<vmem_shared>>
          tpu.enqueue_dma source(%dma_start3A_59 : memref<16x128xf32, #tpu.memory_space<vmem_shared>>) target(%dma_start3A_56 : memref<16x128xf32, #tpu.memory_space<hbm>>) target_semaphore(%run_scoped3A : memref<!tpu.dma_semaphore, #tpu.memory_space<semaphore_mem>>)
          %dma_wait3A_60 = arith.constant 9984 : i32
          %dma_wait3A_61 = arith.constant 0 : i32
          %dma_wait3A_62 = tpu.memref_slice %arg5[%dma_wait3A_60, %dma_wait3A_61] : memref<10000x128xf32, #tpu.memory_space<hbm>> -> memref<16x128xf32, #tpu.memory_space<hbm>>
          %dma_wait3A_63 = arith.constant 9984 : i32
          %dma_wait3A_64 = arith.constant 0 : i32
          %dma_wait3A_65 = tpu.memref_slice %arg17[%dma_wait3A_63, %dma_wait3A_64] : memref<10016x128xf32, #tpu.memory_space<vmem_shared>> -> memref<16x128xf32, #tpu.memory_space<vmem_shared>>
          tpu.wait_dma2 semaphore(%run_scoped3A : memref<!tpu.dma_semaphore, #tpu.memory_space<semaphore_mem>>) src(%dma_wait3A_65 : memref<16x128xf32, #tpu.memory_space<vmem_shared>>) dst(%dma_wait3A_62 : memref<16x128xf32, #tpu.memory_space<hbm>>)
          tpu.yield
        }) : () -> ()
      } else {
      }
    } else {
    }
    %eq3A_44 = arith.constant 1 : i32
    %eq3A_45 = arith.cmpi eq, %arg0, %eq3A_44 : i32
    %convert_element_type3A_46 = arith.extui %eq3A_45 : i1 to i32
    %cond3A_47 = arith.constant 0 : i32
    %cond3A_48 = arith.cmpi ne, %convert_element_type3A_46, %cond3A_47 : i32
    scf.if %cond3A_48 {
      "tpu.region"() ({
        %run_scoped3A = tpu.sem_alloc : memref<!tpu.dma_semaphore, #tpu.memory_space<semaphore_mem>>
        %dma_start3A_54 = arith.constant 0 : i32
        %dma_start3A_55 = tpu.memref_slice %arg6[%mul3A_2, %dma_start3A_54] : memref<10000x128xf32, #tpu.memory_space<hbm>> -> memref<624x128xf32, #tpu.memory_space<hbm>>
        %dma_start3A_56 = arith.constant 0 : i32
        %dma_start3A_57 = tpu.memref_slice %arg17[%mul3A_2, %dma_start3A_56] : memref<10016x128xf32, #tpu.memory_space<vmem_shared>> -> memref<624x128xf32, #tpu.memory_space<vmem_shared>>
        tpu.enqueue_dma source(%dma_start3A_57 : memref<624x128xf32, #tpu.memory_space<vmem_shared>>) target(%dma_start3A_55 : memref<624x128xf32, #tpu.memory_space<hbm>>) target_semaphore(%run_scoped3A : memref<!tpu.dma_semaphore, #tpu.memory_space<semaphore_mem>>)
        %dma_wait3A_58 = arith.constant 0 : i32
        %dma_wait3A_59 = tpu.memref_slice %arg6[%mul3A_2, %dma_wait3A_58] : memref<10000x128xf32, #tpu.memory_space<hbm>> -> memref<624x128xf32, #tpu.memory_space<hbm>>
        %dma_wait3A_60 = arith.constant 0 : i32
        %dma_wait3A_61 = tpu.memref_slice %arg17[%mul3A_2, %dma_wait3A_60] : memref<10016x128xf32, #tpu.memory_space<vmem_shared>> -> memref<624x128xf32, #tpu.memory_space<vmem_shared>>
        tpu.wait_dma2 semaphore(%run_scoped3A : memref<!tpu.dma_semaphore, #tpu.memory_space<semaphore_mem>>) src(%dma_wait3A_61 : memref<624x128xf32, #tpu.memory_space<vmem_shared>>) dst(%dma_wait3A_59 : memref<624x128xf32, #tpu.memory_space<hbm>>)
        tpu.yield
      }) : () -> ()
      %eq3A_49 = arith.constant 15 : i32
      %eq3A_50 = arith.cmpi eq, %arg1, %eq3A_49 : i32
      %convert_element_type3A_51 = arith.extui %eq3A_50 : i1 to i32
      %cond3A_52 = arith.constant 0 : i32
      %cond3A_53 = arith.cmpi ne, %convert_element_type3A_51, %cond3A_52 : i32
      scf.if %cond3A_53 {
        "tpu.region"() ({
          %run_scoped3A = tpu.sem_alloc : memref<!tpu.dma_semaphore, #tpu.memory_space<semaphore_mem>>
          %dma_start3A_54 = arith.constant 9984 : i32
          %dma_start3A_55 = arith.constant 0 : i32
          %dma_start3A_56 = tpu.memref_slice %arg6[%dma_start3A_54, %dma_start3A_55] : memref<10000x128xf32, #tpu.memory_space<hbm>> -> memref<16x128xf32, #tpu.memory_space<hbm>>
          %dma_start3A_57 = arith.constant 9984 : i32
          %dma_start3A_58 = arith.constant 0 : i32
          %dma_start3A_59 = tpu.memref_slice %arg17[%dma_start3A_57, %dma_start3A_58] : memref<10016x128xf32, #tpu.memory_space<vmem_shared>> -> memref<16x128xf32, #tpu.memory_space<vmem_shared>>
          tpu.enqueue_dma source(%dma_start3A_59 : memref<16x128xf32, #tpu.memory_space<vmem_shared>>) target(%dma_start3A_56 : memref<16x128xf32, #tpu.memory_space<hbm>>) target_semaphore(%run_scoped3A : memref<!tpu.dma_semaphore, #tpu.memory_space<semaphore_mem>>)
          %dma_wait3A_60 = arith.constant 9984 : i32
          %dma_wait3A_61 = arith.constant 0 : i32
          %dma_wait3A_62 = tpu.memref_slice %arg6[%dma_wait3A_60, %dma_wait3A_61] : memref<10000x128xf32, #tpu.memory_space<hbm>> -> memref<16x128xf32, #tpu.memory_space<hbm>>
          %dma_wait3A_63 = arith.constant 9984 : i32
          %dma_wait3A_64 = arith.constant 0 : i32
          %dma_wait3A_65 = tpu.memref_slice %arg17[%dma_wait3A_63, %dma_wait3A_64] : memref<10016x128xf32, #tpu.memory_space<vmem_shared>> -> memref<16x128xf32, #tpu.memory_space<vmem_shared>>
          tpu.wait_dma2 semaphore(%run_scoped3A : memref<!tpu.dma_semaphore, #tpu.memory_space<semaphore_mem>>) src(%dma_wait3A_65 : memref<16x128xf32, #tpu.memory_space<vmem_shared>>) dst(%dma_wait3A_62 : memref<16x128xf32, #tpu.memory_space<hbm>>)
          tpu.yield
        }) : () -> ()
      } else {
      }
    } else {
    }
    return
  }
}

module attributes {stable_mosaic.version = 14 : i64} {
  func.func @_stage_a(%arg0: i32, %arg1: memref<1000x128xf32, #tpu.memory_space<vmem>>, %arg2: memref<1000x128xf32, #tpu.memory_space<vmem>>, %arg3: memref<128x128xf32, #tpu.memory_space<vmem>>, %arg4: memref<128x128xf32, #tpu.memory_space<vmem>>, %arg5: memref<128x128xf32, #tpu.memory_space<vmem>>, %arg6: memref<1x128xf32, #tpu.memory_space<vmem>>, %arg7: memref<1000x128xf32, #tpu.memory_space<vmem>>, %arg8: memref<1000x128xf32, #tpu.memory_space<vmem>>) attributes {dimension_semantics = [#tpu.dimension_semantics<arbitrary>], iteration_bounds = array<i64: 10>, scalar_prefetch = 0 : i64, scratch_operands = 0 : i64, tpu.core_type = #tpu.core_type<tc>, window_params = [{transform_indices = @transform_0, window_bounds = array<i64: 1000, 128>}, {transform_indices = @transform_1, window_bounds = array<i64: 1000, 128>}, {pipeline_mode = #tpu.pipeline_mode<synchronous>, transform_indices = @transform_2, window_bounds = array<i64: 128, 128>}, {pipeline_mode = #tpu.pipeline_mode<synchronous>, transform_indices = @transform_3, window_bounds = array<i64: 128, 128>}, {pipeline_mode = #tpu.pipeline_mode<synchronous>, transform_indices = @transform_4, window_bounds = array<i64: 128, 128>}, {pipeline_mode = #tpu.pipeline_mode<synchronous>, transform_indices = @transform_5, window_bounds = array<i64: 1, 128>}, {transform_indices = @transform_6, window_bounds = array<i64: 1000, 128>}, {transform_indices = @transform_7, window_bounds = array<i64: 1000, 128>}]} {
    %get3A = arith.constant 0 : index
    %get3A_0 = arith.constant 0 : index
    %get3A_1 = vector.load %arg1[%get3A, %get3A_0] : memref<1000x128xf32, #tpu.memory_space<vmem>>, vector<1000x128xf32>
    %get3A_2 = arith.constant 0 : index
    %get3A_3 = arith.constant 0 : index
    %get3A_4 = vector.load %arg4[%get3A_2, %get3A_3] : memref<128x128xf32, #tpu.memory_space<vmem>>, vector<128x128xf32>
    %dot_general3A = arith.constant dense<0.000000e+00> : vector<1000x128xf32>
    %dot_general3A_5 = tpu.matmul %get3A_1, %get3A_4, %dot_general3A {dimension_numbers = #tpu.dot_dimension_numbers<[1], [0], [0], [1], [0, 0, 1, 1], [], []>, transpose_lhs_hint = false} : vector<1000x128xf32>, vector<128x128xf32>, vector<1000x128xf32> -> vector<1000x128xf32>
    %swap3A = arith.constant 0 : index
    %swap3A_6 = arith.constant 0 : index
    %swap3A_7 = vector.load %arg7[%swap3A, %swap3A_6] : memref<1000x128xf32, #tpu.memory_space<vmem>>, vector<1000x128xf32>
    tpu.vector_store %arg7[%swap3A, %swap3A_6], %dot_general3A_5 {strides = array<i32>} : memref<1000x128xf32, #tpu.memory_space<vmem>>, vector<1000x128xf32>,
    %get3A_8 = arith.constant 0 : index
    %get3A_9 = arith.constant 0 : index
    %get3A_10 = vector.load %arg3[%get3A_8, %get3A_9] : memref<128x128xf32, #tpu.memory_space<vmem>>, vector<128x128xf32>
    %dot_general3A_11 = arith.constant dense<0.000000e+00> : vector<1000x128xf32>
    %dot_general3A_12 = tpu.matmul %get3A_1, %get3A_10, %dot_general3A_11 {dimension_numbers = #tpu.dot_dimension_numbers<[1], [0], [0], [1], [0, 0, 1, 1], [], []>, transpose_lhs_hint = false} : vector<1000x128xf32>, vector<128x128xf32>, vector<1000x128xf32> -> vector<1000x128xf32>
    %get3A_13 = arith.constant 0 : index
    %get3A_14 = arith.constant 0 : index
    %get3A_15 = vector.load %arg2[%get3A_13, %get3A_14] : memref<1000x128xf32, #tpu.memory_space<vmem>>, vector<1000x128xf32>
    %get3A_16 = arith.constant 0 : index
    %get3A_17 = arith.constant 0 : index
    %get3A_18 = vector.load %arg5[%get3A_16, %get3A_17] : memref<128x128xf32, #tpu.memory_space<vmem>>, vector<128x128xf32>
    %dot_general3A_19 = arith.constant dense<0.000000e+00> : vector<1000x128xf32>
    %dot_general3A_20 = tpu.matmul %get3A_15, %get3A_18, %dot_general3A_19 {dimension_numbers = #tpu.dot_dimension_numbers<[1], [0], [0], [1], [0, 0, 1, 1], [], []>, transpose_lhs_hint = false} : vector<1000x128xf32>, vector<128x128xf32>, vector<1000x128xf32> -> vector<1000x128xf32>
    %add3A = arith.addf %dot_general3A_12, %dot_general3A_20 : vector<1000x128xf32>
    %get3A_21 = arith.constant 0 : index
    %get3A_22 = arith.constant 0 : index
    %get3A_23 = vector.load %arg6[%get3A_21, %get3A_22] : memref<1x128xf32, #tpu.memory_space<vmem>>, vector<1x128xf32>
    %add3A_24 = vector.broadcast %get3A_23 : vector<1x128xf32> to vector<1000x128xf32>
    %add3A_25 = arith.addf %add3A, %add3A_24 : vector<1000x128xf32>
    %swap3A_26 = arith.constant 0 : index
    %swap3A_27 = arith.constant 0 : index
    %swap3A_28 = vector.load %arg8[%swap3A_26, %swap3A_27] : memref<1000x128xf32, #tpu.memory_space<vmem>>, vector<1000x128xf32>
    tpu.vector_store %arg8[%swap3A_26, %swap3A_27], %add3A_25 {strides = array<i32>} : memref<1000x128xf32, #tpu.memory_space<vmem>>, vector<1000x128xf32>,
    return
  }
  func.func @transform_0(%arg0: i32) -> (i32, i32) {
    %c0_i32 = arith.constant 0 : i32
    %c0_i32_0 = arith.constant 0 : i32
    return %arg0, %c0_i32 : i32, i32
  }
  func.func @transform_1(%arg0: i32) -> (i32, i32) {
    %c0_i32 = arith.constant 0 : i32
    %c0_i32_0 = arith.constant 0 : i32
    return %arg0, %c0_i32 : i32, i32
  }
  func.func @transform_2(%arg0: i32) -> (i32, i32) {
    %c0_i32 = arith.constant 0 : i32
    %c0_i32_0 = arith.constant 0 : i32
    %c0_i32_1 = arith.constant 0 : i32
    return %c0_i32, %c0_i32_0 : i32, i32
  }
  func.func @transform_3(%arg0: i32) -> (i32, i32) {
    %c0_i32 = arith.constant 0 : i32
    %c0_i32_0 = arith.constant 0 : i32
    %c0_i32_1 = arith.constant 0 : i32
    return %c0_i32, %c0_i32_0 : i32, i32
  }
  func.func @transform_4(%arg0: i32) -> (i32, i32) {
    %c0_i32 = arith.constant 0 : i32
    %c0_i32_0 = arith.constant 0 : i32
    %c0_i32_1 = arith.constant 0 : i32
    return %c0_i32, %c0_i32_0 : i32, i32
  }
  func.func @transform_5(%arg0: i32) -> (i32, i32) {
    %c0_i32 = arith.constant 0 : i32
    %c0_i32_0 = arith.constant 0 : i32
    %c0_i32_1 = arith.constant 0 : i32
    return %c0_i32, %c0_i32_0 : i32, i32
  }
  func.func @transform_6(%arg0: i32) -> (i32, i32) {
    %c0_i32 = arith.constant 0 : i32
    %c0_i32_0 = arith.constant 0 : i32
    return %arg0, %c0_i32 : i32, i32
  }
  func.func @transform_7(%arg0: i32) -> (i32, i32) {
    %c0_i32 = arith.constant 0 : i32
    %c0_i32_0 = arith.constant 0 : i32
    return %arg0, %c0_i32 : i32, i32
  }
}

module attributes {stable_mosaic.version = 14 : i64} {
  func.func @_stage_b(%arg0: i32, %arg1: memref<1000x128xf32, #tpu.memory_space<vmem>>, %arg2: memref<1000x128xf32, #tpu.memory_space<vmem>>, %arg3: memref<1000x32xf32, #tpu.memory_space<vmem>>, %arg4: memref<1000x128xf32, #tpu.memory_space<vmem>>, %arg5: memref<1000x128xf32, #tpu.memory_space<vmem>>, %arg6: memref<128x128xf32, #tpu.memory_space<vmem>>, %arg7: memref<128x128xf32, #tpu.memory_space<vmem>>, %arg8: memref<128x128xf32, #tpu.memory_space<vmem>>, %arg9: memref<1x128xf32, #tpu.memory_space<vmem>>, %arg10: memref<1000x128xf32, #tpu.memory_space<vmem>>, %arg11: memref<1000x128xf32, #tpu.memory_space<vmem>>, %arg12: memref<1000x16xf32, #tpu.memory_space<vmem>>) attributes {dimension_semantics = [#tpu.dimension_semantics<arbitrary>], iteration_bounds = array<i64: 10>, scalar_prefetch = 0 : i64, scratch_operands = 0 : i64, tpu.core_type = #tpu.core_type<tc>, window_params = [{transform_indices = @transform_0, window_bounds = array<i64: 1000, 128>}, {transform_indices = @transform_1, window_bounds = array<i64: 1000, 128>}, {transform_indices = @transform_2, window_bounds = array<i64: 1000, 32>}, {transform_indices = @transform_3, window_bounds = array<i64: 1000, 128>}, {transform_indices = @transform_4, window_bounds = array<i64: 1000, 128>}, {pipeline_mode = #tpu.pipeline_mode<synchronous>, transform_indices = @transform_5, window_bounds = array<i64: 128, 128>}, {pipeline_mode = #tpu.pipeline_mode<synchronous>, transform_indices = @transform_6, window_bounds = array<i64: 128, 128>}, {pipeline_mode = #tpu.pipeline_mode<synchronous>, transform_indices = @transform_7, window_bounds = array<i64: 128, 128>}, {pipeline_mode = #tpu.pipeline_mode<synchronous>, transform_indices = @transform_8, window_bounds = array<i64: 1, 128>}, {transform_indices = @transform_9, window_bounds = array<i64: 1000, 128>}, {transform_indices = @transform_10, window_bounds = array<i64: 1000, 128>}, {transform_indices = @transform_11, window_bounds = array<i64: 1000, 16>}]} {
    %get3A = arith.constant 0 : index
    %get3A_0 = arith.constant 0 : index
    %get3A_1 = vector.load %arg3[%get3A, %get3A_0] : memref<1000x32xf32, #tpu.memory_space<vmem>>, vector<1000x32xf32>
    %reduce_sum3A = arith.constant dense<0.000000e+00> : vector<1000xf32>
    %reduce_sum3A_2 = vector.multi_reduction <add>, %get3A_1, %reduce_sum3A [1] : vector<1000x32xf32> to vector<1000xf32>
    %max3A = arith.constant 1.000000e+00 : f32
    %max3A_3 = vector.broadcast %max3A : f32 to vector<1000xf32>
    %max3A_4 = arith.maximumf %reduce_sum3A_2, %max3A_3 : vector<1000xf32>
    %div3A = arith.constant 1.000000e+00 : f32
    %div3A_5 = vector.broadcast %div3A : f32 to vector<1000xf32>
    %div3A_6 = arith.divf %div3A_5, %max3A_4 : vector<1000xf32>
    %broadcast_in_dim3A = vector.shape_cast %div3A_6 : vector<1000xf32> to vector<1000x1xf32>
    %broadcast_in_dim3A_7 = vector.shape_cast %broadcast_in_dim3A : vector<1000x1xf32> to vector<1000x1xf32>
    %broadcast_in_dim3A_8 = vector.broadcast %broadcast_in_dim3A_7 : vector<1000x1xf32> to vector<1000x16xf32>
    %swap3A = arith.constant 0 : index
    %swap3A_9 = arith.constant 0 : index
    %swap3A_10 = vector.load %arg12[%swap3A, %swap3A_9] : memref<1000x16xf32, #tpu.memory_space<vmem>>, vector<1000x16xf32>
    tpu.vector_store %arg12[%swap3A, %swap3A_9], %broadcast_in_dim3A_8 {strides = array<i32>} : memref<1000x16xf32, #tpu.memory_space<vmem>>, vector<1000x16xf32>,
    %get3A_11 = arith.constant 0 : index
    %get3A_12 = arith.constant 0 : index
    %get3A_13 = vector.load %arg4[%get3A_11, %get3A_12] : memref<1000x128xf32, #tpu.memory_space<vmem>>, vector<1000x128xf32>
    %get3A_14 = arith.constant 0 : index
    %get3A_15 = arith.constant 0 : index
    %get3A_16 = vector.load %arg1[%get3A_14, %get3A_15] : memref<1000x128xf32, #tpu.memory_space<vmem>>, vector<1000x128xf32>
    %get3A_17 = arith.constant 0 : index
    %get3A_18 = arith.constant 0 : index
    %get3A_19 = vector.load %arg2[%get3A_17, %get3A_18] : memref<1000x128xf32, #tpu.memory_space<vmem>>, vector<1000x128xf32>
    %add3A = arith.addf %get3A_16, %get3A_19 : vector<1000x128xf32>
    %mul3A = vector.broadcast %broadcast_in_dim3A : vector<1000x1xf32> to vector<1000x128xf32>
    %mul3A_20 = arith.mulf %add3A, %mul3A : vector<1000x128xf32>
    %add3A_21 = arith.addf %get3A_13, %mul3A_20 : vector<1000x128xf32>
    %max3A_22 = arith.constant 0.000000e+00 : f32
    %max3A_23 = vector.broadcast %max3A_22 : f32 to vector<1000x128xf32>
    %max3A_24 = arith.maximumf %add3A_21, %max3A_23 : vector<1000x128xf32>
    %get3A_25 = arith.constant 0 : index
    %get3A_26 = arith.constant 0 : index
    %get3A_27 = vector.load %arg7[%get3A_25, %get3A_26] : memref<128x128xf32, #tpu.memory_space<vmem>>, vector<128x128xf32>
    %dot_general3A = arith.constant dense<0.000000e+00> : vector<1000x128xf32>
    %dot_general3A_28 = tpu.matmul %max3A_24, %get3A_27, %dot_general3A {dimension_numbers = #tpu.dot_dimension_numbers<[1], [0], [0], [1], [0, 0, 1, 1], [], []>, transpose_lhs_hint = false} : vector<1000x128xf32>, vector<128x128xf32>, vector<1000x128xf32> -> vector<1000x128xf32>
    %swap3A_29 = arith.constant 0 : index
    %swap3A_30 = arith.constant 0 : index
    %swap3A_31 = vector.load %arg10[%swap3A_29, %swap3A_30] : memref<1000x128xf32, #tpu.memory_space<vmem>>, vector<1000x128xf32>
    tpu.vector_store %arg10[%swap3A_29, %swap3A_30], %dot_general3A_28 {strides = array<i32>} : memref<1000x128xf32, #tpu.memory_space<vmem>>, vector<1000x128xf32>,
    %get3A_32 = arith.constant 0 : index
    %get3A_33 = arith.constant 0 : index
    %get3A_34 = vector.load %arg6[%get3A_32, %get3A_33] : memref<128x128xf32, #tpu.memory_space<vmem>>, vector<128x128xf32>
    %dot_general3A_35 = arith.constant dense<0.000000e+00> : vector<1000x128xf32>
    %dot_general3A_36 = tpu.matmul %max3A_24, %get3A_34, %dot_general3A_35 {dimension_numbers = #tpu.dot_dimension_numbers<[1], [0], [0], [1], [0, 0, 1, 1], [], []>, transpose_lhs_hint = false} : vector<1000x128xf32>, vector<128x128xf32>, vector<1000x128xf32> -> vector<1000x128xf32>
    %get3A_37 = arith.constant 0 : index
    %get3A_38 = arith.constant 0 : index
    %get3A_39 = vector.load %arg5[%get3A_37, %get3A_38] : memref<1000x128xf32, #tpu.memory_space<vmem>>, vector<1000x128xf32>
    %get3A_40 = arith.constant 0 : index
    %get3A_41 = arith.constant 0 : index
    %get3A_42 = vector.load %arg8[%get3A_40, %get3A_41] : memref<128x128xf32, #tpu.memory_space<vmem>>, vector<128x128xf32>
    %dot_general3A_43 = arith.constant dense<0.000000e+00> : vector<1000x128xf32>
    %dot_general3A_44 = tpu.matmul %get3A_39, %get3A_42, %dot_general3A_43 {dimension_numbers = #tpu.dot_dimension_numbers<[1], [0], [0], [1], [0, 0, 1, 1], [], []>, transpose_lhs_hint = false} : vector<1000x128xf32>, vector<128x128xf32>, vector<1000x128xf32> -> vector<1000x128xf32>
    %add3A_45 = arith.addf %dot_general3A_36, %dot_general3A_44 : vector<1000x128xf32>
    %get3A_46 = arith.constant 0 : index
    %get3A_47 = arith.constant 0 : index
    %get3A_48 = vector.load %arg9[%get3A_46, %get3A_47] : memref<1x128xf32, #tpu.memory_space<vmem>>, vector<1x128xf32>
    %add3A_49 = vector.broadcast %get3A_48 : vector<1x128xf32> to vector<1000x128xf32>
    %add3A_50 = arith.addf %add3A_45, %add3A_49 : vector<1000x128xf32>
    %swap3A_51 = arith.constant 0 : index
    %swap3A_52 = arith.constant 0 : index
    %swap3A_53 = vector.load %arg11[%swap3A_51, %swap3A_52] : memref<1000x128xf32, #tpu.memory_space<vmem>>, vector<1000x128xf32>
    tpu.vector_store %arg11[%swap3A_51, %swap3A_52], %add3A_50 {strides = array<i32>} : memref<1000x128xf32, #tpu.memory_space<vmem>>, vector<1000x128xf32>,
    return
  }
  func.func @transform_0(%arg0: i32) -> (i32, i32) {
    %c0_i32 = arith.constant 0 : i32
    %c0_i32_0 = arith.constant 0 : i32
    return %arg0, %c0_i32 : i32, i32
  }
  func.func @transform_1(%arg0: i32) -> (i32, i32) {
    %c0_i32 = arith.constant 0 : i32
    %c0_i32_0 = arith.constant 0 : i32
    return %arg0, %c0_i32 : i32, i32
  }
  func.func @transform_2(%arg0: i32) -> (i32, i32) {
    %c0_i32 = arith.constant 0 : i32
    %c0_i32_0 = arith.constant 0 : i32
    return %arg0, %c0_i32 : i32, i32
  }
  func.func @transform_3(%arg0: i32) -> (i32, i32) {
    %c0_i32 = arith.constant 0 : i32
    %c0_i32_0 = arith.constant 0 : i32
    return %arg0, %c0_i32 : i32, i32
  }
  func.func @transform_4(%arg0: i32) -> (i32, i32) {
    %c0_i32 = arith.constant 0 : i32
    %c0_i32_0 = arith.constant 0 : i32
    return %arg0, %c0_i32 : i32, i32
  }
  func.func @transform_5(%arg0: i32) -> (i32, i32) {
    %c0_i32 = arith.constant 0 : i32
    %c0_i32_0 = arith.constant 0 : i32
    %c0_i32_1 = arith.constant 0 : i32
    return %c0_i32, %c0_i32_0 : i32, i32
  }
  func.func @transform_6(%arg0: i32) -> (i32, i32) {
    %c0_i32 = arith.constant 0 : i32
    %c0_i32_0 = arith.constant 0 : i32
    %c0_i32_1 = arith.constant 0 : i32
    return %c0_i32, %c0_i32_0 : i32, i32
  }
  func.func @transform_7(%arg0: i32) -> (i32, i32) {
    %c0_i32 = arith.constant 0 : i32
    %c0_i32_0 = arith.constant 0 : i32
    %c0_i32_1 = arith.constant 0 : i32
    return %c0_i32, %c0_i32_0 : i32, i32
  }
  func.func @transform_8(%arg0: i32) -> (i32, i32) {
    %c0_i32 = arith.constant 0 : i32
    %c0_i32_0 = arith.constant 0 : i32
    %c0_i32_1 = arith.constant 0 : i32
    return %c0_i32, %c0_i32_0 : i32, i32
  }
  func.func @transform_9(%arg0: i32) -> (i32, i32) {
    %c0_i32 = arith.constant 0 : i32
    %c0_i32_0 = arith.constant 0 : i32
    return %arg0, %c0_i32 : i32, i32
  }
  func.func @transform_10(%arg0: i32) -> (i32, i32) {
    %c0_i32 = arith.constant 0 : i32
    %c0_i32_0 = arith.constant 0 : i32
    return %arg0, %c0_i32 : i32, i32
  }
  func.func @transform_11(%arg0: i32) -> (i32, i32) {
    %c0_i32 = arith.constant 0 : i32
    %c0_i32_0 = arith.constant 0 : i32
    return %arg0, %c0_i32 : i32, i32
  }
}

module attributes {stable_mosaic.version = 14 : i64} {
  func.func @_stage_c(%arg0: i32, %arg1: memref<1000x128xf32, #tpu.memory_space<vmem>>, %arg2: memref<1000x128xf32, #tpu.memory_space<vmem>>, %arg3: memref<1000x16xf32, #tpu.memory_space<vmem>>, %arg4: memref<1000x128xf32, #tpu.memory_space<vmem>>, %arg5: memref<1000x128xf32, #tpu.memory_space<vmem>>, %arg6: memref<128x64xf32, #tpu.memory_space<vmem>>, %arg7: memref<128x64xf32, #tpu.memory_space<vmem>>, %arg8: memref<128x64xf32, #tpu.memory_space<vmem>>, %arg9: memref<1x64xf32, #tpu.memory_space<vmem>>, %arg10: memref<1000x128xf32, #tpu.memory_space<vmem>>, %arg11: memref<1000x64xf32, #tpu.memory_space<vmem>>) attributes {dimension_semantics = [#tpu.dimension_semantics<arbitrary>], iteration_bounds = array<i64: 10>, scalar_prefetch = 0 : i64, scratch_operands = 0 : i64, tpu.core_type = #tpu.core_type<tc>, window_params = [{transform_indices = @transform_0, window_bounds = array<i64: 1000, 128>}, {transform_indices = @transform_1, window_bounds = array<i64: 1000, 128>}, {transform_indices = @transform_2, window_bounds = array<i64: 1000, 16>}, {transform_indices = @transform_3, window_bounds = array<i64: 1000, 128>}, {transform_indices = @transform_4, window_bounds = array<i64: 1000, 128>}, {pipeline_mode = #tpu.pipeline_mode<synchronous>, transform_indices = @transform_5, window_bounds = array<i64: 128, 64>}, {pipeline_mode = #tpu.pipeline_mode<synchronous>, transform_indices = @transform_6, window_bounds = array<i64: 128, 64>}, {pipeline_mode = #tpu.pipeline_mode<synchronous>, transform_indices = @transform_7, window_bounds = array<i64: 128, 64>}, {pipeline_mode = #tpu.pipeline_mode<synchronous>, transform_indices = @transform_8, window_bounds = array<i64: 1, 64>}, {transform_indices = @transform_9, window_bounds = array<i64: 1000, 128>}, {transform_indices = @transform_10, window_bounds = array<i64: 1000, 64>}]} {
    %get3A = arith.constant 0 : index
    %get3A_0 = arith.constant 0 : index
    %get3A_1 = vector.load %arg4[%get3A, %get3A_0] : memref<1000x128xf32, #tpu.memory_space<vmem>>, vector<1000x128xf32>
    %get3A_2 = arith.constant 0 : index
    %get3A_3 = arith.constant 0 : index
    %get3A_4 = vector.load %arg1[%get3A_2, %get3A_3] : memref<1000x128xf32, #tpu.memory_space<vmem>>, vector<1000x128xf32>
    %get3A_5 = arith.constant 0 : index
    %get3A_6 = arith.constant 0 : index
    %get3A_7 = vector.load %arg2[%get3A_5, %get3A_6] : memref<1000x128xf32, #tpu.memory_space<vmem>>, vector<1000x128xf32>
    %add3A = arith.addf %get3A_4, %get3A_7 : vector<1000x128xf32>
    %get3A_8 = arith.constant 0 : index
    %get3A_9 = arith.constant 0 : index
    %get3A_10 = vector.load %arg3[%get3A_8, %get3A_9] : memref<1000x16xf32, #tpu.memory_space<vmem>>, vector<1000x1xf32>
    %mul3A = vector.broadcast %get3A_10 : vector<1000x1xf32> to vector<1000x128xf32>
    %mul3A_11 = arith.mulf %add3A, %mul3A : vector<1000x128xf32>
    %add3A_12 = arith.addf %get3A_1, %mul3A_11 : vector<1000x128xf32>
    %max3A = arith.constant 0.000000e+00 : f32
    %max3A_13 = vector.broadcast %max3A : f32 to vector<1000x128xf32>
    %max3A_14 = arith.maximumf %add3A_12, %max3A_13 : vector<1000x128xf32>
    %get3A_15 = arith.constant 0 : index
    %get3A_16 = arith.constant 0 : index
    %get3A_17 = vector.load %arg7[%get3A_15, %get3A_16] : memref<128x64xf32, #tpu.memory_space<vmem>>, vector<128x64xf32>
    %dot_general3A = arith.constant dense<0.000000e+00> : vector<1000x64xf32>
    %dot_general3A_18 = tpu.matmul %max3A_14, %get3A_17, %dot_general3A {dimension_numbers = #tpu.dot_dimension_numbers<[1], [0], [0], [1], [0, 0, 1, 1], [], []>, transpose_lhs_hint = false} : vector<1000x128xf32>, vector<128x64xf32>, vector<1000x64xf32> -> vector<1000x64xf32>
    %swap3A = arith.constant 0 : index
    %swap3A_19 = arith.constant 0 : index
    %swap3A_20 = vector.load %arg10[%swap3A, %swap3A_19] : memref<1000x128xf32, #tpu.memory_space<vmem>>, vector<1000x64xf32>
    tpu.vector_store %arg10[%swap3A, %swap3A_19], %dot_general3A_18 {strides = array<i32>} : memref<1000x128xf32, #tpu.memory_space<vmem>>, vector<1000x64xf32>,
    %broadcast_in_dim3A = arith.constant 0.000000e+00 : f32
    %broadcast_in_dim3A_21 = vector.broadcast %broadcast_in_dim3A : f32 to vector<1000x64xf32>
    %swap3A_22 = arith.constant 0 : index
    %swap3A_23 = arith.constant 64 : index
    %swap3A_24 = vector.load %arg10[%swap3A_22, %swap3A_23] : memref<1000x128xf32, #tpu.memory_space<vmem>>, vector<1000x64xf32>
    tpu.vector_store %arg10[%swap3A_22, %swap3A_23], %broadcast_in_dim3A_21 {strides = array<i32>} : memref<1000x128xf32, #tpu.memory_space<vmem>>, vector<1000x64xf32>,
    %get3A_25 = arith.constant 0 : index
    %get3A_26 = arith.constant 0 : index
    %get3A_27 = vector.load %arg6[%get3A_25, %get3A_26] : memref<128x64xf32, #tpu.memory_space<vmem>>, vector<128x64xf32>
    %dot_general3A_28 = arith.constant dense<0.000000e+00> : vector<1000x64xf32>
    %dot_general3A_29 = tpu.matmul %max3A_14, %get3A_27, %dot_general3A_28 {dimension_numbers = #tpu.dot_dimension_numbers<[1], [0], [0], [1], [0, 0, 1, 1], [], []>, transpose_lhs_hint = false} : vector<1000x128xf32>, vector<128x64xf32>, vector<1000x64xf32> -> vector<1000x64xf32>
    %get3A_30 = arith.constant 0 : index
    %get3A_31 = arith.constant 0 : index
    %get3A_32 = vector.load %arg5[%get3A_30, %get3A_31] : memref<1000x128xf32, #tpu.memory_space<vmem>>, vector<1000x128xf32>
    %get3A_33 = arith.constant 0 : index
    %get3A_34 = arith.constant 0 : index
    %get3A_35 = vector.load %arg8[%get3A_33, %get3A_34] : memref<128x64xf32, #tpu.memory_space<vmem>>, vector<128x64xf32>
    %dot_general3A_36 = arith.constant dense<0.000000e+00> : vector<1000x64xf32>
    %dot_general3A_37 = tpu.matmul %get3A_32, %get3A_35, %dot_general3A_36 {dimension_numbers = #tpu.dot_dimension_numbers<[1], [0], [0], [1], [0, 0, 1, 1], [], []>, transpose_lhs_hint = false} : vector<1000x128xf32>, vector<128x64xf32>, vector<1000x64xf32> -> vector<1000x64xf32>
    %add3A_38 = arith.addf %dot_general3A_29, %dot_general3A_37 : vector<1000x64xf32>
    %get3A_39 = arith.constant 0 : index
    %get3A_40 = arith.constant 0 : index
    %get3A_41 = vector.load %arg9[%get3A_39, %get3A_40] : memref<1x64xf32, #tpu.memory_space<vmem>>, vector<1x64xf32>
    %add3A_42 = vector.broadcast %get3A_41 : vector<1x64xf32> to vector<1000x64xf32>
    %add3A_43 = arith.addf %add3A_38, %add3A_42 : vector<1000x64xf32>
    %swap3A_44 = arith.constant 0 : index
    %swap3A_45 = arith.constant 0 : index
    %swap3A_46 = vector.load %arg11[%swap3A_44, %swap3A_45] : memref<1000x64xf32, #tpu.memory_space<vmem>>, vector<1000x64xf32>
    tpu.vector_store %arg11[%swap3A_44, %swap3A_45], %add3A_43 {strides = array<i32>} : memref<1000x64xf32, #tpu.memory_space<vmem>>, vector<1000x64xf32>,
    return
  }
  func.func @transform_0(%arg0: i32) -> (i32, i32) {
    %c0_i32 = arith.constant 0 : i32
    %c0_i32_0 = arith.constant 0 : i32
    return %arg0, %c0_i32 : i32, i32
  }
  func.func @transform_1(%arg0: i32) -> (i32, i32) {
    %c0_i32 = arith.constant 0 : i32
    %c0_i32_0 = arith.constant 0 : i32
    return %arg0, %c0_i32 : i32, i32
  }
  func.func @transform_2(%arg0: i32) -> (i32, i32) {
    %c0_i32 = arith.constant 0 : i32
    %c0_i32_0 = arith.constant 0 : i32
    return %arg0, %c0_i32 : i32, i32
  }
  func.func @transform_3(%arg0: i32) -> (i32, i32) {
    %c0_i32 = arith.constant 0 : i32
    %c0_i32_0 = arith.constant 0 : i32
    return %arg0, %c0_i32 : i32, i32
  }
  func.func @transform_4(%arg0: i32) -> (i32, i32) {
    %c0_i32 = arith.constant 0 : i32
    %c0_i32_0 = arith.constant 0 : i32
    return %arg0, %c0_i32 : i32, i32
  }
  func.func @transform_5(%arg0: i32) -> (i32, i32) {
    %c0_i32 = arith.constant 0 : i32
    %c0_i32_0 = arith.constant 0 : i32
    %c0_i32_1 = arith.constant 0 : i32
    return %c0_i32, %c0_i32_0 : i32, i32
  }
  func.func @transform_6(%arg0: i32) -> (i32, i32) {
    %c0_i32 = arith.constant 0 : i32
    %c0_i32_0 = arith.constant 0 : i32
    %c0_i32_1 = arith.constant 0 : i32
    return %c0_i32, %c0_i32_0 : i32, i32
  }
  func.func @transform_7(%arg0: i32) -> (i32, i32) {
    %c0_i32 = arith.constant 0 : i32
    %c0_i32_0 = arith.constant 0 : i32
    %c0_i32_1 = arith.constant 0 : i32
    return %c0_i32, %c0_i32_0 : i32, i32
  }
  func.func @transform_8(%arg0: i32) -> (i32, i32) {
    %c0_i32 = arith.constant 0 : i32
    %c0_i32_0 = arith.constant 0 : i32
    %c0_i32_1 = arith.constant 0 : i32
    return %c0_i32, %c0_i32_0 : i32, i32
  }
  func.func @transform_9(%arg0: i32) -> (i32, i32) {
    %c0_i32 = arith.constant 0 : i32
    %c0_i32_0 = arith.constant 0 : i32
    return %arg0, %c0_i32 : i32, i32
  }
  func.func @transform_10(%arg0: i32) -> (i32, i32) {
    %c0_i32 = arith.constant 0 : i32
    %c0_i32_0 = arith.constant 0 : i32
    return %arg0, %c0_i32 : i32, i32
  }
}

module attributes {stable_mosaic.version = 14 : i64} {
  func.func @_stage_d(%arg0: i32, %arg1: memref<1000x128xf32, #tpu.memory_space<vmem>>, %arg2: memref<1000x128xf32, #tpu.memory_space<vmem>>, %arg3: memref<1000x16xf32, #tpu.memory_space<vmem>>, %arg4: memref<1000x64xf32, #tpu.memory_space<vmem>>, %arg5: memref<1000x64xf32, #tpu.memory_space<vmem>>) attributes {dimension_semantics = [#tpu.dimension_semantics<arbitrary>], iteration_bounds = array<i64: 10>, scalar_prefetch = 0 : i64, scratch_operands = 0 : i64, tpu.core_type = #tpu.core_type<tc>, window_params = [{transform_indices = @transform_0, window_bounds = array<i64: 1000, 128>}, {transform_indices = @transform_1, window_bounds = array<i64: 1000, 128>}, {transform_indices = @transform_2, window_bounds = array<i64: 1000, 16>}, {transform_indices = @transform_3, window_bounds = array<i64: 1000, 64>}, {transform_indices = @transform_4, window_bounds = array<i64: 1000, 64>}]} {
    %get3A = arith.constant 0 : index
    %get3A_0 = arith.constant 0 : index
    %get3A_1 = vector.load %arg4[%get3A, %get3A_0] : memref<1000x64xf32, #tpu.memory_space<vmem>>, vector<1000x64xf32>
    %get3A_2 = arith.constant 0 : index
    %get3A_3 = arith.constant 0 : index
    %get3A_4 = vector.load %arg1[%get3A_2, %get3A_3] : memref<1000x128xf32, #tpu.memory_space<vmem>>, vector<1000x64xf32>
    %get3A_5 = arith.constant 0 : index
    %get3A_6 = arith.constant 0 : index
    %get3A_7 = vector.load %arg2[%get3A_5, %get3A_6] : memref<1000x128xf32, #tpu.memory_space<vmem>>, vector<1000x64xf32>
    %add3A = arith.addf %get3A_4, %get3A_7 : vector<1000x64xf32>
    %get3A_8 = arith.constant 0 : index
    %get3A_9 = arith.constant 0 : index
    %get3A_10 = vector.load %arg3[%get3A_8, %get3A_9] : memref<1000x16xf32, #tpu.memory_space<vmem>>, vector<1000x1xf32>
    %mul3A = vector.broadcast %get3A_10 : vector<1000x1xf32> to vector<1000x64xf32>
    %mul3A_11 = arith.mulf %add3A, %mul3A : vector<1000x64xf32>
    %add3A_12 = arith.addf %get3A_1, %mul3A_11 : vector<1000x64xf32>
    %swap3A = arith.constant 0 : index
    %swap3A_13 = arith.constant 0 : index
    %swap3A_14 = vector.load %arg5[%swap3A, %swap3A_13] : memref<1000x64xf32, #tpu.memory_space<vmem>>, vector<1000x64xf32>
    tpu.vector_store %arg5[%swap3A, %swap3A_13], %add3A_12 {strides = array<i32>} : memref<1000x64xf32, #tpu.memory_space<vmem>>, vector<1000x64xf32>,
    return
  }
  func.func @transform_0(%arg0: i32) -> (i32, i32) {
    %c0_i32 = arith.constant 0 : i32
    %c0_i32_0 = arith.constant 0 : i32
    return %arg0, %c0_i32 : i32, i32
  }
  func.func @transform_1(%arg0: i32) -> (i32, i32) {
    %c0_i32 = arith.constant 0 : i32
    %c0_i32_0 = arith.constant 0 : i32
    return %arg0, %c0_i32 : i32, i32
  }
  func.func @transform_2(%arg0: i32) -> (i32, i32) {
    %c0_i32 = arith.constant 0 : i32
    %c0_i32_0 = arith.constant 0 : i32
    return %arg0, %c0_i32 : i32, i32
  }
  func.func @transform_3(%arg0: i32) -> (i32, i32) {
    %c0_i32 = arith.constant 0 : i32
    %c0_i32_0 = arith.constant 0 : i32
    return %arg0, %c0_i32 : i32, i32
  }
  func.func @transform_4(%arg0: i32) -> (i32, i32) {
    %c0_i32 = arith.constant 0 : i32
    %c0_i32_0 = arith.constant 0 : i32
    return %arg0, %c0_i32 : i32, i32
  }
}

</mosaic_0001>

<sc_bundles>
// kernel: kernel.10.cloned.1.call-start
scs
__scs_entry_jumppad:
0x0: {  	(pc) =	sbr.rel $0x88, $3  }
0x1: {  	(tag) =	ssettag $0x0;
	lr =	simm.s32 $0x1  }
0x2: {  	[smem:$0x3F92] =	sst lr;
	_ =	strace $0xD0000000  }
0x3: {  	_ = 	snop  }
0x4: {  	_ = 	snop  }
0x5: {  	_ = 	snop  }
0x6: {  	_ = 	snop  }
0x7: {  	_ = 	snop  }
__scs_overlays_trampoline_lowered:
0x8: {  	[smem:$0x3FA1] =	sst s0  }
0x9: {  	[smem:$0x3FA2] =	sst s1  }
0xa: {  	[smem:$0x3FA3] =	sst s2  }
0xb: {  	[smem:$0x3FA4] =	sst s3  }
0xc: {  	[smem:$0x3FA5] =	sst s4  }
0xd: {  	[smem:$0x3FA6] =	sst s5  }
0xe: {  	[smem:$0x3FA7] =	sst s6  }
0xf: {  	[smem:$0x3FA8] =	sst s7  }
0x10: {  	[smem:$0x3FA9] =	sst s8  }
0x11: {  	[smem:$0x3FAA] =	sst s9;
	s0 =	simm.s32 @!p0 $0x0  }
0x12: {  	s1 =	sld [smem:$0x3F90];
	s0 =	simm.s32 @p0 $0x1  }
0x13: {  	[smem:$0x3FAB] =	sst s0;
	s0 =	simm.s32 @!p1 $0x0  }
0x14: {  	s2 =	sld [smem:$0x3F8F];
	s0 =	simm.s32 @p1 $0x1  }
0x15: {  	[smem:$0x3FAC] =	sst s0;
	s0 =	simm.s32 @!p2 $0x0  }
0x16: {  	s3 =	sld [smem:$0x3FDB];
	s0 =	simm.s32 @p2 $0x1  }
0x17: {  	s4 =	simm.s32 $0x1BF5;
	[smem:$0x3FAE] =	sst s0  }
0x18: {  	s0 =	sld [smem:$0x3F91];
	_ =	swait.ge [sflag:s4], $0x0  }
0x19: {  	s7 =	sld [smem:$0x3F92]  }
0x1a: {  	s8 =	sadd.s32 $0xFFFFE003, lr  }
0x1b: {  	s9 =	sadd.s32 $0xFFFFFEF7, lr;
	s5 =	simm.s32 $0xFFFFFFFF;
	p2 =	slt.u32 s8, $0xFFFFF086  }
0x1c: {  	p1 =	slt.u32 s9, $0xF7A;
	s5 =	simm.s32 @!p2 $0x0  }
0x1d: {  	s5 =	simm.s32 @p1 $0x1;
	p0 =	seq.s32 s7, s2  }
0x1e: {  	s7 =	smul.u32 @!p0 $0xF7A, s2;
	p2 =	seq.s32 @!p0 s5, $0x0  }
0x1f: {  	s9 =	smul.u32 $0xF7A, s1;
	s8 =	simm.s32 @!p0 $0x1BF5;
	p2 =	por !p2, p0  }
0x20: {  	[sflag:s8] =	ssyncset.s32 @!p0 $0xFFFFF086;
	s6 =	sadd.s32 @!p0 s3, s7;
	s7 =	simm.s32 @!p0 $0x108  }
0x21: {  	s3 =	sadd.s32 s3, s9;
	s6 =	sadd.s32 @!p0 $0x88, s6;
	s7 =	simm.s32 @p2 $0x1082  }
0x22: {  	[simem:s7], [sflag:s8] =	dma.local @!p0 [hbm:s6], $0xF7A  }
0x23: {  	s9 =	sor.u32 $0xD0000000, s2;
	s6 =	simm.s32 $0x108;
	_ =	swait.ge @!p0 [sflag:s8], $0x0  }
0x24: {  	s3 =	sadd.s32 $0x88, s3;
	s6 =	simm.s32 @!p1 $0x1082;
	[sflag:s4] =	ssyncset.s32 $0xFFFFF086  }
0x25: {  	[simem:s6], [sflag:s4] =	dma.local [hbm:s3], $0xF7A  }
0x26: {  	[smem:$0x3F92] =	sst s1;
	(tag) =	ssettag s2;
	_ =	strace s9  }
0x27: {  	s1 =	sld [smem:$0x3FA2]  }
0x28: {  	s2 =	sld [smem:$0x3FA3]  }
0x29: {  	s4 =	sld [smem:$0x3FA5]  }
0x2a: {  	p0 =	seq.s32 s5, $0x0;
	s5 =	sld [smem:$0x3FA6]  }
0x2b: {  	s6 =	sld [smem:$0x3FA7]  }
0x2c: {  	s7 =	sld [smem:$0x3FA8]  }
0x2d: {  	s3 =	simm.s32 $0x108;
	s8 =	sld [smem:$0x3FA9]  }
0x2e: {  	s3 =	simm.s32 @!p0 $0x1082;
	s9 =	sld [smem:$0x3FAA]  }
0x2f: {  	lr =	sadd.s32 s0, s3;
	s0 =	sld [smem:$0x3FA1]  }
0x30: {  	s3 =	sld [smem:$0x3FA4]  }
0x31: {  	[smem:$0x3FAD] =	sst s10  }
0x32: {  	s10 =	sld [smem:$0x3FAB];
	_ =	sdelay $0x3  }
0x33: {  	p0 =	seq.s32 s10, $0x1;
	s10 =	sld [smem:$0x3FAD];
	_ =	sdelay $0x3  }
0x34: {  	[smem:$0x3FAD] =	sst s10  }
0x35: {  	s10 =	sld [smem:$0x3FAC];
	_ =	sdelay $0x3  }
0x36: {  	p1 =	seq.s32 s10, $0x1;
	s10 =	sld [smem:$0x3FAD];
	_ =	sdelay $0x3  }
0x37: {  	[smem:$0x3FAD] =	sst s10  }
0x38: {  	s10 =	sld [smem:$0x3FAE]  }
0x39: {  	_ = 	snop;
	(pc) =	sbr.ind lr, $3  }
0x3a: {  	_ = 	snop  }
0x3b: {  	_ = 	snop  }
0x3c: {  	p2 =	seq.s32 s10, $0x1;
	s10 =	sld [smem:$0x3FAD]  }
0x3d: {  	_ =	shalt  }
0x3e: {  	_ =	shalt  }
0x3f: {  	_ =	shalt  }
0x40: {  	_ =	shalt  }
0x41: {  	_ =	shalt  }
0x42: {  	_ =	shalt  }
0x43: {  	_ =	shalt  }
0x44: {  	_ =	shalt  }
0x45: {  	_ =	shalt  }
0x46: {  	_ =	shalt  }
0x47: {  	_ =	shalt  }
0x48: {  	_ =	shalt  }
0x49: {  	_ =	shalt  }
0x4a: {  	_ =	shalt  }
0x4b: {  	_ =	shalt  }
0x4c: {  	_ =	shalt  }
0x4d: {  	_ =	shalt  }
0x4e: {  	_ =	shalt  }
0x4f: {  	_ =	shalt  }
0x50: {  	_ =	shalt  }
0x51: {  	_ =	shalt  }
0x52: {  	_ =	shalt  }
0x53: {  	_ =	shalt  }
0x54: {  	_ =	shalt  }
0x55: {  	_ =	shalt  }
0x56: {  	_ =	shalt  }
0x57: {  	_ =	shalt  }
0x58: {  	_ =	shalt  }
0x59: {  	_ =	shalt  }
0x5a: {  	_ =	shalt  }
0x5b: {  	_ =	shalt  }
0x5c: {  	_ =	shalt  }
0x5d: {  	_ =	shalt  }
0x5e: {  	_ =	shalt  }
0x5f: {  	_ =	shalt  }
0x60: {  	_ =	shalt  }
0x61: {  	_ =	shalt  }
0x62: {  	_ =	shalt  }
0x63: {  	_ =	shalt  }
0x64: {  	_ =	shalt  }
0x65: {  	_ =	shalt  }
0x66: {  	_ =	shalt  }
0x67: {  	_ =	shalt  }
0x68: {  	_ =	shalt  }
0x69: {  	_ =	shalt  }
0x6a: {  	_ =	shalt  }
0x6b: {  	_ =	shalt  }
0x6c: {  	_ =	shalt  }
0x6d: {  	_ =	shalt  }
0x6e: {  	_ =	shalt  }
0x6f: {  	_ =	shalt  }
0x70: {  	_ =	shalt  }
0x71: {  	_ =	shalt  }
0x72: {  	_ =	shalt  }
0x73: {  	_ =	shalt  }
0x74: {  	_ =	shalt  }
0x75: {  	_ =	shalt  }
0x76: {  	_ =	shalt  }
0x77: {  	_ =	shalt  }
0x78: {  	_ =	shalt  }
0x79: {  	_ =	shalt  }
0x7a: {  	_ =	shalt  }
0x7b: {  	_ =	shalt  }
0x7c: {  	_ =	shalt  }
0x7d: {  	_ =	shalt  }
0x7e: {  	_ =	shalt  }
0x7f: {  	_ =	shalt  }
0x80: {  	_ =	shalt  }
0x81: {  	_ =	shalt  }
0x82: {  	_ =	shalt  }
0x83: {  	_ =	shalt  }
0x84: {  	_ =	shalt  }
0x85: {  	_ =	shalt  }
0x86: {  	_ =	shalt  }
0x87: {  	_ =	shalt  }
.Lfunc_end0:
.L_simem_size_0:
called_computation_lowered:
.L_overlay_start_0:
0x88: {  	s2 =	sld [smem:$0x3FD9]  }
0x89: {  	s3 =	sld [smem:$0x3FFE];
	_ =	sdelay $0x1  }
0x8a: {  	s1 =	srdreg.scid  }
0x8b: {  	s0 =	sand.u32 $0x1, s1  }
0x8c: {  	s17 =	sshll.u32 s0, $0xA;
	s2 =	sadd.s32 s3, s2  }
0x8d: {  	s2 =	sadd.s32 s2, s17  }
0x8e: {  	[smem:$0x3FB9] =	sst s2  }
0x8f: {  	_ = 	snop  }
0x90: {  	s2 =	sld [smem:$0x3FD0];
	(tm) =	ssettm $0x1  }
0x91: {  	s18 =	sld [smem:$0x3FFB];
	_ =	sdelay $0x3  }
0x92: {  	_ =	strace s18  }
0x93: {  	s3 =	sld [smem:$0x3FFC];
	_ =	sdelay $0x3  }
0x94: {  	_ =	strace s3  }
0x95: {  	s3 =	sld [smem:$0x3FFD];
	_ =	sdelay $0x3  }
0x96: {  	_ =	strace s3  }
0x97: {  	_ =	strace $0x8FFFFFFF  }
0x98: {  	s19 =	sld [smem:$0x3FDB];
	_ =	sdelay $0x1  }
0x99: {  	s4 =	simm.s32 $_scs_section_size  }
0x9a: {  	s5 =	simm.s32 $_size__tile_overlayer_lowered;
	s6 =	simm.s32 $_tile_overlayer_lowered  }
0x9b: {  	s22 =	simm.s32 $0x1BFF;
	s21 =	sshll.u32 s6, $0x1;
	s3 =	sadd.s32 s4, s19  }
0x9c: {  	s7 =	simm.s32 $0x0;
	s20 =	sshll.u32 s5, $0x1;
	s5 =	sadd.s32 s21, s3  }
0x9d: {  	[timem:s7], [sflag:s22] =	dma.local [hbm:s5], s20  }
0x9e: {  	_ =	swait.ge [sflag:s22], s20  }
0x9f: {  	s4 =	ssub.s32 $0x0, s20;
	[sflag:s22] =	ssyncset.done $0x0  }
0xa0: {  	[sflag:s22] =	ssyncadd.s32 s4;
	_ =	sdelay $0x1  }
0xa1: {  	s23 =	simm.s32 $0x1B8B  }
0xa2: {  	_ =	swait.ge [sflag:s23], $0x1  }
0xa3: {  	[sflag:s23] =	ssyncset.done $0x0  }
0xa4: {  	s25 =	simm.s32 $0x1B8E;
	s24 =	sld [smem:$0x3FFE];
	[sflag:s23] =	ssyncadd.s32 $0xFFFFFFFF  }
0xa5: {  	s26 =	simm.s32 $execute0_lowered;
	[smem:$0x3FD2] =	sst s25  }
0xa6: {  	s5 =	sshll.u32 s26, $0x1;
	_ =	strace $0x80000046;
	[dreg:$0x1] =	wrdreg $0xFFFFFFFF  }
0xa7: {  	s28 =	simm.s32 $_size_execute0_lowered;
	s3 =	sadd.s32 s3, s5;
	[dreg:$0x0] =	wrdreg $0x0  }
0xa8: {  	s5 =	sshll.u32 s28, $0x1;
	[dreg:$0x2] =	wrdreg s3  }
0xa9: {  	[dreg:$0x3] =	wrdreg s5  }
0xaa: {  	[dreg:$0x4] =	wrdreg $0xC0  }
0xab: {  	_ =	task [dreg:s7], $0x5FFFF  }
0xac: {  	[dreg:$0x1] =	wrdreg $0xFFFFFFFF  }
0xad: {  	[dreg:$0x0] =	wrdreg $0x60  }
0xae: {  	[dreg:$0x2] =	wrdreg s2  }
0xaf: {  	[dreg:$0x3] =	wrdreg s24  }
0xb0: {  	[dreg:$0x4] =	wrdreg $0x9  }
0xb1: {  	_ =	task.clear_ibuf [dreg:s7], $0x5FFFF;
	_ =	strace $0x90000046  }
0xb2: {  	s29 =	simm.s32 $0x9;
	_ =	strace $0x80000048  }
0xb3: {  	_ =	swait.ge [sflag:s29], $0x1  }
0xb4: {  	[sflag:s29] =	ssyncadd.s32 $0xFFFFFFFF  }
0xb5: {  	_ =	strace $0x90000048  }
0xb6: {  	_ =	sfence  }
0xb7: {  	s30 =	sld [smem:$0x0];
	_ =	sdelay $0x2  }
0xb8: {  	s31 =	sshll.u32 s1, $0xD;
	s1 =	sshrl.u32 s1, $0x2  }
0xb9: {  	s3 =	sand.u32 $0x4000, s31;
	s1 =	sadd.s32 s1, s30  }
0xba: {  	s0 =	sor.u32 s3, s0;
	s1 =	sshll.u32 s1, $0x11  }
0xbb: {  	s0 =	sor.u32 s1, s0  }
0xbc: {  	s0 =	sadd.s32 $0x8F2B, s0  }
0xbd: {  	[sflag:s0] =	ssyncadd.remote.s32 $0x1  }
0xbe: {  	_ =	sfence.sel $0xFFFF  }
0xbf: {  	[dreg:$0x0] =	wrdreg $0xFFFFFFFF;
	(pc) =	sbr.abs _section_cstart, $3  }
0xc0: {  	[dreg:$0x1] =	wrdreg $0xFFFFFFFF  }
0xc1: {  	_ =	task.clear_ibuf [dreg:s7], $0x2FFFF;
	_ =	strace $0x9FFFFFFF  }
0xc2: {  	(tm) =	ssettm $0x7FFFFFFF  }
0xc3: {  	_ =	shalt  }
tec
execute0_lowered:
.L_overlay_start_1:
0x0: {  	(tag) =	ssettag $0x1  }
0x1: {  	s3 =	rddreg [dreg:$0x0];
	s1 =	srdreg.scid  }
0x2: {  	s0 =	stileid.u32;
	s4 =	rddreg [dreg:$0x1];
	s2 =	simm.s32 $0x0  }
0x3: {  	s5 =	sand.u32 $0x1, s1;
	s6 =	sshll.u32 s0, $0x1;
	s1 =	rddreg [dreg:$0x2]  }
0x4: {  	[smem:$0x7FF] =	sst s2;
	s6 =	sor.u32 s5, s6;
	s5 =	ssub.s32 $0x2, s5  }
0x5: {  	s7 =	smul.u32 $0x4F0, s6;
	s8 =	sshrl.u32 s5, $0x1;
	s6 =	sshll.u32 s6, $0xB  }
0x6: {  	_ =	strace $0x80000047;
	s5 =	ssub.s32 s5, s8;
	s3 =	sadd.s32 s3, s6  }
0x7: {  	s6 =	simm.s32 $0x1;
	s8 =	simm.s32 $0x0;
	s4 =	sadd.s32 s7, s4  }
0x8: {  	v0 =	vimm.f32 $0.0e+00;
	v1 =	vimm.f32 $1.000000000e+00;
	s5 =	smax.u32 s5, $0x1;
	s7 =	simm.s32 $0x4000;
	s4 =	sadd.s32 $0x19A00, s4  }
.LBB2_1:
0x9: {  	s9 =	simm.s32 $0x40;
	s10 =	simm.s32 $0x0  }
.LBB2_2:
0xa: {  	p0 =	sne.s32 s9, $0x9C40;
	[tilespmem:s10+$0x4000] =	vst v0;
	s10 =	smov.u32 s9;
	s9 =	sadd.s32 $0x40, s9  }
.Ltmp0:
0xb: {  	(pc) =	sbr.rel @p0 .LBB2_2-.Ltmp0, $2  }
0xc: {  	_ =	sdelay $0x2  }
0xd: {  	s10 =	sshra.s32 s10, $0x2  }
0xe: {  	[tilespmem:s10+$0x4000] =	vst v0;
	s9 =	simm.s32 $0x0  }
0xf: {  	[tilespmem:s9], [sflag:$0x1] =	stream.linear.gather [hbm4b:s3+s9], $0x3E80, $0x38;
	[tilespmem:$0x6780] =	vst v63  }
0x10: {  	_ =	swait.ge [sflag:s6], $0x3E80  }
0x11: {  	[sflag:s6] =	ssyncset.done $0x0  }
0x12: {  	[sflag:s6] =	ssyncadd.s32 $0xFFFFC180  }
.LBB2_4:
0x13: {  	s10 =	sshra.s32 s9, $0x2  }
0x14: {  	v2 =	vld [tilespmem:s10+$0x0];
	_ =	sdelay $0x7  }
0x15: {  	[tilespmem:v2+s7+$0x0] =	vst.idx.add.f32.msk $0xffff, v1  }
0x16: {  	v2 =	vld [tilespmem:s10+$0x10];
	_ =	sdelay $0x7  }
0x17: {  	[tilespmem:v2+s7+$0x0] =	vst.idx.add.f32.msk $0xffff, v1  }
0x18: {  	v2 =	vld [tilespmem:s10+$0x20];
	_ =	sdelay $0x7  }
0x19: {  	[tilespmem:v2+s7+$0x0] =	vst.idx.add.f32.msk $0xffff, v1  }
0x1a: {  	v2 =	vld [tilespmem:s10+$0x30];
	_ =	sdelay $0x7  }
0x1b: {  	[tilespmem:v2+s7+$0x0] =	vst.idx.add.f32.msk $0xffff, v1  }
0x1c: {  	v2 =	vld [tilespmem:s10+$0x40];
	_ =	sdelay $0x2  }
0x1d: {  	p0 =	sne.s32 s9, $0xF800  }
.Ltmp1:
0x1e: {  	_ = 	snop;
	(pc) =	sbr.rel @p0 .LBB2_4-.Ltmp1, $2  }
0x1f: {  	_ =	sdelay $0x2  }
0x20: {  	s9 =	sadd.s32 $0x200, s9;
	[tilespmem:v2+s7+$0x0] =	vst.idx.add.f32.msk $0xffff, v1  }
0x21: {  	s8 =	sadd.s32 $0x1, s8  }
0x22: {  	p0 =	sne.s32 s8, s5  }
.Ltmp2:
0x23: {  	_ = 	snop;
	(pc) =	sbr.rel @p0 .LBB2_1-.Ltmp2, $4  }
0x24: {  	[hbm4b:s4+s2] =	stream.linear.scatter [tilespmem:s7], [sflag:$0x1], $0x2780, $0x38;
	[tilespmem:$0x6780] =	vst v63  }
0x25: {  	_ =	swait.ge [sflag:s6], $0x2780  }
0x26: {  	[sflag:s6] =	ssyncset.done $0x0  }
0x27: {  	[sflag:s6] =	ssyncadd.s32 $0xFFFFD880  }
0x28: {  	_ =	sfence.sel $0x180000  }
0x29: {  	[bflag:$0x0] =	sbarrier.arrive $0xFFFF  }
0x2a: {  	p0 =	sne.s32 s0, $0x0;
	_ =	strace $0x90000047  }
0x2b: {  	s0 =	sadd.s32 @!p0 $0x100000, s1;
	[bflag:$0x2] =	sbarrier.arrive $0xFFFF  }
0x2c: {  	[sflag:s0] =	ssyncadd.tile.s32 @!p0 $0x1;
	_ =	shalt  }
.Lfunc_end2:
_tile_overlayer_lowered:
.L_overlay_start_2:
0x2d: {  	(tag) =	ssettag $0x2  }
0x2e: {  	s0 =	rddreg [dreg:$0x0];
	s2 =	stileid.u32  }
0x2f: {  	s1 =	rddreg [dreg:$0x1];
	p0 =	sne.s32 s2, $0x0  }
0x30: {  	s3 =	rddreg [dreg:$0x2];
	[bflag:$0x3] =	sbarrier.arrive $0xFFFF;
	s2 =	simm.s32 @!p0 $0x1C01  }
0x31: {  	[timem:s3], [sflag:s2] =	dma.local @!p0 [hbm:s0], s1  }
0x32: {  	s0 =	simm.s32 @!p0 $0x1  }
0x33: {  	_ =	swait.ge @!p0 [sflag:s0], s1  }
0x34: {  	s1 =	ssub.s32 @!p0 $0x0, s1;
	[sflag:s0] =	ssyncset.done @!p0 $0x0  }
0x35: {  	[sflag:s0] =	ssyncadd.s32 @!p0 s1  }
0x36: {  	[bflag:$0x3] =	sbarrier.arrive $0xFFFF  }
0x37: {  	_ =	shalt  }

// kernel: kernel.13.cloned.1.call-start
scs
__scs_entry_jumppad:
0x0: {  	(pc) =	sbr.rel $0x88, $3  }
0x1: {  	(tag) =	ssettag $0x0;
	lr =	simm.s32 $0x1  }
0x2: {  	[smem:$0x3F92] =	sst lr;
	_ =	strace $0xD0000000  }
0x3: {  	_ = 	snop  }
0x4: {  	_ = 	snop  }
0x5: {  	_ = 	snop  }
0x6: {  	_ = 	snop  }
0x7: {  	_ = 	snop  }
__scs_overlays_trampoline_lowered:
0x8: {  	[smem:$0x3FA1] =	sst s0  }
0x9: {  	[smem:$0x3FA2] =	sst s1  }
0xa: {  	[smem:$0x3FA3] =	sst s2  }
0xb: {  	[smem:$0x3FA4] =	sst s3  }
0xc: {  	[smem:$0x3FA5] =	sst s4  }
0xd: {  	[smem:$0x3FA6] =	sst s5  }
0xe: {  	[smem:$0x3FA7] =	sst s6  }
0xf: {  	[smem:$0x3FA8] =	sst s7  }
0x10: {  	[smem:$0x3FA9] =	sst s8  }
0x11: {  	[smem:$0x3FAA] =	sst s9;
	s0 =	simm.s32 @!p0 $0x0  }
0x12: {  	s1 =	sld [smem:$0x3F90];
	s0 =	simm.s32 @p0 $0x1  }
0x13: {  	[smem:$0x3FAB] =	sst s0;
	s0 =	simm.s32 @!p1 $0x0  }
0x14: {  	s2 =	sld [smem:$0x3F8F];
	s0 =	simm.s32 @p1 $0x1  }
0x15: {  	[smem:$0x3FAC] =	sst s0;
	s0 =	simm.s32 @!p2 $0x0  }
0x16: {  	s3 =	sld [smem:$0x3FDB];
	s0 =	simm.s32 @p2 $0x1  }
0x17: {  	s4 =	simm.s32 $0x1BF5;
	[smem:$0x3FAE] =	sst s0  }
0x18: {  	s0 =	sld [smem:$0x3F91];
	_ =	swait.ge [sflag:s4], $0x0  }
0x19: {  	s7 =	sld [smem:$0x3F92]  }
0x1a: {  	s8 =	sadd.s32 $0xFFFFE003, lr  }
0x1b: {  	s9 =	sadd.s32 $0xFFFFFEF7, lr;
	s5 =	simm.s32 $0xFFFFFFFF;
	p2 =	slt.u32 s8, $0xFFFFF086  }
0x1c: {  	p1 =	slt.u32 s9, $0xF7A;
	s5 =	simm.s32 @!p2 $0x0  }
0x1d: {  	s5 =	simm.s32 @p1 $0x1;
	p0 =	seq.s32 s7, s2  }
0x1e: {  	s7 =	smul.u32 @!p0 $0xF7A, s2;
	p2 =	seq.s32 @!p0 s5, $0x0  }
0x1f: {  	s9 =	smul.u32 $0xF7A, s1;
	s8 =	simm.s32 @!p0 $0x1BF5;
	p2 =	por !p2, p0  }
0x20: {  	[sflag:s8] =	ssyncset.s32 @!p0 $0xFFFFF086;
	s6 =	sadd.s32 @!p0 s3, s7;
	s7 =	simm.s32 @!p0 $0x108  }
0x21: {  	s3 =	sadd.s32 s3, s9;
	s6 =	sadd.s32 @!p0 $0x88, s6;
	s7 =	simm.s32 @p2 $0x1082  }
0x22: {  	[simem:s7], [sflag:s8] =	dma.local @!p0 [hbm:s6], $0xF7A  }
0x23: {  	s9 =	sor.u32 $0xD0000000, s2;
	s6 =	simm.s32 $0x108;
	_ =	swait.ge @!p0 [sflag:s8], $0x0  }
0x24: {  	s3 =	sadd.s32 $0x88, s3;
	s6 =	simm.s32 @!p1 $0x1082;
	[sflag:s4] =	ssyncset.s32 $0xFFFFF086  }
0x25: {  	[simem:s6], [sflag:s4] =	dma.local [hbm:s3], $0xF7A  }
0x26: {  	[smem:$0x3F92] =	sst s1;
	(tag) =	ssettag s2;
	_ =	strace s9  }
0x27: {  	s1 =	sld [smem:$0x3FA2]  }
0x28: {  	s2 =	sld [smem:$0x3FA3]  }
0x29: {  	s4 =	sld [smem:$0x3FA5]  }
0x2a: {  	p0 =	seq.s32 s5, $0x0;
	s5 =	sld [smem:$0x3FA6]  }
0x2b: {  	s6 =	sld [smem:$0x3FA7]  }
0x2c: {  	s7 =	sld [smem:$0x3FA8]  }
0x2d: {  	s3 =	simm.s32 $0x108;
	s8 =	sld [smem:$0x3FA9]  }
0x2e: {  	s3 =	simm.s32 @!p0 $0x1082;
	s9 =	sld [smem:$0x3FAA]  }
0x2f: {  	lr =	sadd.s32 s0, s3;
	s0 =	sld [smem:$0x3FA1]  }
0x30: {  	s3 =	sld [smem:$0x3FA4]  }
0x31: {  	[smem:$0x3FAD] =	sst s10  }
0x32: {  	s10 =	sld [smem:$0x3FAB];
	_ =	sdelay $0x3  }
0x33: {  	p0 =	seq.s32 s10, $0x1;
	s10 =	sld [smem:$0x3FAD];
	_ =	sdelay $0x3  }
0x34: {  	[smem:$0x3FAD] =	sst s10  }
0x35: {  	s10 =	sld [smem:$0x3FAC];
	_ =	sdelay $0x3  }
0x36: {  	p1 =	seq.s32 s10, $0x1;
	s10 =	sld [smem:$0x3FAD];
	_ =	sdelay $0x3  }
0x37: {  	[smem:$0x3FAD] =	sst s10  }
0x38: {  	s10 =	sld [smem:$0x3FAE]  }
0x39: {  	_ = 	snop;
	(pc) =	sbr.ind lr, $3  }
0x3a: {  	_ = 	snop  }
0x3b: {  	_ = 	snop  }
0x3c: {  	p2 =	seq.s32 s10, $0x1;
	s10 =	sld [smem:$0x3FAD]  }
0x3d: {  	_ =	shalt  }
0x3e: {  	_ =	shalt  }
0x3f: {  	_ =	shalt  }
0x40: {  	_ =	shalt  }
0x41: {  	_ =	shalt  }
0x42: {  	_ =	shalt  }
0x43: {  	_ =	shalt  }
0x44: {  	_ =	shalt  }
0x45: {  	_ =	shalt  }
0x46: {  	_ =	shalt  }
0x47: {  	_ =	shalt  }
0x48: {  	_ =	shalt  }
0x49: {  	_ =	shalt  }
0x4a: {  	_ =	shalt  }
0x4b: {  	_ =	shalt  }
0x4c: {  	_ =	shalt  }
0x4d: {  	_ =	shalt  }
0x4e: {  	_ =	shalt  }
0x4f: {  	_ =	shalt  }
0x50: {  	_ =	shalt  }
0x51: {  	_ =	shalt  }
0x52: {  	_ =	shalt  }
0x53: {  	_ =	shalt  }
0x54: {  	_ =	shalt  }
0x55: {  	_ =	shalt  }
0x56: {  	_ =	shalt  }
0x57: {  	_ =	shalt  }
0x58: {  	_ =	shalt  }
0x59: {  	_ =	shalt  }
0x5a: {  	_ =	shalt  }
0x5b: {  	_ =	shalt  }
0x5c: {  	_ =	shalt  }
0x5d: {  	_ =	shalt  }
0x5e: {  	_ =	shalt  }
0x5f: {  	_ =	shalt  }
0x60: {  	_ =	shalt  }
0x61: {  	_ =	shalt  }
0x62: {  	_ =	shalt  }
0x63: {  	_ =	shalt  }
0x64: {  	_ =	shalt  }
0x65: {  	_ =	shalt  }
0x66: {  	_ =	shalt  }
0x67: {  	_ =	shalt  }
0x68: {  	_ =	shalt  }
0x69: {  	_ =	shalt  }
0x6a: {  	_ =	shalt  }
0x6b: {  	_ =	shalt  }
0x6c: {  	_ =	shalt  }
0x6d: {  	_ =	shalt  }
0x6e: {  	_ =	shalt  }
0x6f: {  	_ =	shalt  }
0x70: {  	_ =	shalt  }
0x71: {  	_ =	shalt  }
0x72: {  	_ =	shalt  }
0x73: {  	_ =	shalt  }
0x74: {  	_ =	shalt  }
0x75: {  	_ =	shalt  }
0x76: {  	_ =	shalt  }
0x77: {  	_ =	shalt  }
0x78: {  	_ =	shalt  }
0x79: {  	_ =	shalt  }
0x7a: {  	_ =	shalt  }
0x7b: {  	_ =	shalt  }
0x7c: {  	_ =	shalt  }
0x7d: {  	_ =	shalt  }
0x7e: {  	_ =	shalt  }
0x7f: {  	_ =	shalt  }
0x80: {  	_ =	shalt  }
0x81: {  	_ =	shalt  }
0x82: {  	_ =	shalt  }
0x83: {  	_ =	shalt  }
0x84: {  	_ =	shalt  }
0x85: {  	_ =	shalt  }
0x86: {  	_ =	shalt  }
0x87: {  	_ =	shalt  }
.Lfunc_end0:
.L_simem_size_0:
called_computation.1_lowered:
.L_overlay_start_0:
0x88: {  	s2 =	sld [smem:$0x3FD9]  }
0x89: {  	s3 =	sld [smem:$0x3FFE];
	_ =	sdelay $0x1  }
0x8a: {  	s1 =	srdreg.scid  }
0x8b: {  	s0 =	sand.u32 $0x1, s1  }
0x8c: {  	s17 =	sshll.u32 s0, $0xA;
	s2 =	sadd.s32 s3, s2  }
0x8d: {  	s2 =	sadd.s32 s2, s17  }
0x8e: {  	[smem:$0x3FB9] =	sst s2  }
0x8f: {  	_ = 	snop  }
0x90: {  	(tm) =	ssettm $0x1  }
0x91: {  	s18 =	sld [smem:$0x3FFB];
	_ =	sdelay $0x3  }
0x92: {  	_ =	strace s18  }
0x93: {  	s2 =	sld [smem:$0x3FFC];
	_ =	sdelay $0x3  }
0x94: {  	_ =	strace s2  }
0x95: {  	s2 =	sld [smem:$0x3FFD];
	_ =	sdelay $0x3  }
0x96: {  	_ =	strace s2  }
0x97: {  	_ =	strace $0x8FFFFFFF  }
0x98: {  	s19 =	sld [smem:$0x3FDB];
	_ =	sdelay $0x1  }
0x99: {  	s20 =	simm.s32 $_scs_section_size  }
0x9a: {  	s4 =	simm.s32 $_size__tile_overlayer_lowered;
	s5 =	simm.s32 $_tile_overlayer_lowered  }
0x9b: {  	s6 =	simm.s32 $0x1BFF;
	s21 =	sshll.u32 s5, $0x1;
	s3 =	sadd.s32 s20, s19  }
0x9c: {  	s22 =	simm.s32 $0x0;
	s4 =	sshll.u32 s4, $0x1;
	s5 =	sadd.s32 s21, s3  }
0x9d: {  	[timem:s22], [sflag:s6] =	dma.local [hbm:s5], s4  }
0x9e: {  	_ =	swait.ge [sflag:s6], s4  }
0x9f: {  	s4 =	ssub.s32 $0x0, s4;
	[sflag:s6] =	ssyncset.done $0x0  }
0xa0: {  	[sflag:s6] =	ssyncadd.s32 s4;
	_ =	sdelay $0x1  }
0xa1: {  	s23 =	simm.s32 $0x1B8B  }
0xa2: {  	_ =	swait.ge [sflag:s23], $0x1  }
0xa3: {  	[sflag:s23] =	ssyncset.done $0x0  }
0xa4: {  	[sflag:s23] =	ssyncadd.s32 $0xFFFFFFFF  }
0xa5: {  	s4 =	sld [smem:$0x0]  }
0xa6: {  	s5 =	sand.u32 $0xFFFFFFFE, s1  }
0xa7: {  	p0 =	sne.s32 s1, s5  }
0xa8: {  	s5 =	sshll.u32 @p0 s5, $0xE  }
0xa9: {  	s5 =	sadd.s32 @p0 $0x11B8D, s5;
	s6 =	sshll.u32 @p0 s4, $0x11  }
0xaa: {  	s5 =	sor.u32 @p0 s6, s5  }
0xab: {  	[sflag:s5] =	ssyncadd.remote.s32 @p0 $0x1;
	_ =	sdelay $0x1  }
0xac: {  	s5 =	simm.s32 @p0 $0x1B8D  }
0xad: {  	_ =	swait.eq @p0 [sflag:s5], $0x1  }
0xae: {  	[sflag:s5] =	ssyncadd.s32 @p0 $0xFFFFFFFF  }
0xaf: {  	s6 =	sshll.u32 @!p0 s1, $0xE  }
0xb0: {  	s6 =	sor.u32 @!p0 $0x4000, s6;
	s5 =	simm.s32 @!p0 $0x1B8D  }
0xb1: {  	s4 =	sshll.u32 @!p0 s4, $0x11;
	s6 =	sadd.s32 @!p0 $0x11B8D, s6;
	_ =	swait.eq @!p0 [sflag:s5], $0x1  }
0xb2: {  	s4 =	sor.u32 @!p0 s4, s6;
	[sflag:s5] =	ssyncadd.s32 @!p0 $0xFFFFFFFF  }
0xb3: {  	s25 =	simm.s32 $0x1B8E;
	s24 =	sld [smem:$0x3FFE];
	[sflag:s4] =	ssyncadd.remote.s32 @!p0 $0x1  }
0xb4: {  	s26 =	simm.s32 $execute0_lowered;
	[smem:$0x3FD2] =	sst s25  }
0xb5: {  	s5 =	sshll.u32 s26, $0x1;
	_ =	strace $0x80000049;
	[dreg:$0x1] =	wrdreg $0xFFFFFFFF  }
0xb6: {  	s28 =	simm.s32 $_size_execute0_lowered;
	s3 =	sadd.s32 s3, s5;
	[dreg:$0x0] =	wrdreg $0x0  }
0xb7: {  	s5 =	sshll.u32 s28, $0x1;
	[dreg:$0x2] =	wrdreg s3  }
0xb8: {  	[dreg:$0x3] =	wrdreg s5  }
0xb9: {  	[dreg:$0x4] =	wrdreg $0xC0  }
0xba: {  	_ =	task [dreg:s22], $0x5FFFF  }
0xbb: {  	[dreg:$0x1] =	wrdreg $0xFFFFFFFF  }
0xbc: {  	[dreg:$0x0] =	wrdreg $0x60  }
0xbd: {  	[dreg:$0x2] =	wrdreg s24  }
0xbe: {  	[dreg:$0x3] =	wrdreg $0x83000  }
0xbf: {  	[dreg:$0x4] =	wrdreg $0xA  }
0xc0: {  	_ =	task.clear_ibuf [dreg:s22], $0x5FFFF;
	_ =	strace $0x90000049  }
0xc1: {  	s29 =	simm.s32 $0xA;
	_ =	strace $0x8000004B  }
0xc2: {  	_ =	swait.ge [sflag:s29], $0x1  }
0xc3: {  	[sflag:s29] =	ssyncadd.s32 $0xFFFFFFFF  }
0xc4: {  	_ =	strace $0x9000004B  }
0xc5: {  	_ =	sfence  }
0xc6: {  	s30 =	sld [smem:$0x0];
	_ =	sdelay $0x2  }
0xc7: {  	s31 =	sshll.u32 s1, $0xD;
	s1 =	sshrl.u32 s1, $0x2  }
0xc8: {  	s4 =	sand.u32 $0x4000, s31;
	s1 =	sadd.s32 s1, s30  }
0xc9: {  	s0 =	sor.u32 s4, s0;
	s1 =	sshll.u32 s1, $0x11  }
0xca: {  	s0 =	sor.u32 s1, s0  }
0xcb: {  	s0 =	sadd.s32 $0x8F2B, s0  }
0xcc: {  	[sflag:s0] =	ssyncadd.remote.s32 $0x1  }
0xcd: {  	_ =	sfence.sel $0xFFFF  }
0xce: {  	[dreg:$0x0] =	wrdreg $0xFFFFFFFF;
	(pc) =	sbr.abs _section_cstart, $3  }
0xcf: {  	[dreg:$0x1] =	wrdreg $0xFFFFFFFF  }
0xd0: {  	_ =	task.clear_ibuf [dreg:s22], $0x2FFFF;
	_ =	strace $0x9FFFFFFF  }
0xd1: {  	(tm) =	ssettm $0x7FFFFFFF  }
tec
execute0_lowered:
.L_overlay_start_1:
0x0: {  	(tag) =	ssettag $0x1  }
0x1: {  	s0 =	rddreg [dreg:$0x0]  }
0x2: {  	s1 =	rddreg [dreg:$0x1]  }
0x3: {  	s2 =	simm.s32 $0x0;
	s4 =	srdreg.scid;
	s10 =	stileid.u32  }
0x4: {  	s28 =	simm.s32 $0x300;
	s29 =	simm.s32 $0x100;
	s30 =	simm.s32 $0x180  }
0x5: {  	s31 =	simm.s32 $0x2B00;
	[smem:$0x7FF] =	sst s2;
	s3 =	sadd.s32 $0x23800, s0  }
0x6: {  	s5 =	sadd.s32 $0x5E00, s0;
	s6 =	sadd.s32 $0xFC00, s0;
	s13 =	sadd.s32 $0x71C00, s0  }
0x7: {  	s4 =	sand.u32 $0x1, s4;
	s7 =	sshll.u32 s10, $0x1;
	s8 =	smul.u32 $0x4E000, s10  }
0x8: {  	s14 =	sadd.s32 $0x98E00, s0;
	s26 =	smul.u32 $0x4E20, s10;
	s11 =	sadd.s32 $0x138000, s1  }
0x9: {  	s12 =	sadd.s32 $0x138800, s1;
	s18 =	smul.u32 $0x2700, s10;
	p1 =	sne.s32 s10, $0xF  }
0xa: {  	p2 =	seq.s32 s10, $0xF;
	_ =	strace $0x8000004A;
	[dreg:$0x6] =	wrdreg s11  }
0xb: {  	s25 =	ssub.s32 $0x2, s4;
	s7 =	sor.u32 s4, s7;
	[dreg:$0x7] =	wrdreg s12  }
0xc: {  	s15 =	smul.u32 $0x2710, s4;
	p0 =	seq.s32 s4, $0x1;
	[dreg:$0x4] =	wrdreg s13  }
0xd: {  	[dreg:$0x5] =	wrdreg s14;
	s4 =	simm.s32 $0x3;
	s11 =	simm.s32 $0x0  }
0xe: {  	s9 =	sshrl.u32 s25, $0x1;
	s8 =	sshrl.u32 s8, $0x2;
	s7 =	smul.u32 $0x2710, s7  }
0xf: {  	s21 =	sadd.s32 s13, s18;
	s23 =	sadd.s32 s14, s18;
	s0 =	ssub.s32 s25, s9  }
0x10: {  	s9 =	sadd.s32 s8, s1;
	s8 =	sadd.s32 s15, s26;
	[dreg:$0xc] =	wrdreg s21  }
0x11: {  	[dreg:$0xd] =	wrdreg s23;
	s23 =	simm.s32 $0x7B00;
	s7 =	sshrl.u32 s7, $0x3  }
0x12: {  	s20 =	sadd.s32 $0x140, s8;
	s25 =	sadd.s32 $0xA0, s8;
	s0 =	smax.u32 s0, $0x1  }
0x13: {  	s16 =	sadd.s32 s5, s7;
	s17 =	sadd.s32 s6, s7;
	s7 =	sadd.s32 $0xA, s7  }
0x14: {  	s22 =	sshrl.u32 s20, $0x3;
	[dreg:$0xe] =	wrdreg s0;
	s26 =	sshrl.u32 s25, $0x3  }
0x15: {  	s20 =	sadd.s32 $0xF0, s8;
	s25 =	simm.s32 $0x80;
	[dreg:$0x8] =	wrdreg s16  }
0x16: {  	s0 =	simm.s32 $0x200;
	s8 =	simm.s32 $0x2;
	[dreg:$0x9] =	wrdreg s17  }
.Ltmp0:
0x17: {  	s19 =	sadd.s32 s5, s7;
	s7 =	sadd.s32 s6, s7;
	(pc) =	sbr.rel .LBB2_1-.Ltmp0, $4  }
0x18: {  	s24 =	sadd.s32 s22, s6;
	s21 =	sadd.s32 s26, s6;
	[dreg:$0xa] =	wrdreg s19  }
0x19: {  	s16 =	simm.s32 $0x280;
	s17 =	simm.s32 $0x1;
	[dreg:$0xb] =	wrdreg s7  }
0x1a: {  	[dreg:$0x3] =	wrdreg s24;
	s19 =	sadd.s32 s22, s5;
	s22 =	sadd.s32 s26, s5  }
0x1b: {  	v0 =	vimm.f32 $0.0e+00;
	s24 =	simm.s32 $0x4;
	s26 =	simm.s32 $0x50;
	s7 =	simm.s32 $0x5300  }
.LBB2_10:
0x1c: {  	s18 =	rddreg [dreg:$0x6]  }
0x1d: {  	s10 =	sadd.s32 $0x27000, s13;
	s13 =	sshrl.u32 s18, $0x3  }
0x1e: {  	[hbm:s10], [sflag:s12] =	dma.local [spmem:s13], $0x100  }
0x1f: {  	_ =	swait.ge [sflag:s24], $0x100  }
0x20: {  	[sflag:s24] =	ssyncset.done $0x0  }
0x21: {  	[sflag:s24] =	ssyncadd.s32 $0xFFFFFF00  }
.LBB2_11:
0x22: {  	s11 =	sadd.s32 $0x1, s11;
	s10 =	rddreg [dreg:$0xe]  }
0x23: {  	p3 =	sne.s32 s11, s10  }
.Ltmp1:
0x24: {  	_ = 	snop;
	(pc) =	sbr.rel @!p3 .LBB2_12-.Ltmp1, $1  }
0x25: {  	_ =	sdelay $0x3  }
.LBB2_1:
0x26: {  	s12 =	simm.s32 $0x0;
	s13 =	simm.s32 $0x200  }
.LBB2_2:
0x27: {  	p3 =	sne.s32 s13, $0x1E00;
	[tilespmem:s12+$0x7B70] =	vst v0  }
0x28: {  	[tilespmem:s12+$0x7B00] =	vst v0  }
0x29: {  	[tilespmem:s12+$0x7B10] =	vst v0  }
.Ltmp2:
0x2a: {  	[tilespmem:s12+$0x7B20] =	vst v0;
	(pc) =	sbr.rel @p3 .LBB2_2-.Ltmp2, $4  }
0x2b: {  	[tilespmem:s12+$0x7B30] =	vst v0  }
0x2c: {  	[tilespmem:s12+$0x7B40] =	vst v0  }
0x2d: {  	[tilespmem:s12+$0x7B50] =	vst v0  }
0x2e: {  	[tilespmem:s12+$0x7B60] =	vst v0;
	s12 =	sshra.s32 s13, $0x2;
	s13 =	sadd.s32 $0x200, s13  }
0x2f: {  	[tilespmem:s12+$0x7B70] =	vst v0  }
0x30: {  	[tilespmem:s12+$0x7B00] =	vst v0  }
0x31: {  	[tilespmem:s12+$0x7B10] =	vst v0  }
0x32: {  	[tilespmem:s12+$0x7B20] =	vst v0  }
0x33: {  	[tilespmem:s12+$0x7B30] =	vst v0  }
0x34: {  	[tilespmem:s12+$0x7B40] =	vst v0  }
0x35: {  	[tilespmem:s12+$0x7B50] =	vst v0  }
0x36: {  	[tilespmem:s12+$0x7B60] =	vst v0;
	s18 =	sadd.s32 $0x0, s9  }
0x37: {  	[spmem:s18] =	stream.linear.scatter [tilespmem:s23], [sflag:$0x4], $0x800, $0x38;
	[tilespmem:$0x1BC00] =	vst v63  }
0x38: {  	s12 =	simm.s32 $0x2000;
	_ =	swait.ge [sflag:s24], $0x800  }
.LBB2_4:
0x39: {  	s13 =	sshra.s32 s12, $0x2;
	[sflag:s24] =	ssyncset.done $0x0;
	p3 =	sne.s32 s12, $0x4C000  }
.Ltmp3:
0x3a: {  	s13 =	sadd.s32 s13, s9;
	[sflag:s24] =	ssyncadd.s32 $0xFFFFF800;
	(pc) =	sbr.rel @p3 .LBB2_4-.Ltmp3, $3  }
0x3b: {  	[spmem:s13] =	stream.linear.scatter [tilespmem:s23], [sflag:$0x4], $0x800, $0x38;
	[tilespmem:$0x1BC00] =	vst v63  }
0x3c: {  	s12 =	sadd.s32 $0x2000, s12;
	_ =	sdelay $0x1  }
0x3d: {  	_ =	swait.ge [sflag:s24], $0x800  }
0x3e: {  	[sflag:s24] =	ssyncset.done $0x0;
	s12 =	simm.s32 @!p1 $0x7B00  }
0x3f: {  	s10 =	rddreg [dreg:$0x6];
	s13 =	simm.s32 @!p1 $0x4;
	[sflag:s24] =	ssyncadd.s32 $0xFFFFF800  }
0x40: {  	[spmem:s10] =	stream.linear.scatter @!p1 [tilespmem:s12], [sflag:$0x4], $0x800, $0x38;
	[tilespmem:$0x1BC00] =	vst v63  }
0x41: {  	_ =	swait.ge @!p1 [sflag:s13], $0x800  }
0x42: {  	[sflag:s13] =	ssyncset.done @!p1 $0x0  }
0x43: {  	s10 =	rddreg [dreg:$0x7];
	[sflag:s13] =	ssyncadd.s32 @!p1 $0xFFFFF800  }
0x44: {  	[spmem:s10] =	stream.linear.scatter @!p1 [tilespmem:s12], [sflag:$0x4], $0x800, $0x38;
	[tilespmem:$0x1BC00] =	vst v63  }
0x45: {  	_ =	swait.ge @!p1 [sflag:s13], $0x800  }
0x46: {  	[sflag:s13] =	ssyncset.done @!p1 $0x0  }
0x47: {  	[sflag:s13] =	ssyncadd.s32 @!p1 $0xFFFFF800  }
0x48: {  	[bflag:$0x0] =	sbarrier.arrive $0xFFFF  }
0x49: {  	s12 =	simm.s32 $0x0;
	s15 =	rddreg [dreg:$0x8]  }
0x4a: {  	[tilespmem:s12], [sflag:$0x4] =	stream.linear.gather [hbm4b:s15+s12], $0x50, $0x38;
	[tilespmem:$0x1BC00] =	vst v63  }
0x4b: {  	_ =	swait.ge [sflag:s24], $0x50  }
0x4c: {  	[sflag:s24] =	ssyncset.done $0x0  }
0x4d: {  	s18 =	rddreg [dreg:$0x9];
	[sflag:s24] =	ssyncadd.s32 $0xFFFFFFB0  }
0x4e: {  	[tilespmem:s25], [sflag:$0x4] =	stream.linear.gather [hbm4b:s18+s12], $0x50, $0x38;
	[tilespmem:$0x1BC00] =	vst v63  }
0x4f: {  	_ =	swait.ge [sflag:s24], $0x50  }
0x50: {  	[sflag:s24] =	ssyncset.done $0x0  }
0x51: {  	[sflag:s24] =	ssyncadd.s32 $0xFFFFFFB0  }
0x52: {  	[tilespmem:s28], [sflag:$0x1] =	stream.indirect.gather [hbm4b:s3+s26], $0x80, s12, s26, $0xb8;
	[tilespmem:$0x1BC00] =	vst v63  }
0x53: {  	s13 =	rddreg [dreg:$0xa]  }
0x54: {  	[tilespmem:s29], [sflag:$0x4] =	stream.linear.gather [hbm4b:s13+s12], $0x50, $0x38;
	[tilespmem:$0x1BC00] =	vst v63  }
0x55: {  	_ =	swait.ge [sflag:s24], $0x50  }
0x56: {  	[sflag:s24] =	ssyncset.done $0x0  }
0x57: {  	s14 =	rddreg [dreg:$0xb];
	[sflag:s24] =	ssyncadd.s32 $0xFFFFFFB0  }
0x58: {  	[tilespmem:s30], [sflag:$0x4] =	stream.linear.gather [hbm4b:s14+s12], $0x50, $0x38;
	[tilespmem:$0x1BC00] =	vst v63  }
0x59: {  	_ =	swait.ge [sflag:s24], $0x50  }
0x5a: {  	[sflag:s24] =	ssyncset.done $0x0  }
0x5b: {  	[sflag:s24] =	ssyncadd.s32 $0xFFFFFFB0  }
0x5c: {  	[tilespmem:s31], [sflag:$0x2] =	stream.indirect.gather [hbm4b:s3+s26], $0x80, s29, s26, $0xb8;
	[tilespmem:$0x1BC00] =	vst v63  }
0x5d: {  	s15 =	sadd.s32 $0x0, s22  }
0x5e: {  	[tilespmem:s0], [sflag:$0x4] =	stream.linear.gather [hbm4b:s15+s2], $0x50, $0x38;
	[tilespmem:$0x1BC00] =	vst v63  }
0x5f: {  	_ =	swait.ge [sflag:s24], $0x50  }
0x60: {  	[sflag:s24] =	ssyncset.done $0x0  }
0x61: {  	s18 =	sadd.s32 $0x0, s21;
	[sflag:s24] =	ssyncadd.s32 $0xFFFFFFB0  }
0x62: {  	[tilespmem:s16], [sflag:$0x4] =	stream.linear.gather [hbm4b:s18+s2], $0x50, $0x38;
	[tilespmem:$0x1BC00] =	vst v63  }
0x63: {  	_ =	swait.ge [sflag:s24], $0x50  }
0x64: {  	[sflag:s24] =	ssyncset.done $0x0  }
0x65: {  	[sflag:s24] =	ssyncadd.s32 $0xFFFFFFB0  }
0x66: {  	[tilespmem:s7], [sflag:$0x3] =	stream.indirect.gather [hbm4b:s3+s26], $0x80, s0, s26, $0xb8;
	[tilespmem:$0x1BC00] =	vst v63  }
0x67: {  	_ =	swait.ge [sflag:s17], $0x2800  }
0x68: {  	[sflag:s17] =	ssyncset.done $0x0  }
0x69: {  	[sflag:s17] =	ssyncadd.s32 $0xFFFFD800  }
0x6a: {  	[spmem:s1] =	stream.indirect.scatter.add.f32 [tilespmem:s28], [sflag:$0x4], $0x80, s25, s26, $0xb8;
	[tilespmem:$0x1BC00] =	vst v63  }
0x6b: {  	_ =	swait.ge [sflag:s24], $0x2800  }
0x6c: {  	s10 =	sshrl.u32 s20, $0x3;
	[sflag:s24] =	ssyncset.done $0x0  }
0x6d: {  	s14 =	sadd.s32 s5, s10;
	[sflag:s24] =	ssyncadd.s32 $0xFFFFD800  }
0x6e: {  	[tilespmem:s2], [sflag:$0x4] =	stream.linear.gather [hbm4b:s14+s2], $0x50, $0x38;
	[tilespmem:$0x1BC00] =	vst v63  }
0x6f: {  	_ =	swait.ge [sflag:s24], $0x50  }
0x70: {  	[sflag:s24] =	ssyncset.done $0x0  }
0x71: {  	s12 =	sadd.s32 s6, s10;
	[sflag:s24] =	ssyncadd.s32 $0xFFFFFFB0  }
0x72: {  	[tilespmem:s25], [sflag:$0x4] =	stream.linear.gather [hbm4b:s12+s2], $0x50, $0x38;
	[tilespmem:$0x1BC00] =	vst v63  }
0x73: {  	_ =	swait.ge [sflag:s24], $0x50  }
0x74: {  	[sflag:s24] =	ssyncset.done $0x0  }
0x75: {  	[sflag:s24] =	ssyncadd.s32 $0xFFFFFFB0  }
0x76: {  	[tilespmem:s28], [sflag:$0x1] =	stream.indirect.gather [hbm4b:s3+s26], $0x80, s2, s26, $0xb8;
	[tilespmem:$0x1BC00] =	vst v63  }
0x77: {  	_ =	swait.ge [sflag:s8], $0x2800  }
0x78: {  	[sflag:s8] =	ssyncset.done $0x0  }
0x79: {  	[sflag:s8] =	ssyncadd.s32 $0xFFFFD800  }
0x7a: {  	[spmem:s1] =	stream.indirect.scatter.add.f32 [tilespmem:s31], [sflag:$0x4], $0x80, s30, s26, $0xb8;
	[tilespmem:$0x1BC00] =	vst v63  }
0x7b: {  	_ =	swait.ge [sflag:s24], $0x2800  }
0x7c: {  	[sflag:s24] =	ssyncset.done $0x0  }
0x7d: {  	s15 =	sadd.s32 $0x0, s19;
	[sflag:s24] =	ssyncadd.s32 $0xFFFFD800  }
0x7e: {  	[tilespmem:s29], [sflag:$0x4] =	stream.linear.gather [hbm4b:s15+s2], $0x50, $0x38;
	[tilespmem:$0x1BC00] =	vst v63  }
0x7f: {  	_ =	swait.ge [sflag:s24], $0x50  }
0x80: {  	s18 =	rddreg [dreg:$0x3];
	[sflag:s24] =	ssyncset.done $0x0  }
0x81: {  	[sflag:s24] =	ssyncadd.s32 $0xFFFFFFB0;
	s12 =	sadd.s32 $0x0, s18  }
0x82: {  	[tilespmem:s30], [sflag:$0x4] =	stream.linear.gather [hbm4b:s12+s2], $0x50, $0x38;
	[tilespmem:$0x1BC00] =	vst v63  }
0x83: {  	_ =	swait.ge [sflag:s24], $0x50  }
0x84: {  	[sflag:s24] =	ssyncset.done $0x0  }
0x85: {  	[sflag:s24] =	ssyncadd.s32 $0xFFFFFFB0  }
0x86: {  	[tilespmem:s31], [sflag:$0x2] =	stream.indirect.gather [hbm4b:s3+s26], $0x80, s29, s26, $0xb8;
	[tilespmem:$0x1BC00] =	vst v63  }
0x87: {  	_ =	swait.ge [sflag:s4], $0x2800  }
0x88: {  	[sflag:s4] =	ssyncset.done $0x0  }
0x89: {  	[sflag:s4] =	ssyncadd.s32 $0xFFFFD800  }
0x8a: {  	[spmem:s1] =	stream.indirect.scatter.add.f32 [tilespmem:s7], [sflag:$0x4], $0x80, s16, s26, $0xb8;
	[tilespmem:$0x1BC00] =	vst v63  }
0x8b: {  	s13 =	sadd.s32 $0xF0, s20;
	_ =	swait.ge [sflag:s24], $0x2800  }
0x8c: {  	s14 =	simm.s32 $0x3C;
	s12 =	simm.s32 $0x1E;
	[sflag:s24] =	ssyncset.done $0x0  }
.LBB2_6:
0x8d: {  	s10 =	sadd.s32 s12, s22;
	[sflag:s24] =	ssyncadd.s32 $0xFFFFD800  }
0x8e: {  	[tilespmem:s0], [sflag:$0x4] =	stream.linear.gather [hbm4b:s10+s2], $0x50, $0x38;
	[tilespmem:$0x1BC00] =	vst v63  }
0x8f: {  	_ =	swait.ge [sflag:s24], $0x50  }
0x90: {  	s15 =	smov.u32 s14;
	s18 =	sadd.s32 $0x1E, s14;
	[sflag:s24] =	ssyncset.done $0x0  }
0x91: {  	p3 =	sne.s32 s14, $0x4B0;
	s14 =	sadd.s32 s12, s21;
	[sflag:s24] =	ssyncadd.s32 $0xFFFFFFB0  }
0x92: {  	[tilespmem:s16], [sflag:$0x4] =	stream.linear.gather [hbm4b:s14+s2], $0x50, $0x38;
	[tilespmem:$0x1BC00] =	vst v63  }
0x93: {  	_ =	swait.ge [sflag:s24], $0x50  }
0x94: {  	[sflag:s24] =	ssyncset.done $0x0  }
0x95: {  	[sflag:s24] =	ssyncadd.s32 $0xFFFFFFB0  }
0x96: {  	[tilespmem:s7], [sflag:$0x3] =	stream.indirect.gather [hbm4b:s3+s26], $0x80, s0, s26, $0xb8;
	[tilespmem:$0x1BC00] =	vst v63  }
0x97: {  	_ =	swait.ge [sflag:s17], $0x2800  }
0x98: {  	[sflag:s17] =	ssyncset.done $0x0  }
0x99: {  	[sflag:s17] =	ssyncadd.s32 $0xFFFFD800  }
0x9a: {  	[spmem:s1] =	stream.indirect.scatter.add.f32 [tilespmem:s28], [sflag:$0x4], $0x80, s25, s26, $0xb8;
	[tilespmem:$0x1BC00] =	vst v63  }
0x9b: {  	_ =	swait.ge [sflag:s24], $0x2800  }
0x9c: {  	s10 =	sshrl.u32 s13, $0x3;
	[sflag:s24] =	ssyncset.done $0x0  }
0x9d: {  	s14 =	sadd.s32 s5, s10;
	[sflag:s24] =	ssyncadd.s32 $0xFFFFD800  }
0x9e: {  	[tilespmem:s2], [sflag:$0x4] =	stream.linear.gather [hbm4b:s14+s2], $0x50, $0x38;
	[tilespmem:$0x1BC00] =	vst v63  }
0x9f: {  	_ =	swait.ge [sflag:s24], $0x50  }
0xa0: {  	[sflag:s24] =	ssyncset.done $0x0  }
0xa1: {  	s10 =	sadd.s32 s6, s10;
	[sflag:s24] =	ssyncadd.s32 $0xFFFFFFB0  }
0xa2: {  	[tilespmem:s25], [sflag:$0x4] =	stream.linear.gather [hbm4b:s10+s2], $0x50, $0x38;
	[tilespmem:$0x1BC00] =	vst v63  }
0xa3: {  	_ =	swait.ge [sflag:s24], $0x50  }
0xa4: {  	[sflag:s24] =	ssyncset.done $0x0  }
0xa5: {  	[sflag:s24] =	ssyncadd.s32 $0xFFFFFFB0  }
0xa6: {  	[tilespmem:s28], [sflag:$0x1] =	stream.indirect.gather [hbm4b:s3+s26], $0x80, s2, s26, $0xb8;
	[tilespmem:$0x1BC00] =	vst v63  }
0xa7: {  	_ =	swait.ge [sflag:s8], $0x2800  }
0xa8: {  	[sflag:s8] =	ssyncset.done $0x0  }
0xa9: {  	[sflag:s8] =	ssyncadd.s32 $0xFFFFD800  }
0xaa: {  	[spmem:s1] =	stream.indirect.scatter.add.f32 [tilespmem:s31], [sflag:$0x4], $0x80, s30, s26, $0xb8;
	[tilespmem:$0x1BC00] =	vst v63  }
0xab: {  	_ =	swait.ge [sflag:s24], $0x2800  }
0xac: {  	[sflag:s24] =	ssyncset.done $0x0  }
0xad: {  	s14 =	sadd.s32 s12, s19;
	[sflag:s24] =	ssyncadd.s32 $0xFFFFD800  }
0xae: {  	[tilespmem:s29], [sflag:$0x4] =	stream.linear.gather [hbm4b:s14+s2], $0x50, $0x38;
	[tilespmem:$0x1BC00] =	vst v63  }
0xaf: {  	_ =	swait.ge [sflag:s24], $0x50  }
0xb0: {  	s14 =	rddreg [dreg:$0x3];
	[sflag:s24] =	ssyncset.done $0x0  }
0xb1: {  	[sflag:s24] =	ssyncadd.s32 $0xFFFFFFB0;
	s10 =	sadd.s32 s12, s14  }
0xb2: {  	[tilespmem:s30], [sflag:$0x4] =	stream.linear.gather [hbm4b:s10+s2], $0x50, $0x38;
	[tilespmem:$0x1BC00] =	vst v63  }
0xb3: {  	_ =	swait.ge [sflag:s24], $0x50  }
0xb4: {  	[sflag:s24] =	ssyncset.done $0x0  }
0xb5: {  	[sflag:s24] =	ssyncadd.s32 $0xFFFFFFB0  }
0xb6: {  	[tilespmem:s31], [sflag:$0x2] =	stream.indirect.gather [hbm4b:s3+s26], $0x80, s29, s26, $0xb8;
	[tilespmem:$0x1BC00] =	vst v63  }
0xb7: {  	_ =	swait.ge [sflag:s4], $0x2800  }
.Ltmp4:
0xb8: {  	[sflag:s4] =	ssyncset.done $0x0;
	(pc) =	sbr.rel @p3 .LBB2_6-.Ltmp4, $4  }
0xb9: {  	[sflag:s4] =	ssyncadd.s32 $0xFFFFD800  }
0xba: {  	[spmem:s1] =	stream.indirect.scatter.add.f32 [tilespmem:s7], [sflag:$0x4], $0x80, s16, s26, $0xb8;
	[tilespmem:$0x1BC00] =	vst v63  }
0xbb: {  	s13 =	sadd.s32 $0xF0, s13;
	_ =	swait.ge [sflag:s24], $0x2800  }
0xbc: {  	s12 =	smov.u32 s15;
	s14 =	smov.u32 s18;
	[sflag:s24] =	ssyncset.done $0x0  }
0xbd: {  	s10 =	sadd.s32 s12, s22;
	[sflag:s24] =	ssyncadd.s32 $0xFFFFD800  }
0xbe: {  	[tilespmem:s0], [sflag:$0x4] =	stream.linear.gather [hbm4b:s10+s2], $0x50, $0x38;
	[tilespmem:$0x1BC00] =	vst v63  }
0xbf: {  	_ =	swait.ge [sflag:s24], $0x50  }
0xc0: {  	[sflag:s24] =	ssyncset.done $0x0  }
0xc1: {  	s15 =	sadd.s32 s12, s21;
	[sflag:s24] =	ssyncadd.s32 $0xFFFFFFB0  }
0xc2: {  	[tilespmem:s16], [sflag:$0x4] =	stream.linear.gather [hbm4b:s15+s2], $0x50, $0x38;
	[tilespmem:$0x1BC00] =	vst v63  }
0xc3: {  	_ =	swait.ge [sflag:s24], $0x50  }
0xc4: {  	[sflag:s24] =	ssyncset.done $0x0  }
0xc5: {  	[sflag:s24] =	ssyncadd.s32 $0xFFFFFFB0  }
0xc6: {  	[tilespmem:s7], [sflag:$0x3] =	stream.indirect.gather [hbm4b:s3+s26], $0x80, s0, s26, $0xb8;
	[tilespmem:$0x1BC00] =	vst v63  }
0xc7: {  	_ =	swait.ge [sflag:s17], $0x2800  }
0xc8: {  	[sflag:s17] =	ssyncset.done $0x0  }
0xc9: {  	[sflag:s17] =	ssyncadd.s32 $0xFFFFD800  }
0xca: {  	[spmem:s1] =	stream.indirect.scatter.add.f32 [tilespmem:s28], [sflag:$0x4], $0x80, s25, s26, $0xb8;
	[tilespmem:$0x1BC00] =	vst v63  }
0xcb: {  	_ =	swait.ge [sflag:s24], $0x2800  }
0xcc: {  	s18 =	sshrl.u32 s13, $0x3;
	[sflag:s24] =	ssyncset.done $0x0  }
0xcd: {  	s13 =	sadd.s32 s5, s18;
	[sflag:s24] =	ssyncadd.s32 $0xFFFFD800  }
0xce: {  	[tilespmem:s2], [sflag:$0x4] =	stream.linear.gather [hbm4b:s13+s2], $0x50, $0x38;
	[tilespmem:$0x1BC00] =	vst v63  }
0xcf: {  	_ =	swait.ge [sflag:s24], $0x50  }
0xd0: {  	[sflag:s24] =	ssyncset.done $0x0  }
0xd1: {  	s10 =	sadd.s32 s6, s18;
	[sflag:s24] =	ssyncadd.s32 $0xFFFFFFB0  }
0xd2: {  	[tilespmem:s25], [sflag:$0x4] =	stream.linear.gather [hbm4b:s10+s2], $0x50, $0x38;
	[tilespmem:$0x1BC00] =	vst v63  }
0xd3: {  	_ =	swait.ge [sflag:s24], $0x50  }
0xd4: {  	[sflag:s24] =	ssyncset.done $0x0  }
0xd5: {  	[sflag:s24] =	ssyncadd.s32 $0xFFFFFFB0  }
0xd6: {  	[tilespmem:s28], [sflag:$0x1] =	stream.indirect.gather [hbm4b:s3+s26], $0x80, s2, s26, $0xb8;
	[tilespmem:$0x1BC00] =	vst v63  }
0xd7: {  	_ =	swait.ge [sflag:s8], $0x2800  }
0xd8: {  	[sflag:s8] =	ssyncset.done $0x0  }
0xd9: {  	[sflag:s8] =	ssyncadd.s32 $0xFFFFD800  }
0xda: {  	[spmem:s1] =	stream.indirect.scatter.add.f32 [tilespmem:s31], [sflag:$0x4], $0x80, s30, s26, $0xb8;
	[tilespmem:$0x1BC00] =	vst v63  }
0xdb: {  	_ =	swait.ge [sflag:s24], $0x2800  }
0xdc: {  	[sflag:s24] =	ssyncset.done $0x0  }
0xdd: {  	s14 =	sadd.s32 s12, s19;
	[sflag:s24] =	ssyncadd.s32 $0xFFFFD800  }
0xde: {  	[tilespmem:s29], [sflag:$0x4] =	stream.linear.gather [hbm4b:s14+s2], $0x50, $0x38;
	[tilespmem:$0x1BC00] =	vst v63  }
0xdf: {  	_ =	swait.ge [sflag:s24], $0x50  }
0xe0: {  	s15 =	rddreg [dreg:$0x3];
	[sflag:s24] =	ssyncset.done $0x0  }
0xe1: {  	[sflag:s24] =	ssyncadd.s32 $0xFFFFFFB0;
	s10 =	sadd.s32 s12, s15  }
0xe2: {  	[tilespmem:s30], [sflag:$0x4] =	stream.linear.gather [hbm4b:s10+s2], $0x50, $0x38;
	[tilespmem:$0x1BC00] =	vst v63  }
0xe3: {  	_ =	swait.ge [sflag:s24], $0x50  }
0xe4: {  	[sflag:s24] =	ssyncset.done $0x0  }
0xe5: {  	[sflag:s24] =	ssyncadd.s32 $0xFFFFFFB0  }
0xe6: {  	[tilespmem:s31], [sflag:$0x2] =	stream.indirect.gather [hbm4b:s3+s26], $0x80, s29, s26, $0xb8;
	[tilespmem:$0x1BC00] =	vst v63  }
0xe7: {  	_ =	swait.ge [sflag:s4], $0x2800  }
0xe8: {  	[sflag:s4] =	ssyncset.done $0x0  }
0xe9: {  	[sflag:s4] =	ssyncadd.s32 $0xFFFFD800  }
0xea: {  	[spmem:s1] =	stream.indirect.scatter.add.f32 [tilespmem:s7], [sflag:$0x4], $0x80, s16, s26, $0xb8;
	[tilespmem:$0x1BC00] =	vst v63  }
0xeb: {  	_ =	swait.ge [sflag:s24], $0x2800  }
0xec: {  	[sflag:s24] =	ssyncset.done $0x0  }
0xed: {  	[sflag:s24] =	ssyncadd.s32 $0xFFFFD800  }
0xee: {  	_ =	swait.ge [sflag:s17], $0x2800  }
0xef: {  	[sflag:s17] =	ssyncset.done $0x0  }
0xf0: {  	[sflag:s17] =	ssyncadd.s32 $0xFFFFD800  }
0xf1: {  	[spmem:s1] =	stream.indirect.scatter.add.f32 [tilespmem:s28], [sflag:$0x4], $0x80, s25, s26, $0xb8;
	[tilespmem:$0x1BC00] =	vst v63  }
0xf2: {  	_ =	swait.ge [sflag:s24], $0x2800  }
0xf3: {  	[sflag:s24] =	ssyncset.done $0x0  }
0xf4: {  	[sflag:s24] =	ssyncadd.s32 $0xFFFFD800  }
0xf5: {  	_ =	swait.ge [sflag:s8], $0x2800  }
0xf6: {  	[sflag:s8] =	ssyncset.done $0x0  }
0xf7: {  	[sflag:s8] =	ssyncadd.s32 $0xFFFFD800  }
0xf8: {  	[spmem:s1] =	stream.indirect.scatter.add.f32 [tilespmem:s31], [sflag:$0x4], $0x80, s30, s26, $0xb8;
	[tilespmem:$0x1BC00] =	vst v63  }
.Ltmp5:
0xf9: {  	_ =	swait.ge [sflag:s24], $0x2800;
	(pc) =	sbr.rel @!p0 .LBB2_8-.Ltmp5, $4  }
0xfa: {  	[sflag:s24] =	ssyncset.done $0x0  }
0xfb: {  	s18 =	stileid.u32;
	[sflag:s24] =	ssyncadd.s32 $0xFFFFD800  }
0xfc: {  	s14 =	sshll.u32 s18, $0x6;
	[bflag:$0x0] =	sbarrier.arrive $0xFFFF  }
0xfd: {  	s13 =	sshrl.u32 s9, $0x3;
	s12 =	sor.u32 $0x1C04, s14  }
0xfe: {  	s12 =	sor.u32 $0x1C04, s14;
	s10 =	rddreg [dreg:$0xd]  }
0xff: {  	[hbm:s10], [sflag:s12] =	dma.local [spmem:s13], $0x2700  }
.Ltmp6:
0x100: {  	_ = 	snop;
	(pc) =	sbr.rel @p1 .LBB2_11-.Ltmp6, $4  }
.Ltmp7:
0x101: {  	_ = 	snop;
	(pc) =	sbr.rel @!p1 .LBB2_10-.Ltmp7, $4  }
0x102: {  	_ =	swait.ge [sflag:s24], $0x2700  }
0x103: {  	[sflag:s24] =	ssyncset.done $0x0  }
0x104: {  	s13 =	rddreg [dreg:$0x5];
	[sflag:s24] =	ssyncadd.s32 $0xFFFFD900  }
0x105: {  	_ = 	snop  }
.LBB2_8:
0x106: {  	s10 =	rddreg [dreg:$0xc]  }
0x107: {  	[hbm:s10], [sflag:s12] =	dma.local [spmem:s13], $0x2700  }
.Ltmp8:
0x108: {  	_ = 	snop;
	(pc) =	sbr.rel @p2 .LBB2_10-.Ltmp8, $4  }
.Ltmp9:
0x109: {  	_ = 	snop;
	(pc) =	sbr.rel @!p2 .LBB2_11-.Ltmp9, $4  }
0x10a: {  	_ =	swait.ge [sflag:s24], $0x2700  }
0x10b: {  	[sflag:s24] =	ssyncset.done $0x0  }
0x10c: {  	s13 =	rddreg [dreg:$0x4];
	[sflag:s24] =	ssyncadd.s32 $0xFFFFD900  }
0x10d: {  	_ = 	snop  }
.LBB2_12:
0x10e: {  	_ =	sfence.sel $0x180000  }
0x10f: {  	[bflag:$0x0] =	sbarrier.arrive $0xFFFF  }
0x110: {  	_ =	strace $0x9000004A  }
0x111: {  	s0 =	stileid.u32;
	[bflag:$0x2] =	sbarrier.arrive $0xFFFF  }
0x112: {  	p0 =	sne.s32 s0, $0x0;
	s0 =	rddreg [dreg:$0x2]  }
0x113: {  	s0 =	sadd.s32 @!p0 $0x100000, s0  }
0x114: {  	[sflag:s0] =	ssyncadd.tile.s32 @!p0 $0x1;
	_ =	shalt  }
.Lfunc_end2:
_tile_overlayer_lowered:
.L_overlay_start_2:
0x115: {  	(tag) =	ssettag $0x2  }
0x116: {  	s0 =	rddreg [dreg:$0x0];
	s2 =	stileid.u32  }
0x117: {  	s1 =	rddreg [dreg:$0x1];
	p0 =	sne.s32 s2, $0x0  }
0x118: {  	s3 =	rddreg [dreg:$0x2];
	[bflag:$0x3] =	sbarrier.arrive $0xFFFF;
	s2 =	simm.s32 @!p0 $0x1C04  }
0x119: {  	[timem:s3], [sflag:s2] =	dma.local @!p0 [hbm:s0], s1  }
0x11a: {  	s0 =	simm.s32 @!p0 $0x4  }
0x11b: {  	_ =	swait.ge @!p0 [sflag:s0], s1  }
0x11c: {  	s1 =	ssub.s32 @!p0 $0x0, s1;
	[sflag:s0] =	ssyncset.done @!p0 $0x0  }
0x11d: {  	[sflag:s0] =	ssyncadd.s32 @!p0 s1  }
0x11e: {  	[bflag:$0x3] =	sbarrier.arrive $0xFFFF  }
0x11f: {  	_ =	shalt  }

// kernel: kernel.16.cloned.1.call-start
scs
__scs_entry_jumppad:
0x0: {  	(pc) =	sbr.rel $0x88, $3  }
0x1: {  	(tag) =	ssettag $0x0;
	lr =	simm.s32 $0x1  }
0x2: {  	[smem:$0x3F92] =	sst lr;
	_ =	strace $0xD0000000  }
0x3: {  	_ = 	snop  }
0x4: {  	_ = 	snop  }
0x5: {  	_ = 	snop  }
0x6: {  	_ = 	snop  }
0x7: {  	_ = 	snop  }
__scs_overlays_trampoline_lowered:
0x8: {  	[smem:$0x3FA1] =	sst s0  }
0x9: {  	[smem:$0x3FA2] =	sst s1  }
0xa: {  	[smem:$0x3FA3] =	sst s2  }
0xb: {  	[smem:$0x3FA4] =	sst s3  }
0xc: {  	[smem:$0x3FA5] =	sst s4  }
0xd: {  	[smem:$0x3FA6] =	sst s5  }
0xe: {  	[smem:$0x3FA7] =	sst s6  }
0xf: {  	[smem:$0x3FA8] =	sst s7  }
0x10: {  	[smem:$0x3FA9] =	sst s8  }
0x11: {  	[smem:$0x3FAA] =	sst s9;
	s0 =	simm.s32 @!p0 $0x0  }
0x12: {  	s1 =	sld [smem:$0x3F90];
	s0 =	simm.s32 @p0 $0x1  }
0x13: {  	[smem:$0x3FAB] =	sst s0;
	s0 =	simm.s32 @!p1 $0x0  }
0x14: {  	s2 =	sld [smem:$0x3F8F];
	s0 =	simm.s32 @p1 $0x1  }
0x15: {  	[smem:$0x3FAC] =	sst s0;
	s0 =	simm.s32 @!p2 $0x0  }
0x16: {  	s3 =	sld [smem:$0x3FDB];
	s0 =	simm.s32 @p2 $0x1  }
0x17: {  	s4 =	simm.s32 $0x1BF5;
	[smem:$0x3FAE] =	sst s0  }
0x18: {  	s0 =	sld [smem:$0x3F91];
	_ =	swait.ge [sflag:s4], $0x0  }
0x19: {  	s7 =	sld [smem:$0x3F92]  }
0x1a: {  	s8 =	sadd.s32 $0xFFFFE003, lr  }
0x1b: {  	s9 =	sadd.s32 $0xFFFFFEF7, lr;
	s5 =	simm.s32 $0xFFFFFFFF;
	p2 =	slt.u32 s8, $0xFFFFF086  }
0x1c: {  	p1 =	slt.u32 s9, $0xF7A;
	s5 =	simm.s32 @!p2 $0x0  }
0x1d: {  	s5 =	simm.s32 @p1 $0x1;
	p0 =	seq.s32 s7, s2  }
0x1e: {  	s7 =	smul.u32 @!p0 $0xF7A, s2;
	p2 =	seq.s32 @!p0 s5, $0x0  }
0x1f: {  	s9 =	smul.u32 $0xF7A, s1;
	s8 =	simm.s32 @!p0 $0x1BF5;
	p2 =	por !p2, p0  }
0x20: {  	[sflag:s8] =	ssyncset.s32 @!p0 $0xFFFFF086;
	s6 =	sadd.s32 @!p0 s3, s7;
	s7 =	simm.s32 @!p0 $0x108  }
0x21: {  	s3 =	sadd.s32 s3, s9;
	s6 =	sadd.s32 @!p0 $0x88, s6;
	s7 =	simm.s32 @p2 $0x1082  }
0x22: {  	[simem:s7], [sflag:s8] =	dma.local @!p0 [hbm:s6], $0xF7A  }
0x23: {  	s9 =	sor.u32 $0xD0000000, s2;
	s6 =	simm.s32 $0x108;
	_ =	swait.ge @!p0 [sflag:s8], $0x0  }
0x24: {  	s3 =	sadd.s32 $0x88, s3;
	s6 =	simm.s32 @!p1 $0x1082;
	[sflag:s4] =	ssyncset.s32 $0xFFFFF086  }
0x25: {  	[simem:s6], [sflag:s4] =	dma.local [hbm:s3], $0xF7A  }
0x26: {  	[smem:$0x3F92] =	sst s1;
	(tag) =	ssettag s2;
	_ =	strace s9  }
0x27: {  	s1 =	sld [smem:$0x3FA2]  }
0x28: {  	s2 =	sld [smem:$0x3FA3]  }
0x29: {  	s4 =	sld [smem:$0x3FA5]  }
0x2a: {  	p0 =	seq.s32 s5, $0x0;
	s5 =	sld [smem:$0x3FA6]  }
0x2b: {  	s6 =	sld [smem:$0x3FA7]  }
0x2c: {  	s7 =	sld [smem:$0x3FA8]  }
0x2d: {  	s3 =	simm.s32 $0x108;
	s8 =	sld [smem:$0x3FA9]  }
0x2e: {  	s3 =	simm.s32 @!p0 $0x1082;
	s9 =	sld [smem:$0x3FAA]  }
0x2f: {  	lr =	sadd.s32 s0, s3;
	s0 =	sld [smem:$0x3FA1]  }
0x30: {  	s3 =	sld [smem:$0x3FA4]  }
0x31: {  	[smem:$0x3FAD] =	sst s10  }
0x32: {  	s10 =	sld [smem:$0x3FAB];
	_ =	sdelay $0x3  }
0x33: {  	p0 =	seq.s32 s10, $0x1;
	s10 =	sld [smem:$0x3FAD];
	_ =	sdelay $0x3  }
0x34: {  	[smem:$0x3FAD] =	sst s10  }
0x35: {  	s10 =	sld [smem:$0x3FAC];
	_ =	sdelay $0x3  }
0x36: {  	p1 =	seq.s32 s10, $0x1;
	s10 =	sld [smem:$0x3FAD];
	_ =	sdelay $0x3  }
0x37: {  	[smem:$0x3FAD] =	sst s10  }
0x38: {  	s10 =	sld [smem:$0x3FAE]  }
0x39: {  	_ = 	snop;
	(pc) =	sbr.ind lr, $3  }
0x3a: {  	_ = 	snop  }
0x3b: {  	_ = 	snop  }
0x3c: {  	p2 =	seq.s32 s10, $0x1;
	s10 =	sld [smem:$0x3FAD]  }
0x3d: {  	_ =	shalt  }
0x3e: {  	_ =	shalt  }
0x3f: {  	_ =	shalt  }
0x40: {  	_ =	shalt  }
0x41: {  	_ =	shalt  }
0x42: {  	_ =	shalt  }
0x43: {  	_ =	shalt  }
0x44: {  	_ =	shalt  }
0x45: {  	_ =	shalt  }
0x46: {  	_ =	shalt  }
0x47: {  	_ =	shalt  }
0x48: {  	_ =	shalt  }
0x49: {  	_ =	shalt  }
0x4a: {  	_ =	shalt  }
0x4b: {  	_ =	shalt  }
0x4c: {  	_ =	shalt  }
0x4d: {  	_ =	shalt  }
0x4e: {  	_ =	shalt  }
0x4f: {  	_ =	shalt  }
0x50: {  	_ =	shalt  }
0x51: {  	_ =	shalt  }
0x52: {  	_ =	shalt  }
0x53: {  	_ =	shalt  }
0x54: {  	_ =	shalt  }
0x55: {  	_ =	shalt  }
0x56: {  	_ =	shalt  }
0x57: {  	_ =	shalt  }
0x58: {  	_ =	shalt  }
0x59: {  	_ =	shalt  }
0x5a: {  	_ =	shalt  }
0x5b: {  	_ =	shalt  }
0x5c: {  	_ =	shalt  }
0x5d: {  	_ =	shalt  }
0x5e: {  	_ =	shalt  }
0x5f: {  	_ =	shalt  }
0x60: {  	_ =	shalt  }
0x61: {  	_ =	shalt  }
0x62: {  	_ =	shalt  }
0x63: {  	_ =	shalt  }
0x64: {  	_ =	shalt  }
0x65: {  	_ =	shalt  }
0x66: {  	_ =	shalt  }
0x67: {  	_ =	shalt  }
0x68: {  	_ =	shalt  }
0x69: {  	_ =	shalt  }
0x6a: {  	_ =	shalt  }
0x6b: {  	_ =	shalt  }
0x6c: {  	_ =	shalt  }
0x6d: {  	_ =	shalt  }
0x6e: {  	_ =	shalt  }
0x6f: {  	_ =	shalt  }
0x70: {  	_ =	shalt  }
0x71: {  	_ =	shalt  }
0x72: {  	_ =	shalt  }
0x73: {  	_ =	shalt  }
0x74: {  	_ =	shalt  }
0x75: {  	_ =	shalt  }
0x76: {  	_ =	shalt  }
0x77: {  	_ =	shalt  }
0x78: {  	_ =	shalt  }
0x79: {  	_ =	shalt  }
0x7a: {  	_ =	shalt  }
0x7b: {  	_ =	shalt  }
0x7c: {  	_ =	shalt  }
0x7d: {  	_ =	shalt  }
0x7e: {  	_ =	shalt  }
0x7f: {  	_ =	shalt  }
0x80: {  	_ =	shalt  }
0x81: {  	_ =	shalt  }
0x82: {  	_ =	shalt  }
0x83: {  	_ =	shalt  }
0x84: {  	_ =	shalt  }
0x85: {  	_ =	shalt  }
0x86: {  	_ =	shalt  }
0x87: {  	_ =	shalt  }
.Lfunc_end0:
.L_simem_size_0:
called_computation.2_lowered:
.L_overlay_start_0:
0x88: {  	s2 =	sld [smem:$0x3FD9]  }
0x89: {  	s3 =	sld [smem:$0x3FFE];
	_ =	sdelay $0x1  }
0x8a: {  	s1 =	srdreg.scid  }
0x8b: {  	s0 =	sand.u32 $0x1, s1  }
0x8c: {  	s16 =	sshll.u32 s0, $0xA;
	s2 =	sadd.s32 s3, s2  }
0x8d: {  	s2 =	sadd.s32 s2, s16  }
0x8e: {  	[smem:$0x3FB9] =	sst s2  }
0x8f: {  	_ = 	snop  }
0x90: {  	(tm) =	ssettm $0x1  }
0x91: {  	s17 =	sld [smem:$0x3FFB];
	_ =	sdelay $0x3  }
0x92: {  	_ =	strace s17  }
0x93: {  	s2 =	sld [smem:$0x3FFC];
	_ =	sdelay $0x3  }
0x94: {  	_ =	strace s2  }
0x95: {  	s2 =	sld [smem:$0x3FFD];
	_ =	sdelay $0x3  }
0x96: {  	_ =	strace s2  }
0x97: {  	_ =	strace $0x8FFFFFFF  }
0x98: {  	s18 =	sld [smem:$0x3FDB];
	_ =	sdelay $0x1  }
0x99: {  	s19 =	simm.s32 $_scs_section_size  }
0x9a: {  	s4 =	simm.s32 $_size__tile_overlayer_lowered;
	s5 =	simm.s32 $_tile_overlayer_lowered  }
0x9b: {  	s22 =	simm.s32 $0x1BFF;
	s21 =	sshll.u32 s5, $0x1;
	s2 =	sadd.s32 s19, s18  }
0x9c: {  	s6 =	simm.s32 $0x0;
	s20 =	sshll.u32 s4, $0x1;
	s4 =	sadd.s32 s21, s2  }
0x9d: {  	[timem:s6], [sflag:s22] =	dma.local [hbm:s4], s20  }
0x9e: {  	_ =	swait.ge [sflag:s22], s20  }
0x9f: {  	s3 =	ssub.s32 $0x0, s20;
	[sflag:s22] =	ssyncset.done $0x0  }
0xa0: {  	[sflag:s22] =	ssyncadd.s32 s3;
	_ =	sdelay $0x1  }
0xa1: {  	s23 =	simm.s32 $0x1B8B  }
0xa2: {  	_ =	swait.ge [sflag:s23], $0x1  }
0xa3: {  	[sflag:s23] =	ssyncset.done $0x0  }
0xa4: {  	s25 =	simm.s32 $0x1B8E;
	s24 =	sld [smem:$0x3FFE];
	[sflag:s23] =	ssyncadd.s32 $0xFFFFFFFF  }
0xa5: {  	s26 =	simm.s32 $execute0_lowered;
	[smem:$0x3FD2] =	sst s25  }
0xa6: {  	s4 =	sshll.u32 s26, $0x1;
	_ =	strace $0x8000004C;
	[dreg:$0x1] =	wrdreg $0xFFFFFFFF  }
0xa7: {  	s28 =	simm.s32 $_size_execute0_lowered;
	s2 =	sadd.s32 s2, s4;
	[dreg:$0x0] =	wrdreg $0x0  }
0xa8: {  	s4 =	sshll.u32 s28, $0x1;
	[dreg:$0x2] =	wrdreg s2  }
0xa9: {  	[dreg:$0x3] =	wrdreg s4  }
0xaa: {  	[dreg:$0x4] =	wrdreg $0xC0  }
0xab: {  	_ =	task [dreg:s6], $0x5FFFF  }
0xac: {  	[dreg:$0x1] =	wrdreg $0xFFFFFFFF  }
0xad: {  	[dreg:$0x0] =	wrdreg $0x60  }
0xae: {  	[dreg:$0x2] =	wrdreg s24  }
0xaf: {  	[dreg:$0x3] =	wrdreg $0x83000  }
0xb0: {  	[dreg:$0x4] =	wrdreg $0x9  }
0xb1: {  	_ =	task.clear_ibuf [dreg:s6], $0x5FFFF;
	_ =	strace $0x9000004C  }
0xb2: {  	s29 =	simm.s32 $0x9;
	_ =	strace $0x8000004E  }
0xb3: {  	_ =	swait.ge [sflag:s29], $0x1  }
0xb4: {  	[sflag:s29] =	ssyncadd.s32 $0xFFFFFFFF  }
0xb5: {  	_ =	strace $0x9000004E  }
0xb6: {  	_ =	sfence  }
0xb7: {  	s30 =	sld [smem:$0x0];
	_ =	sdelay $0x2  }
0xb8: {  	s31 =	sshll.u32 s1, $0xD;
	s1 =	sshrl.u32 s1, $0x2  }
0xb9: {  	s3 =	sand.u32 $0x4000, s31;
	s1 =	sadd.s32 s1, s30  }
0xba: {  	s0 =	sor.u32 s3, s0;
	s1 =	sshll.u32 s1, $0x11  }
0xbb: {  	s0 =	sor.u32 s1, s0  }
0xbc: {  	s0 =	sadd.s32 $0x8F2B, s0  }
0xbd: {  	[sflag:s0] =	ssyncadd.remote.s32 $0x1  }
0xbe: {  	_ =	sfence.sel $0xFFFF  }
0xbf: {  	[dreg:$0x0] =	wrdreg $0xFFFFFFFF;
	(pc) =	sbr.abs _section_cstart, $3  }
0xc0: {  	[dreg:$0x1] =	wrdreg $0xFFFFFFFF  }
0xc1: {  	_ =	task.clear_ibuf [dreg:s6], $0x2FFFF;
	_ =	strace $0x9FFFFFFF  }
0xc2: {  	(tm) =	ssettm $0x7FFFFFFF  }
0xc3: {  	_ =	shalt  }
tec
execute0_lowered:
.L_overlay_start_1:
0x0: {  	(tag) =	ssettag $0x1  }
0x1: {  	s0 =	rddreg [dreg:$0x0]  }
0x2: {  	s1 =	rddreg [dreg:$0x1]  }
0x3: {  	s2 =	simm.s32 $0x0;
	s4 =	srdreg.scid;
	s10 =	stileid.u32  }
0x4: {  	s28 =	simm.s32 $0x300;
	s29 =	simm.s32 $0x100;
	s30 =	simm.s32 $0x180  }
0x5: {  	s31 =	simm.s32 $0x2B00;
	[smem:$0x7FF] =	sst s2;
	s3 =	sadd.s32 $0x19A00, s0  }
0x6: {  	s5 =	sadd.s32 $0x5E00, s0;
	s6 =	sadd.s32 $0xFC00, s0;
	s13 =	sadd.s32 $0x8F000, s0  }
0x7: {  	s4 =	sand.u32 $0x1, s4;
	s7 =	sshll.u32 s10, $0x1;
	s8 =	smul.u32 $0x4E000, s10  }
0x8: {  	s14 =	sadd.s32 $0xB6200, s0;
	s26 =	smul.u32 $0x4E20, s10;
	s11 =	sadd.s32 $0x138000, s1  }
0x9: {  	s12 =	sadd.s32 $0x138800, s1;
	s18 =	smul.u32 $0x2700, s10;
	p1 =	sne.s32 s10, $0xF  }
0xa: {  	p2 =	seq.s32 s10, $0xF;
	_ =	strace $0x8000004D;
	[dreg:$0x6] =	wrdreg s11  }
0xb: {  	s25 =	ssub.s32 $0x2, s4;
	s7 =	sor.u32 s4, s7;
	[dreg:$0x7] =	wrdreg s12  }
0xc: {  	s15 =	smul.u32 $0x2710, s4;
	p0 =	seq.s32 s4, $0x1;
	[dreg:$0x4] =	wrdreg s13  }
0xd: {  	[dreg:$0x5] =	wrdreg s14;
	s4 =	simm.s32 $0x3;
	s11 =	simm.s32 $0x0  }
0xe: {  	s9 =	sshrl.u32 s25, $0x1;
	s8 =	sshrl.u32 s8, $0x2;
	s7 =	smul.u32 $0x2710, s7  }
0xf: {  	s21 =	sadd.s32 s13, s18;
	s23 =	sadd.s32 s14, s18;
	s0 =	ssub.s32 s25, s9  }
0x10: {  	s9 =	sadd.s32 s8, s1;
	s8 =	sadd.s32 s15, s26;
	[dreg:$0xc] =	wrdreg s21  }
0x11: {  	[dreg:$0xd] =	wrdreg s23;
	s23 =	simm.s32 $0x7B00;
	s7 =	sshrl.u32 s7, $0x3  }
0x12: {  	s20 =	sadd.s32 $0x140, s8;
	s25 =	sadd.s32 $0xA0, s8;
	s0 =	smax.u32 s0, $0x1  }
0x13: {  	s16 =	sadd.s32 s5, s7;
	s17 =	sadd.s32 s6, s7;
	s7 =	sadd.s32 $0xA, s7  }
0x14: {  	s22 =	sshrl.u32 s20, $0x3;
	[dreg:$0xe] =	wrdreg s0;
	s26 =	sshrl.u32 s25, $0x3  }
0x15: {  	s20 =	sadd.s32 $0xF0, s8;
	s25 =	simm.s32 $0x80;
	[dreg:$0x8] =	wrdreg s16  }
0x16: {  	s0 =	simm.s32 $0x200;
	s8 =	simm.s32 $0x2;
	[dreg:$0x9] =	wrdreg s17  }
.Ltmp0:
0x17: {  	s19 =	sadd.s32 s5, s7;
	s7 =	sadd.s32 s6, s7;
	(pc) =	sbr.rel .LBB2_1-.Ltmp0, $4  }
0x18: {  	s24 =	sadd.s32 s22, s6;
	s21 =	sadd.s32 s26, s6;
	[dreg:$0xa] =	wrdreg s19  }
0x19: {  	s16 =	simm.s32 $0x280;
	s17 =	simm.s32 $0x1;
	[dreg:$0xb] =	wrdreg s7  }
0x1a: {  	[dreg:$0x3] =	wrdreg s24;
	s19 =	sadd.s32 s22, s5;
	s22 =	sadd.s32 s26, s5  }
0x1b: {  	v0 =	vimm.f32 $0.0e+00;
	s24 =	simm.s32 $0x4;
	s26 =	simm.s32 $0x50;
	s7 =	simm.s32 $0x5300  }
.LBB2_10:
0x1c: {  	s18 =	rddreg [dreg:$0x6]  }
0x1d: {  	s10 =	sadd.s32 $0x27000, s13;
	s13 =	sshrl.u32 s18, $0x3  }
0x1e: {  	[hbm:s10], [sflag:s12] =	dma.local [spmem:s13], $0x100  }
0x1f: {  	_ =	swait.ge [sflag:s24], $0x100  }
0x20: {  	[sflag:s24] =	ssyncset.done $0x0  }
0x21: {  	[sflag:s24] =	ssyncadd.s32 $0xFFFFFF00  }
.LBB2_11:
0x22: {  	s11 =	sadd.s32 $0x1, s11;
	s10 =	rddreg [dreg:$0xe]  }
0x23: {  	p3 =	sne.s32 s11, s10  }
.Ltmp1:
0x24: {  	_ = 	snop;
	(pc) =	sbr.rel @!p3 .LBB2_12-.Ltmp1, $1  }
0x25: {  	_ =	sdelay $0x3  }
.LBB2_1:
0x26: {  	s12 =	simm.s32 $0x0;
	s13 =	simm.s32 $0x200  }
.LBB2_2:
0x27: {  	p3 =	sne.s32 s13, $0x1E00;
	[tilespmem:s12+$0x7B70] =	vst v0  }
0x28: {  	[tilespmem:s12+$0x7B00] =	vst v0  }
0x29: {  	[tilespmem:s12+$0x7B10] =	vst v0  }
.Ltmp2:
0x2a: {  	[tilespmem:s12+$0x7B20] =	vst v0;
	(pc) =	sbr.rel @p3 .LBB2_2-.Ltmp2, $4  }
0x2b: {  	[tilespmem:s12+$0x7B30] =	vst v0  }
0x2c: {  	[tilespmem:s12+$0x7B40] =	vst v0  }
0x2d: {  	[tilespmem:s12+$0x7B50] =	vst v0  }
0x2e: {  	[tilespmem:s12+$0x7B60] =	vst v0;
	s12 =	sshra.s32 s13, $0x2;
	s13 =	sadd.s32 $0x200, s13  }
0x2f: {  	[tilespmem:s12+$0x7B70] =	vst v0  }
0x30: {  	[tilespmem:s12+$0x7B00] =	vst v0  }
0x31: {  	[tilespmem:s12+$0x7B10] =	vst v0  }
0x32: {  	[tilespmem:s12+$0x7B20] =	vst v0  }
0x33: {  	[tilespmem:s12+$0x7B30] =	vst v0  }
0x34: {  	[tilespmem:s12+$0x7B40] =	vst v0  }
0x35: {  	[tilespmem:s12+$0x7B50] =	vst v0  }
0x36: {  	[tilespmem:s12+$0x7B60] =	vst v0;
	s18 =	sadd.s32 $0x0, s9  }
0x37: {  	[spmem:s18] =	stream.linear.scatter [tilespmem:s23], [sflag:$0x4], $0x800, $0x38;
	[tilespmem:$0x1BC00] =	vst v63  }
0x38: {  	s12 =	simm.s32 $0x2000;
	_ =	swait.ge [sflag:s24], $0x800  }
.LBB2_4:
0x39: {  	s13 =	sshra.s32 s12, $0x2;
	[sflag:s24] =	ssyncset.done $0x0;
	p3 =	sne.s32 s12, $0x4C000  }
.Ltmp3:
0x3a: {  	s13 =	sadd.s32 s13, s9;
	[sflag:s24] =	ssyncadd.s32 $0xFFFFF800;
	(pc) =	sbr.rel @p3 .LBB2_4-.Ltmp3, $3  }
0x3b: {  	[spmem:s13] =	stream.linear.scatter [tilespmem:s23], [sflag:$0x4], $0x800, $0x38;
	[tilespmem:$0x1BC00] =	vst v63  }
0x3c: {  	s12 =	sadd.s32 $0x2000, s12;
	_ =	sdelay $0x1  }
0x3d: {  	_ =	swait.ge [sflag:s24], $0x800  }
0x3e: {  	[sflag:s24] =	ssyncset.done $0x0;
	s12 =	simm.s32 @!p1 $0x7B00  }
0x3f: {  	s10 =	rddreg [dreg:$0x6];
	s13 =	simm.s32 @!p1 $0x4;
	[sflag:s24] =	ssyncadd.s32 $0xFFFFF800  }
0x40: {  	[spmem:s10] =	stream.linear.scatter @!p1 [tilespmem:s12], [sflag:$0x4], $0x800, $0x38;
	[tilespmem:$0x1BC00] =	vst v63  }
0x41: {  	_ =	swait.ge @!p1 [sflag:s13], $0x800  }
0x42: {  	[sflag:s13] =	ssyncset.done @!p1 $0x0  }
0x43: {  	s10 =	rddreg [dreg:$0x7];
	[sflag:s13] =	ssyncadd.s32 @!p1 $0xFFFFF800  }
0x44: {  	[spmem:s10] =	stream.linear.scatter @!p1 [tilespmem:s12], [sflag:$0x4], $0x800, $0x38;
	[tilespmem:$0x1BC00] =	vst v63  }
0x45: {  	_ =	swait.ge @!p1 [sflag:s13], $0x800  }
0x46: {  	[sflag:s13] =	ssyncset.done @!p1 $0x0  }
0x47: {  	[sflag:s13] =	ssyncadd.s32 @!p1 $0xFFFFF800  }
0x48: {  	[bflag:$0x0] =	sbarrier.arrive $0xFFFF  }
0x49: {  	s12 =	simm.s32 $0x0;
	s15 =	rddreg [dreg:$0x8]  }
0x4a: {  	[tilespmem:s12], [sflag:$0x4] =	stream.linear.gather [hbm4b:s15+s12], $0x50, $0x38;
	[tilespmem:$0x1BC00] =	vst v63  }
0x4b: {  	_ =	swait.ge [sflag:s24], $0x50  }
0x4c: {  	[sflag:s24] =	ssyncset.done $0x0  }
0x4d: {  	s18 =	rddreg [dreg:$0x9];
	[sflag:s24] =	ssyncadd.s32 $0xFFFFFFB0  }
0x4e: {  	[tilespmem:s25], [sflag:$0x4] =	stream.linear.gather [hbm4b:s18+s12], $0x50, $0x38;
	[tilespmem:$0x1BC00] =	vst v63  }
0x4f: {  	_ =	swait.ge [sflag:s24], $0x50  }
0x50: {  	[sflag:s24] =	ssyncset.done $0x0  }
0x51: {  	[sflag:s24] =	ssyncadd.s32 $0xFFFFFFB0  }
0x52: {  	[tilespmem:s28], [sflag:$0x1] =	stream.indirect.gather [hbm4b:s3+s26], $0x80, s12, s26, $0xb8;
	[tilespmem:$0x1BC00] =	vst v63  }
0x53: {  	s13 =	rddreg [dreg:$0xa]  }
0x54: {  	[tilespmem:s29], [sflag:$0x4] =	stream.linear.gather [hbm4b:s13+s12], $0x50, $0x38;
	[tilespmem:$0x1BC00] =	vst v63  }
0x55: {  	_ =	swait.ge [sflag:s24], $0x50  }
0x56: {  	[sflag:s24] =	ssyncset.done $0x0  }
0x57: {  	s14 =	rddreg [dreg:$0xb];
	[sflag:s24] =	ssyncadd.s32 $0xFFFFFFB0  }
0x58: {  	[tilespmem:s30], [sflag:$0x4] =	stream.linear.gather [hbm4b:s14+s12], $0x50, $0x38;
	[tilespmem:$0x1BC00] =	vst v63  }
0x59: {  	_ =	swait.ge [sflag:s24], $0x50  }
0x5a: {  	[sflag:s24] =	ssyncset.done $0x0  }
0x5b: {  	[sflag:s24] =	ssyncadd.s32 $0xFFFFFFB0  }
0x5c: {  	[tilespmem:s31], [sflag:$0x2] =	stream.indirect.gather [hbm4b:s3+s26], $0x80, s29, s26, $0xb8;
	[tilespmem:$0x1BC00] =	vst v63  }
0x5d: {  	s15 =	sadd.s32 $0x0, s22  }
0x5e: {  	[tilespmem:s0], [sflag:$0x4] =	stream.linear.gather [hbm4b:s15+s2], $0x50, $0x38;
	[tilespmem:$0x1BC00] =	vst v63  }
0x5f: {  	_ =	swait.ge [sflag:s24], $0x50  }
0x60: {  	[sflag:s24] =	ssyncset.done $0x0  }
0x61: {  	s18 =	sadd.s32 $0x0, s21;
	[sflag:s24] =	ssyncadd.s32 $0xFFFFFFB0  }
0x62: {  	[tilespmem:s16], [sflag:$0x4] =	stream.linear.gather [hbm4b:s18+s2], $0x50, $0x38;
	[tilespmem:$0x1BC00] =	vst v63  }
0x63: {  	_ =	swait.ge [sflag:s24], $0x50  }
0x64: {  	[sflag:s24] =	ssyncset.done $0x0  }
0x65: {  	[sflag:s24] =	ssyncadd.s32 $0xFFFFFFB0  }
0x66: {  	[tilespmem:s7], [sflag:$0x3] =	stream.indirect.gather [hbm4b:s3+s26], $0x80, s0, s26, $0xb8;
	[tilespmem:$0x1BC00] =	vst v63  }
0x67: {  	_ =	swait.ge [sflag:s17], $0x2800  }
0x68: {  	[sflag:s17] =	ssyncset.done $0x0  }
0x69: {  	[sflag:s17] =	ssyncadd.s32 $0xFFFFD800  }
0x6a: {  	[spmem:s1] =	stream.indirect.scatter.add.f32 [tilespmem:s28], [sflag:$0x4], $0x80, s25, s26, $0xb8;
	[tilespmem:$0x1BC00] =	vst v63  }
0x6b: {  	_ =	swait.ge [sflag:s24], $0x2800  }
0x6c: {  	s10 =	sshrl.u32 s20, $0x3;
	[sflag:s24] =	ssyncset.done $0x0  }
0x6d: {  	s14 =	sadd.s32 s5, s10;
	[sflag:s24] =	ssyncadd.s32 $0xFFFFD800  }
0x6e: {  	[tilespmem:s2], [sflag:$0x4] =	stream.linear.gather [hbm4b:s14+s2], $0x50, $0x38;
	[tilespmem:$0x1BC00] =	vst v63  }
0x6f: {  	_ =	swait.ge [sflag:s24], $0x50  }
0x70: {  	[sflag:s24] =	ssyncset.done $0x0  }
0x71: {  	s12 =	sadd.s32 s6, s10;
	[sflag:s24] =	ssyncadd.s32 $0xFFFFFFB0  }
0x72: {  	[tilespmem:s25], [sflag:$0x4] =	stream.linear.gather [hbm4b:s12+s2], $0x50, $0x38;
	[tilespmem:$0x1BC00] =	vst v63  }
0x73: {  	_ =	swait.ge [sflag:s24], $0x50  }
0x74: {  	[sflag:s24] =	ssyncset.done $0x0  }
0x75: {  	[sflag:s24] =	ssyncadd.s32 $0xFFFFFFB0  }
0x76: {  	[tilespmem:s28], [sflag:$0x1] =	stream.indirect.gather [hbm4b:s3+s26], $0x80, s2, s26, $0xb8;
	[tilespmem:$0x1BC00] =	vst v63  }
0x77: {  	_ =	swait.ge [sflag:s8], $0x2800  }
0x78: {  	[sflag:s8] =	ssyncset.done $0x0  }
0x79: {  	[sflag:s8] =	ssyncadd.s32 $0xFFFFD800  }
0x7a: {  	[spmem:s1] =	stream.indirect.scatter.add.f32 [tilespmem:s31], [sflag:$0x4], $0x80, s30, s26, $0xb8;
	[tilespmem:$0x1BC00] =	vst v63  }
0x7b: {  	_ =	swait.ge [sflag:s24], $0x2800  }
0x7c: {  	[sflag:s24] =	ssyncset.done $0x0  }
0x7d: {  	s15 =	sadd.s32 $0x0, s19;
	[sflag:s24] =	ssyncadd.s32 $0xFFFFD800  }
0x7e: {  	[tilespmem:s29], [sflag:$0x4] =	stream.linear.gather [hbm4b:s15+s2], $0x50, $0x38;
	[tilespmem:$0x1BC00] =	vst v63  }
0x7f: {  	_ =	swait.ge [sflag:s24], $0x50  }
0x80: {  	s18 =	rddreg [dreg:$0x3];
	[sflag:s24] =	ssyncset.done $0x0  }
0x81: {  	[sflag:s24] =	ssyncadd.s32 $0xFFFFFFB0;
	s12 =	sadd.s32 $0x0, s18  }
0x82: {  	[tilespmem:s30], [sflag:$0x4] =	stream.linear.gather [hbm4b:s12+s2], $0x50, $0x38;
	[tilespmem:$0x1BC00] =	vst v63  }
0x83: {  	_ =	swait.ge [sflag:s24], $0x50  }
0x84: {  	[sflag:s24] =	ssyncset.done $0x0  }
0x85: {  	[sflag:s24] =	ssyncadd.s32 $0xFFFFFFB0  }
0x86: {  	[tilespmem:s31], [sflag:$0x2] =	stream.indirect.gather [hbm4b:s3+s26], $0x80, s29, s26, $0xb8;
	[tilespmem:$0x1BC00] =	vst v63  }
0x87: {  	_ =	swait.ge [sflag:s4], $0x2800  }
0x88: {  	[sflag:s4] =	ssyncset.done $0x0  }
0x89: {  	[sflag:s4] =	ssyncadd.s32 $0xFFFFD800  }
0x8a: {  	[spmem:s1] =	stream.indirect.scatter.add.f32 [tilespmem:s7], [sflag:$0x4], $0x80, s16, s26, $0xb8;
	[tilespmem:$0x1BC00] =	vst v63  }
0x8b: {  	s13 =	sadd.s32 $0xF0, s20;
	_ =	swait.ge [sflag:s24], $0x2800  }
0x8c: {  	s14 =	simm.s32 $0x3C;
	s12 =	simm.s32 $0x1E;
	[sflag:s24] =	ssyncset.done $0x0  }
.LBB2_6:
0x8d: {  	s10 =	sadd.s32 s12, s22;
	[sflag:s24] =	ssyncadd.s32 $0xFFFFD800  }
0x8e: {  	[tilespmem:s0], [sflag:$0x4] =	stream.linear.gather [hbm4b:s10+s2], $0x50, $0x38;
	[tilespmem:$0x1BC00] =	vst v63  }
0x8f: {  	_ =	swait.ge [sflag:s24], $0x50  }
0x90: {  	s15 =	smov.u32 s14;
	s18 =	sadd.s32 $0x1E, s14;
	[sflag:s24] =	ssyncset.done $0x0  }
0x91: {  	p3 =	sne.s32 s14, $0x4B0;
	s14 =	sadd.s32 s12, s21;
	[sflag:s24] =	ssyncadd.s32 $0xFFFFFFB0  }
0x92: {  	[tilespmem:s16], [sflag:$0x4] =	stream.linear.gather [hbm4b:s14+s2], $0x50, $0x38;
	[tilespmem:$0x1BC00] =	vst v63  }
0x93: {  	_ =	swait.ge [sflag:s24], $0x50  }
0x94: {  	[sflag:s24] =	ssyncset.done $0x0  }
0x95: {  	[sflag:s24] =	ssyncadd.s32 $0xFFFFFFB0  }
0x96: {  	[tilespmem:s7], [sflag:$0x3] =	stream.indirect.gather [hbm4b:s3+s26], $0x80, s0, s26, $0xb8;
	[tilespmem:$0x1BC00] =	vst v63  }
0x97: {  	_ =	swait.ge [sflag:s17], $0x2800  }
0x98: {  	[sflag:s17] =	ssyncset.done $0x0  }
0x99: {  	[sflag:s17] =	ssyncadd.s32 $0xFFFFD800  }
0x9a: {  	[spmem:s1] =	stream.indirect.scatter.add.f32 [tilespmem:s28], [sflag:$0x4], $0x80, s25, s26, $0xb8;
	[tilespmem:$0x1BC00] =	vst v63  }
0x9b: {  	_ =	swait.ge [sflag:s24], $0x2800  }
0x9c: {  	s10 =	sshrl.u32 s13, $0x3;
	[sflag:s24] =	ssyncset.done $0x0  }
0x9d: {  	s14 =	sadd.s32 s5, s10;
	[sflag:s24] =	ssyncadd.s32 $0xFFFFD800  }
0x9e: {  	[tilespmem:s2], [sflag:$0x4] =	stream.linear.gather [hbm4b:s14+s2], $0x50, $0x38;
	[tilespmem:$0x1BC00] =	vst v63  }
0x9f: {  	_ =	swait.ge [sflag:s24], $0x50  }
0xa0: {  	[sflag:s24] =	ssyncset.done $0x0  }
0xa1: {  	s10 =	sadd.s32 s6, s10;
	[sflag:s24] =	ssyncadd.s32 $0xFFFFFFB0  }
0xa2: {  	[tilespmem:s25], [sflag:$0x4] =	stream.linear.gather [hbm4b:s10+s2], $0x50, $0x38;
	[tilespmem:$0x1BC00] =	vst v63  }
0xa3: {  	_ =	swait.ge [sflag:s24], $0x50  }
0xa4: {  	[sflag:s24] =	ssyncset.done $0x0  }
0xa5: {  	[sflag:s24] =	ssyncadd.s32 $0xFFFFFFB0  }
0xa6: {  	[tilespmem:s28], [sflag:$0x1] =	stream.indirect.gather [hbm4b:s3+s26], $0x80, s2, s26, $0xb8;
	[tilespmem:$0x1BC00] =	vst v63  }
0xa7: {  	_ =	swait.ge [sflag:s8], $0x2800  }
0xa8: {  	[sflag:s8] =	ssyncset.done $0x0  }
0xa9: {  	[sflag:s8] =	ssyncadd.s32 $0xFFFFD800  }
0xaa: {  	[spmem:s1] =	stream.indirect.scatter.add.f32 [tilespmem:s31], [sflag:$0x4], $0x80, s30, s26, $0xb8;
	[tilespmem:$0x1BC00] =	vst v63  }
0xab: {  	_ =	swait.ge [sflag:s24], $0x2800  }
0xac: {  	[sflag:s24] =	ssyncset.done $0x0  }
0xad: {  	s14 =	sadd.s32 s12, s19;
	[sflag:s24] =	ssyncadd.s32 $0xFFFFD800  }
0xae: {  	[tilespmem:s29], [sflag:$0x4] =	stream.linear.gather [hbm4b:s14+s2], $0x50, $0x38;
	[tilespmem:$0x1BC00] =	vst v63  }
0xaf: {  	_ =	swait.ge [sflag:s24], $0x50  }
0xb0: {  	s14 =	rddreg [dreg:$0x3];
	[sflag:s24] =	ssyncset.done $0x0  }
0xb1: {  	[sflag:s24] =	ssyncadd.s32 $0xFFFFFFB0;
	s10 =	sadd.s32 s12, s14  }
0xb2: {  	[tilespmem:s30], [sflag:$0x4] =	stream.linear.gather [hbm4b:s10+s2], $0x50, $0x38;
	[tilespmem:$0x1BC00] =	vst v63  }
0xb3: {  	_ =	swait.ge [sflag:s24], $0x50  }
0xb4: {  	[sflag:s24] =	ssyncset.done $0x0  }
0xb5: {  	[sflag:s24] =	ssyncadd.s32 $0xFFFFFFB0  }
0xb6: {  	[tilespmem:s31], [sflag:$0x2] =	stream.indirect.gather [hbm4b:s3+s26], $0x80, s29, s26, $0xb8;
	[tilespmem:$0x1BC00] =	vst v63  }
0xb7: {  	_ =	swait.ge [sflag:s4], $0x2800  }
.Ltmp4:
0xb8: {  	[sflag:s4] =	ssyncset.done $0x0;
	(pc) =	sbr.rel @p3 .LBB2_6-.Ltmp4, $4  }
0xb9: {  	[sflag:s4] =	ssyncadd.s32 $0xFFFFD800  }
0xba: {  	[spmem:s1] =	stream.indirect.scatter.add.f32 [tilespmem:s7], [sflag:$0x4], $0x80, s16, s26, $0xb8;
	[tilespmem:$0x1BC00] =	vst v63  }
0xbb: {  	s13 =	sadd.s32 $0xF0, s13;
	_ =	swait.ge [sflag:s24], $0x2800  }
0xbc: {  	s12 =	smov.u32 s15;
	s14 =	smov.u32 s18;
	[sflag:s24] =	ssyncset.done $0x0  }
0xbd: {  	s10 =	sadd.s32 s12, s22;
	[sflag:s24] =	ssyncadd.s32 $0xFFFFD800  }
0xbe: {  	[tilespmem:s0], [sflag:$0x4] =	stream.linear.gather [hbm4b:s10+s2], $0x50, $0x38;
	[tilespmem:$0x1BC00] =	vst v63  }
0xbf: {  	_ =	swait.ge [sflag:s24], $0x50  }
0xc0: {  	[sflag:s24] =	ssyncset.done $0x0  }
0xc1: {  	s15 =	sadd.s32 s12, s21;
	[sflag:s24] =	ssyncadd.s32 $0xFFFFFFB0  }
0xc2: {  	[tilespmem:s16], [sflag:$0x4] =	stream.linear.gather [hbm4b:s15+s2], $0x50, $0x38;
	[tilespmem:$0x1BC00] =	vst v63  }
0xc3: {  	_ =	swait.ge [sflag:s24], $0x50  }
0xc4: {  	[sflag:s24] =	ssyncset.done $0x0  }
0xc5: {  	[sflag:s24] =	ssyncadd.s32 $0xFFFFFFB0  }
0xc6: {  	[tilespmem:s7], [sflag:$0x3] =	stream.indirect.gather [hbm4b:s3+s26], $0x80, s0, s26, $0xb8;
	[tilespmem:$0x1BC00] =	vst v63  }
0xc7: {  	_ =	swait.ge [sflag:s17], $0x2800  }
0xc8: {  	[sflag:s17] =	ssyncset.done $0x0  }
0xc9: {  	[sflag:s17] =	ssyncadd.s32 $0xFFFFD800  }
0xca: {  	[spmem:s1] =	stream.indirect.scatter.add.f32 [tilespmem:s28], [sflag:$0x4], $0x80, s25, s26, $0xb8;
	[tilespmem:$0x1BC00] =	vst v63  }
0xcb: {  	_ =	swait.ge [sflag:s24], $0x2800  }
0xcc: {  	s18 =	sshrl.u32 s13, $0x3;
	[sflag:s24] =	ssyncset.done $0x0  }
0xcd: {  	s13 =	sadd.s32 s5, s18;
	[sflag:s24] =	ssyncadd.s32 $0xFFFFD800  }
0xce: {  	[tilespmem:s2], [sflag:$0x4] =	stream.linear.gather [hbm4b:s13+s2], $0x50, $0x38;
	[tilespmem:$0x1BC00] =	vst v63  }
0xcf: {  	_ =	swait.ge [sflag:s24], $0x50  }
0xd0: {  	[sflag:s24] =	ssyncset.done $0x0  }
0xd1: {  	s10 =	sadd.s32 s6, s18;
	[sflag:s24] =	ssyncadd.s32 $0xFFFFFFB0  }
0xd2: {  	[tilespmem:s25], [sflag:$0x4] =	stream.linear.gather [hbm4b:s10+s2], $0x50, $0x38;
	[tilespmem:$0x1BC00] =	vst v63  }
0xd3: {  	_ =	swait.ge [sflag:s24], $0x50  }
0xd4: {  	[sflag:s24] =	ssyncset.done $0x0  }
0xd5: {  	[sflag:s24] =	ssyncadd.s32 $0xFFFFFFB0  }
0xd6: {  	[tilespmem:s28], [sflag:$0x1] =	stream.indirect.gather [hbm4b:s3+s26], $0x80, s2, s26, $0xb8;
	[tilespmem:$0x1BC00] =	vst v63  }
0xd7: {  	_ =	swait.ge [sflag:s8], $0x2800  }
0xd8: {  	[sflag:s8] =	ssyncset.done $0x0  }
0xd9: {  	[sflag:s8] =	ssyncadd.s32 $0xFFFFD800  }
0xda: {  	[spmem:s1] =	stream.indirect.scatter.add.f32 [tilespmem:s31], [sflag:$0x4], $0x80, s30, s26, $0xb8;
	[tilespmem:$0x1BC00] =	vst v63  }
0xdb: {  	_ =	swait.ge [sflag:s24], $0x2800  }
0xdc: {  	[sflag:s24] =	ssyncset.done $0x0  }
0xdd: {  	s14 =	sadd.s32 s12, s19;
	[sflag:s24] =	ssyncadd.s32 $0xFFFFD800  }
0xde: {  	[tilespmem:s29], [sflag:$0x4] =	stream.linear.gather [hbm4b:s14+s2], $0x50, $0x38;
	[tilespmem:$0x1BC00] =	vst v63  }
0xdf: {  	_ =	swait.ge [sflag:s24], $0x50  }
0xe0: {  	s15 =	rddreg [dreg:$0x3];
	[sflag:s24] =	ssyncset.done $0x0  }
0xe1: {  	[sflag:s24] =	ssyncadd.s32 $0xFFFFFFB0;
	s10 =	sadd.s32 s12, s15  }
0xe2: {  	[tilespmem:s30], [sflag:$0x4] =	stream.linear.gather [hbm4b:s10+s2], $0x50, $0x38;
	[tilespmem:$0x1BC00] =	vst v63  }
0xe3: {  	_ =	swait.ge [sflag:s24], $0x50  }
0xe4: {  	[sflag:s24] =	ssyncset.done $0x0  }
0xe5: {  	[sflag:s24] =	ssyncadd.s32 $0xFFFFFFB0  }
0xe6: {  	[tilespmem:s31], [sflag:$0x2] =	stream.indirect.gather [hbm4b:s3+s26], $0x80, s29, s26, $0xb8;
	[tilespmem:$0x1BC00] =	vst v63  }
0xe7: {  	_ =	swait.ge [sflag:s4], $0x2800  }
0xe8: {  	[sflag:s4] =	ssyncset.done $0x0  }
0xe9: {  	[sflag:s4] =	ssyncadd.s32 $0xFFFFD800  }
0xea: {  	[spmem:s1] =	stream.indirect.scatter.add.f32 [tilespmem:s7], [sflag:$0x4], $0x80, s16, s26, $0xb8;
	[tilespmem:$0x1BC00] =	vst v63  }
0xeb: {  	_ =	swait.ge [sflag:s24], $0x2800  }
0xec: {  	[sflag:s24] =	ssyncset.done $0x0  }
0xed: {  	[sflag:s24] =	ssyncadd.s32 $0xFFFFD800  }
0xee: {  	_ =	swait.ge [sflag:s17], $0x2800  }
0xef: {  	[sflag:s17] =	ssyncset.done $0x0  }
0xf0: {  	[sflag:s17] =	ssyncadd.s32 $0xFFFFD800  }
0xf1: {  	[spmem:s1] =	stream.indirect.scatter.add.f32 [tilespmem:s28], [sflag:$0x4], $0x80, s25, s26, $0xb8;
	[tilespmem:$0x1BC00] =	vst v63  }
0xf2: {  	_ =	swait.ge [sflag:s24], $0x2800  }
0xf3: {  	[sflag:s24] =	ssyncset.done $0x0  }
0xf4: {  	[sflag:s24] =	ssyncadd.s32 $0xFFFFD800  }
0xf5: {  	_ =	swait.ge [sflag:s8], $0x2800  }
0xf6: {  	[sflag:s8] =	ssyncset.done $0x0  }
0xf7: {  	[sflag:s8] =	ssyncadd.s32 $0xFFFFD800  }
0xf8: {  	[spmem:s1] =	stream.indirect.scatter.add.f32 [tilespmem:s31], [sflag:$0x4], $0x80, s30, s26, $0xb8;
	[tilespmem:$0x1BC00] =	vst v63  }
.Ltmp5:
0xf9: {  	_ =	swait.ge [sflag:s24], $0x2800;
	(pc) =	sbr.rel @!p0 .LBB2_8-.Ltmp5, $4  }
0xfa: {  	[sflag:s24] =	ssyncset.done $0x0  }
0xfb: {  	s18 =	stileid.u32;
	[sflag:s24] =	ssyncadd.s32 $0xFFFFD800  }
0xfc: {  	s14 =	sshll.u32 s18, $0x6;
	[bflag:$0x0] =	sbarrier.arrive $0xFFFF  }
0xfd: {  	s13 =	sshrl.u32 s9, $0x3;
	s12 =	sor.u32 $0x1C04, s14  }
0xfe: {  	s12 =	sor.u32 $0x1C04, s14;
	s10 =	rddreg [dreg:$0xd]  }
0xff: {  	[hbm:s10], [sflag:s12] =	dma.local [spmem:s13], $0x2700  }
.Ltmp6:
0x100: {  	_ = 	snop;
	(pc) =	sbr.rel @p1 .LBB2_11-.Ltmp6, $4  }
.Ltmp7:
0x101: {  	_ = 	snop;
	(pc) =	sbr.rel @!p1 .LBB2_10-.Ltmp7, $4  }
0x102: {  	_ =	swait.ge [sflag:s24], $0x2700  }
0x103: {  	[sflag:s24] =	ssyncset.done $0x0  }
0x104: {  	s13 =	rddreg [dreg:$0x5];
	[sflag:s24] =	ssyncadd.s32 $0xFFFFD900  }
0x105: {  	_ = 	snop  }
.LBB2_8:
0x106: {  	s10 =	rddreg [dreg:$0xc]  }
0x107: {  	[hbm:s10], [sflag:s12] =	dma.local [spmem:s13], $0x2700  }
.Ltmp8:
0x108: {  	_ = 	snop;
	(pc) =	sbr.rel @p2 .LBB2_10-.Ltmp8, $4  }
.Ltmp9:
0x109: {  	_ = 	snop;
	(pc) =	sbr.rel @!p2 .LBB2_11-.Ltmp9, $4  }
0x10a: {  	_ =	swait.ge [sflag:s24], $0x2700  }
0x10b: {  	[sflag:s24] =	ssyncset.done $0x0  }
0x10c: {  	s13 =	rddreg [dreg:$0x4];
	[sflag:s24] =	ssyncadd.s32 $0xFFFFD900  }
0x10d: {  	_ = 	snop  }
.LBB2_12:
0x10e: {  	_ =	sfence.sel $0x180000  }
0x10f: {  	[bflag:$0x0] =	sbarrier.arrive $0xFFFF  }
0x110: {  	_ =	strace $0x9000004D  }
0x111: {  	s0 =	stileid.u32;
	[bflag:$0x2] =	sbarrier.arrive $0xFFFF  }
0x112: {  	p0 =	sne.s32 s0, $0x0;
	s0 =	rddreg [dreg:$0x2]  }
0x113: {  	s0 =	sadd.s32 @!p0 $0x100000, s0  }
0x114: {  	[sflag:s0] =	ssyncadd.tile.s32 @!p0 $0x1;
	_ =	shalt  }
.Lfunc_end2:
_tile_overlayer_lowered:
.L_overlay_start_2:
0x115: {  	(tag) =	ssettag $0x2  }
0x116: {  	s0 =	rddreg [dreg:$0x0];
	s2 =	stileid.u32  }
0x117: {  	s1 =	rddreg [dreg:$0x1];
	p0 =	sne.s32 s2, $0x0  }
0x118: {  	s3 =	rddreg [dreg:$0x2];
	[bflag:$0x3] =	sbarrier.arrive $0xFFFF;
	s2 =	simm.s32 @!p0 $0x1C04  }
0x119: {  	[timem:s3], [sflag:s2] =	dma.local @!p0 [hbm:s0], s1  }
0x11a: {  	s0 =	simm.s32 @!p0 $0x4  }
0x11b: {  	_ =	swait.ge @!p0 [sflag:s0], s1  }
0x11c: {  	s1 =	ssub.s32 @!p0 $0x0, s1;
	[sflag:s0] =	ssyncset.done @!p0 $0x0  }
0x11d: {  	[sflag:s0] =	ssyncadd.s32 @!p0 s1  }
0x11e: {  	[bflag:$0x3] =	sbarrier.arrive $0xFFFF  }
0x11f: {  	_ =	shalt  }

// kernel: kernel.19.cloned.1.call-start
scs
__scs_entry_jumppad:
0x0: {  	(pc) =	sbr.rel $0x88, $3  }
0x1: {  	(tag) =	ssettag $0x0;
	lr =	simm.s32 $0x1  }
0x2: {  	[smem:$0x3F92] =	sst lr;
	_ =	strace $0xD0000000  }
0x3: {  	_ = 	snop  }
0x4: {  	_ = 	snop  }
0x5: {  	_ = 	snop  }
0x6: {  	_ = 	snop  }
0x7: {  	_ = 	snop  }
__scs_overlays_trampoline_lowered:
0x8: {  	[smem:$0x3FA1] =	sst s0  }
0x9: {  	[smem:$0x3FA2] =	sst s1  }
0xa: {  	[smem:$0x3FA3] =	sst s2  }
0xb: {  	[smem:$0x3FA4] =	sst s3  }
0xc: {  	[smem:$0x3FA5] =	sst s4  }
0xd: {  	[smem:$0x3FA6] =	sst s5  }
0xe: {  	[smem:$0x3FA7] =	sst s6  }
0xf: {  	[smem:$0x3FA8] =	sst s7  }
0x10: {  	[smem:$0x3FA9] =	sst s8  }
0x11: {  	[smem:$0x3FAA] =	sst s9;
	s0 =	simm.s32 @!p0 $0x0  }
0x12: {  	s1 =	sld [smem:$0x3F90];
	s0 =	simm.s32 @p0 $0x1  }
0x13: {  	[smem:$0x3FAB] =	sst s0;
	s0 =	simm.s32 @!p1 $0x0  }
0x14: {  	s2 =	sld [smem:$0x3F8F];
	s0 =	simm.s32 @p1 $0x1  }
0x15: {  	[smem:$0x3FAC] =	sst s0;
	s0 =	simm.s32 @!p2 $0x0  }
0x16: {  	s3 =	sld [smem:$0x3FDB];
	s0 =	simm.s32 @p2 $0x1  }
0x17: {  	s4 =	simm.s32 $0x1BF5;
	[smem:$0x3FAE] =	sst s0  }
0x18: {  	s0 =	sld [smem:$0x3F91];
	_ =	swait.ge [sflag:s4], $0x0  }
0x19: {  	s7 =	sld [smem:$0x3F92]  }
0x1a: {  	s8 =	sadd.s32 $0xFFFFE003, lr  }
0x1b: {  	s9 =	sadd.s32 $0xFFFFFEF7, lr;
	s5 =	simm.s32 $0xFFFFFFFF;
	p2 =	slt.u32 s8, $0xFFFFF086  }
0x1c: {  	p1 =	slt.u32 s9, $0xF7A;
	s5 =	simm.s32 @!p2 $0x0  }
0x1d: {  	s5 =	simm.s32 @p1 $0x1;
	p0 =	seq.s32 s7, s2  }
0x1e: {  	s7 =	smul.u32 @!p0 $0xF7A, s2;
	p2 =	seq.s32 @!p0 s5, $0x0  }
0x1f: {  	s9 =	smul.u32 $0xF7A, s1;
	s8 =	simm.s32 @!p0 $0x1BF5;
	p2 =	por !p2, p0  }
0x20: {  	[sflag:s8] =	ssyncset.s32 @!p0 $0xFFFFF086;
	s6 =	sadd.s32 @!p0 s3, s7;
	s7 =	simm.s32 @!p0 $0x108  }
0x21: {  	s3 =	sadd.s32 s3, s9;
	s6 =	sadd.s32 @!p0 $0x88, s6;
	s7 =	simm.s32 @p2 $0x1082  }
0x22: {  	[simem:s7], [sflag:s8] =	dma.local @!p0 [hbm:s6], $0xF7A  }
0x23: {  	s9 =	sor.u32 $0xD0000000, s2;
	s6 =	simm.s32 $0x108;
	_ =	swait.ge @!p0 [sflag:s8], $0x0  }
0x24: {  	s3 =	sadd.s32 $0x88, s3;
	s6 =	simm.s32 @!p1 $0x1082;
	[sflag:s4] =	ssyncset.s32 $0xFFFFF086  }
0x25: {  	[simem:s6], [sflag:s4] =	dma.local [hbm:s3], $0xF7A  }
0x26: {  	[smem:$0x3F92] =	sst s1;
	(tag) =	ssettag s2;
	_ =	strace s9  }
0x27: {  	s1 =	sld [smem:$0x3FA2]  }
0x28: {  	s2 =	sld [smem:$0x3FA3]  }
0x29: {  	s4 =	sld [smem:$0x3FA5]  }
0x2a: {  	p0 =	seq.s32 s5, $0x0;
	s5 =	sld [smem:$0x3FA6]  }
0x2b: {  	s6 =	sld [smem:$0x3FA7]  }
0x2c: {  	s7 =	sld [smem:$0x3FA8]  }
0x2d: {  	s3 =	simm.s32 $0x108;
	s8 =	sld [smem:$0x3FA9]  }
0x2e: {  	s3 =	simm.s32 @!p0 $0x1082;
	s9 =	sld [smem:$0x3FAA]  }
0x2f: {  	lr =	sadd.s32 s0, s3;
	s0 =	sld [smem:$0x3FA1]  }
0x30: {  	s3 =	sld [smem:$0x3FA4]  }
0x31: {  	[smem:$0x3FAD] =	sst s10  }
0x32: {  	s10 =	sld [smem:$0x3FAB];
	_ =	sdelay $0x3  }
0x33: {  	p0 =	seq.s32 s10, $0x1;
	s10 =	sld [smem:$0x3FAD];
	_ =	sdelay $0x3  }
0x34: {  	[smem:$0x3FAD] =	sst s10  }
0x35: {  	s10 =	sld [smem:$0x3FAC];
	_ =	sdelay $0x3  }
0x36: {  	p1 =	seq.s32 s10, $0x1;
	s10 =	sld [smem:$0x3FAD];
	_ =	sdelay $0x3  }
0x37: {  	[smem:$0x3FAD] =	sst s10  }
0x38: {  	s10 =	sld [smem:$0x3FAE]  }
0x39: {  	_ = 	snop;
	(pc) =	sbr.ind lr, $3  }
0x3a: {  	_ = 	snop  }
0x3b: {  	_ = 	snop  }
0x3c: {  	p2 =	seq.s32 s10, $0x1;
	s10 =	sld [smem:$0x3FAD]  }
0x3d: {  	_ =	shalt  }
0x3e: {  	_ =	shalt  }
0x3f: {  	_ =	shalt  }
0x40: {  	_ =	shalt  }
0x41: {  	_ =	shalt  }
0x42: {  	_ =	shalt  }
0x43: {  	_ =	shalt  }
0x44: {  	_ =	shalt  }
0x45: {  	_ =	shalt  }
0x46: {  	_ =	shalt  }
0x47: {  	_ =	shalt  }
0x48: {  	_ =	shalt  }
0x49: {  	_ =	shalt  }
0x4a: {  	_ =	shalt  }
0x4b: {  	_ =	shalt  }
0x4c: {  	_ =	shalt  }
0x4d: {  	_ =	shalt  }
0x4e: {  	_ =	shalt  }
0x4f: {  	_ =	shalt  }
0x50: {  	_ =	shalt  }
0x51: {  	_ =	shalt  }
0x52: {  	_ =	shalt  }
0x53: {  	_ =	shalt  }
0x54: {  	_ =	shalt  }
0x55: {  	_ =	shalt  }
0x56: {  	_ =	shalt  }
0x57: {  	_ =	shalt  }
0x58: {  	_ =	shalt  }
0x59: {  	_ =	shalt  }
0x5a: {  	_ =	shalt  }
0x5b: {  	_ =	shalt  }
0x5c: {  	_ =	shalt  }
0x5d: {  	_ =	shalt  }
0x5e: {  	_ =	shalt  }
0x5f: {  	_ =	shalt  }
0x60: {  	_ =	shalt  }
0x61: {  	_ =	shalt  }
0x62: {  	_ =	shalt  }
0x63: {  	_ =	shalt  }
0x64: {  	_ =	shalt  }
0x65: {  	_ =	shalt  }
0x66: {  	_ =	shalt  }
0x67: {  	_ =	shalt  }
0x68: {  	_ =	shalt  }
0x69: {  	_ =	shalt  }
0x6a: {  	_ =	shalt  }
0x6b: {  	_ =	shalt  }
0x6c: {  	_ =	shalt  }
0x6d: {  	_ =	shalt  }
0x6e: {  	_ =	shalt  }
0x6f: {  	_ =	shalt  }
0x70: {  	_ =	shalt  }
0x71: {  	_ =	shalt  }
0x72: {  	_ =	shalt  }
0x73: {  	_ =	shalt  }
0x74: {  	_ =	shalt  }
0x75: {  	_ =	shalt  }
0x76: {  	_ =	shalt  }
0x77: {  	_ =	shalt  }
0x78: {  	_ =	shalt  }
0x79: {  	_ =	shalt  }
0x7a: {  	_ =	shalt  }
0x7b: {  	_ =	shalt  }
0x7c: {  	_ =	shalt  }
0x7d: {  	_ =	shalt  }
0x7e: {  	_ =	shalt  }
0x7f: {  	_ =	shalt  }
0x80: {  	_ =	shalt  }
0x81: {  	_ =	shalt  }
0x82: {  	_ =	shalt  }
0x83: {  	_ =	shalt  }
0x84: {  	_ =	shalt  }
0x85: {  	_ =	shalt  }
0x86: {  	_ =	shalt  }
0x87: {  	_ =	shalt  }
.Lfunc_end0:
.L_simem_size_0:
called_computation.3_lowered:
.L_overlay_start_0:
0x88: {  	s2 =	sld [smem:$0x3FD9]  }
0x89: {  	s3 =	sld [smem:$0x3FFE];
	_ =	sdelay $0x1  }
0x8a: {  	s1 =	srdreg.scid  }
0x8b: {  	s0 =	sand.u32 $0x1, s1  }
0x8c: {  	s16 =	sshll.u32 s0, $0xA;
	s2 =	sadd.s32 s3, s2  }
0x8d: {  	s2 =	sadd.s32 s2, s16  }
0x8e: {  	[smem:$0x3FB9] =	sst s2  }
0x8f: {  	_ = 	snop  }
0x90: {  	(tm) =	ssettm $0x1  }
0x91: {  	s17 =	sld [smem:$0x3FFB];
	_ =	sdelay $0x3  }
0x92: {  	_ =	strace s17  }
0x93: {  	s2 =	sld [smem:$0x3FFC];
	_ =	sdelay $0x3  }
0x94: {  	_ =	strace s2  }
0x95: {  	s2 =	sld [smem:$0x3FFD];
	_ =	sdelay $0x3  }
0x96: {  	_ =	strace s2  }
0x97: {  	_ =	strace $0x8FFFFFFF  }
0x98: {  	s18 =	sld [smem:$0x3FDB];
	_ =	sdelay $0x1  }
0x99: {  	s19 =	simm.s32 $_scs_section_size  }
0x9a: {  	s4 =	simm.s32 $_size__tile_overlayer_lowered;
	s5 =	simm.s32 $_tile_overlayer_lowered  }
0x9b: {  	s22 =	simm.s32 $0x1BFF;
	s21 =	sshll.u32 s5, $0x1;
	s2 =	sadd.s32 s19, s18  }
0x9c: {  	s6 =	simm.s32 $0x0;
	s20 =	sshll.u32 s4, $0x1;
	s4 =	sadd.s32 s21, s2  }
0x9d: {  	[timem:s6], [sflag:s22] =	dma.local [hbm:s4], s20  }
0x9e: {  	_ =	swait.ge [sflag:s22], s20  }
0x9f: {  	s3 =	ssub.s32 $0x0, s20;
	[sflag:s22] =	ssyncset.done $0x0  }
0xa0: {  	[sflag:s22] =	ssyncadd.s32 s3;
	_ =	sdelay $0x1  }
0xa1: {  	s23 =	simm.s32 $0x1B8B  }
0xa2: {  	_ =	swait.ge [sflag:s23], $0x1  }
0xa3: {  	[sflag:s23] =	ssyncset.done $0x0  }
0xa4: {  	s25 =	simm.s32 $0x1B8E;
	s24 =	sld [smem:$0x3FFE];
	[sflag:s23] =	ssyncadd.s32 $0xFFFFFFFF  }
0xa5: {  	s26 =	simm.s32 $execute0_lowered;
	[smem:$0x3FD2] =	sst s25  }
0xa6: {  	s4 =	sshll.u32 s26, $0x1;
	_ =	strace $0x8000004F;
	[dreg:$0x1] =	wrdreg $0xFFFFFFFF  }
0xa7: {  	s28 =	simm.s32 $_size_execute0_lowered;
	s2 =	sadd.s32 s2, s4;
	[dreg:$0x0] =	wrdreg $0x0  }
0xa8: {  	s4 =	sshll.u32 s28, $0x1;
	[dreg:$0x2] =	wrdreg s2  }
0xa9: {  	[dreg:$0x3] =	wrdreg s4  }
0xaa: {  	[dreg:$0x4] =	wrdreg $0xC0  }
0xab: {  	_ =	task [dreg:s6], $0x5FFFF  }
0xac: {  	[dreg:$0x1] =	wrdreg $0xFFFFFFFF  }
0xad: {  	[dreg:$0x0] =	wrdreg $0x60  }
0xae: {  	[dreg:$0x2] =	wrdreg s24  }
0xaf: {  	[dreg:$0x3] =	wrdreg $0x83000  }
0xb0: {  	[dreg:$0x4] =	wrdreg $0x9  }
0xb1: {  	_ =	task.clear_ibuf [dreg:s6], $0x5FFFF;
	_ =	strace $0x9000004F  }
0xb2: {  	s29 =	simm.s32 $0x9;
	_ =	strace $0x80000051  }
0xb3: {  	_ =	swait.ge [sflag:s29], $0x1  }
0xb4: {  	[sflag:s29] =	ssyncadd.s32 $0xFFFFFFFF  }
0xb5: {  	_ =	strace $0x90000051  }
0xb6: {  	_ =	sfence  }
0xb7: {  	s30 =	sld [smem:$0x0];
	_ =	sdelay $0x2  }
0xb8: {  	s31 =	sshll.u32 s1, $0xD;
	s1 =	sshrl.u32 s1, $0x2  }
0xb9: {  	s3 =	sand.u32 $0x4000, s31;
	s1 =	sadd.s32 s1, s30  }
0xba: {  	s0 =	sor.u32 s3, s0;
	s1 =	sshll.u32 s1, $0x11  }
0xbb: {  	s0 =	sor.u32 s1, s0  }
0xbc: {  	s0 =	sadd.s32 $0x8F2B, s0  }
0xbd: {  	[sflag:s0] =	ssyncadd.remote.s32 $0x1  }
0xbe: {  	_ =	sfence.sel $0xFFFF  }
0xbf: {  	[dreg:$0x0] =	wrdreg $0xFFFFFFFF;
	(pc) =	sbr.abs _section_cstart, $3  }
0xc0: {  	[dreg:$0x1] =	wrdreg $0xFFFFFFFF  }
0xc1: {  	_ =	task.clear_ibuf [dreg:s6], $0x2FFFF;
	_ =	strace $0x9FFFFFFF  }
0xc2: {  	(tm) =	ssettm $0x7FFFFFFF  }
0xc3: {  	_ =	shalt  }
tec
execute0_lowered:
.L_overlay_start_1:
0x0: {  	(tag) =	ssettag $0x1  }
0x1: {  	s0 =	rddreg [dreg:$0x0]  }
0x2: {  	s1 =	rddreg [dreg:$0x1]  }
0x3: {  	s2 =	simm.s32 $0x0;
	s4 =	srdreg.scid;
	s10 =	stileid.u32  }
0x4: {  	s28 =	simm.s32 $0x300;
	s29 =	simm.s32 $0x100;
	s30 =	simm.s32 $0x180  }
0x5: {  	s31 =	simm.s32 $0x2B00;
	[smem:$0x7FF] =	sst s2;
	s3 =	sadd.s32 $0x19A00, s0  }
0x6: {  	s5 =	sadd.s32 $0x5E00, s0;
	s6 =	sadd.s32 $0xFC00, s0;
	s13 =	sadd.s32 $0x8F000, s0  }
0x7: {  	s4 =	sand.u32 $0x1, s4;
	s7 =	sshll.u32 s10, $0x1;
	s8 =	smul.u32 $0x4E000, s10  }
0x8: {  	s14 =	sadd.s32 $0xB6200, s0;
	s26 =	smul.u32 $0x4E20, s10;
	s11 =	sadd.s32 $0x138000, s1  }
0x9: {  	s12 =	sadd.s32 $0x138800, s1;
	s18 =	smul.u32 $0x2700, s10;
	p1 =	sne.s32 s10, $0xF  }
0xa: {  	p2 =	seq.s32 s10, $0xF;
	_ =	strace $0x80000050;
	[dreg:$0x6] =	wrdreg s11  }
0xb: {  	s25 =	ssub.s32 $0x2, s4;
	s7 =	sor.u32 s4, s7;
	[dreg:$0x7] =	wrdreg s12  }
0xc: {  	s15 =	smul.u32 $0x2710, s4;
	p0 =	seq.s32 s4, $0x1;
	[dreg:$0x4] =	wrdreg s13  }
0xd: {  	[dreg:$0x5] =	wrdreg s14;
	s4 =	simm.s32 $0x3;
	s11 =	simm.s32 $0x0  }
0xe: {  	s9 =	sshrl.u32 s25, $0x1;
	s8 =	sshrl.u32 s8, $0x2;
	s7 =	smul.u32 $0x2710, s7  }
0xf: {  	s21 =	sadd.s32 s13, s18;
	s23 =	sadd.s32 s14, s18;
	s0 =	ssub.s32 s25, s9  }
0x10: {  	s9 =	sadd.s32 s8, s1;
	s8 =	sadd.s32 s15, s26;
	[dreg:$0xc] =	wrdreg s21  }
0x11: {  	[dreg:$0xd] =	wrdreg s23;
	s23 =	simm.s32 $0x7B00;
	s7 =	sshrl.u32 s7, $0x3  }
0x12: {  	s20 =	sadd.s32 $0x140, s8;
	s25 =	sadd.s32 $0xA0, s8;
	s0 =	smax.u32 s0, $0x1  }
0x13: {  	s16 =	sadd.s32 s5, s7;
	s17 =	sadd.s32 s6, s7;
	s7 =	sadd.s32 $0xA, s7  }
0x14: {  	s22 =	sshrl.u32 s20, $0x3;
	[dreg:$0xe] =	wrdreg s0;
	s26 =	sshrl.u32 s25, $0x3  }
0x15: {  	s20 =	sadd.s32 $0xF0, s8;
	s25 =	simm.s32 $0x80;
	[dreg:$0x8] =	wrdreg s16  }
0x16: {  	s0 =	simm.s32 $0x200;
	s8 =	simm.s32 $0x2;
	[dreg:$0x9] =	wrdreg s17  }
.Ltmp0:
0x17: {  	s19 =	sadd.s32 s5, s7;
	s7 =	sadd.s32 s6, s7;
	(pc) =	sbr.rel .LBB2_1-.Ltmp0, $4  }
0x18: {  	s24 =	sadd.s32 s22, s6;
	s21 =	sadd.s32 s26, s6;
	[dreg:$0xa] =	wrdreg s19  }
0x19: {  	s16 =	simm.s32 $0x280;
	s17 =	simm.s32 $0x1;
	[dreg:$0xb] =	wrdreg s7  }
0x1a: {  	[dreg:$0x3] =	wrdreg s24;
	s19 =	sadd.s32 s22, s5;
	s22 =	sadd.s32 s26, s5  }
0x1b: {  	v0 =	vimm.f32 $0.0e+00;
	s24 =	simm.s32 $0x4;
	s26 =	simm.s32 $0x50;
	s7 =	simm.s32 $0x5300  }
.LBB2_10:
0x1c: {  	s18 =	rddreg [dreg:$0x6]  }
0x1d: {  	s10 =	sadd.s32 $0x27000, s13;
	s13 =	sshrl.u32 s18, $0x3  }
0x1e: {  	[hbm:s10], [sflag:s12] =	dma.local [spmem:s13], $0x100  }
0x1f: {  	_ =	swait.ge [sflag:s24], $0x100  }
0x20: {  	[sflag:s24] =	ssyncset.done $0x0  }
0x21: {  	[sflag:s24] =	ssyncadd.s32 $0xFFFFFF00  }
.LBB2_11:
0x22: {  	s11 =	sadd.s32 $0x1, s11;
	s10 =	rddreg [dreg:$0xe]  }
0x23: {  	p3 =	sne.s32 s11, s10  }
.Ltmp1:
0x24: {  	_ = 	snop;
	(pc) =	sbr.rel @!p3 .LBB2_12-.Ltmp1, $1  }
0x25: {  	_ =	sdelay $0x3  }
.LBB2_1:
0x26: {  	s12 =	simm.s32 $0x0;
	s13 =	simm.s32 $0x200  }
.LBB2_2:
0x27: {  	p3 =	sne.s32 s13, $0x1E00;
	[tilespmem:s12+$0x7B70] =	vst v0  }
0x28: {  	[tilespmem:s12+$0x7B00] =	vst v0  }
0x29: {  	[tilespmem:s12+$0x7B10] =	vst v0  }
.Ltmp2:
0x2a: {  	[tilespmem:s12+$0x7B20] =	vst v0;
	(pc) =	sbr.rel @p3 .LBB2_2-.Ltmp2, $4  }
0x2b: {  	[tilespmem:s12+$0x7B30] =	vst v0  }
0x2c: {  	[tilespmem:s12+$0x7B40] =	vst v0  }
0x2d: {  	[tilespmem:s12+$0x7B50] =	vst v0  }
0x2e: {  	[tilespmem:s12+$0x7B60] =	vst v0;
	s12 =	sshra.s32 s13, $0x2;
	s13 =	sadd.s32 $0x200, s13  }
0x2f: {  	[tilespmem:s12+$0x7B70] =	vst v0  }
0x30: {  	[tilespmem:s12+$0x7B00] =	vst v0  }
0x31: {  	[tilespmem:s12+$0x7B10] =	vst v0  }
0x32: {  	[tilespmem:s12+$0x7B20] =	vst v0  }
0x33: {  	[tilespmem:s12+$0x7B30] =	vst v0  }
0x34: {  	[tilespmem:s12+$0x7B40] =	vst v0  }
0x35: {  	[tilespmem:s12+$0x7B50] =	vst v0  }
0x36: {  	[tilespmem:s12+$0x7B60] =	vst v0;
	s18 =	sadd.s32 $0x0, s9  }
0x37: {  	[spmem:s18] =	stream.linear.scatter [tilespmem:s23], [sflag:$0x4], $0x800, $0x38;
	[tilespmem:$0x1BC00] =	vst v63  }
0x38: {  	s12 =	simm.s32 $0x2000;
	_ =	swait.ge [sflag:s24], $0x800  }
.LBB2_4:
0x39: {  	s13 =	sshra.s32 s12, $0x2;
	[sflag:s24] =	ssyncset.done $0x0;
	p3 =	sne.s32 s12, $0x4C000  }
.Ltmp3:
0x3a: {  	s13 =	sadd.s32 s13, s9;
	[sflag:s24] =	ssyncadd.s32 $0xFFFFF800;
	(pc) =	sbr.rel @p3 .LBB2_4-.Ltmp3, $3  }
0x3b: {  	[spmem:s13] =	stream.linear.scatter [tilespmem:s23], [sflag:$0x4], $0x800, $0x38;
	[tilespmem:$0x1BC00] =	vst v63  }
0x3c: {  	s12 =	sadd.s32 $0x2000, s12;
	_ =	sdelay $0x1  }
0x3d: {  	_ =	swait.ge [sflag:s24], $0x800  }
0x3e: {  	[sflag:s24] =	ssyncset.done $0x0;
	s12 =	simm.s32 @!p1 $0x7B00  }
0x3f: {  	s10 =	rddreg [dreg:$0x6];
	s13 =	simm.s32 @!p1 $0x4;
	[sflag:s24] =	ssyncadd.s32 $0xFFFFF800  }
0x40: {  	[spmem:s10] =	stream.linear.scatter @!p1 [tilespmem:s12], [sflag:$0x4], $0x800, $0x38;
	[tilespmem:$0x1BC00] =	vst v63  }
0x41: {  	_ =	swait.ge @!p1 [sflag:s13], $0x800  }
0x42: {  	[sflag:s13] =	ssyncset.done @!p1 $0x0  }
0x43: {  	s10 =	rddreg [dreg:$0x7];
	[sflag:s13] =	ssyncadd.s32 @!p1 $0xFFFFF800  }
0x44: {  	[spmem:s10] =	stream.linear.scatter @!p1 [tilespmem:s12], [sflag:$0x4], $0x800, $0x38;
	[tilespmem:$0x1BC00] =	vst v63  }
0x45: {  	_ =	swait.ge @!p1 [sflag:s13], $0x800  }
0x46: {  	[sflag:s13] =	ssyncset.done @!p1 $0x0  }
0x47: {  	[sflag:s13] =	ssyncadd.s32 @!p1 $0xFFFFF800  }
0x48: {  	[bflag:$0x0] =	sbarrier.arrive $0xFFFF  }
0x49: {  	s12 =	simm.s32 $0x0;
	s15 =	rddreg [dreg:$0x8]  }
0x4a: {  	[tilespmem:s12], [sflag:$0x4] =	stream.linear.gather [hbm4b:s15+s12], $0x50, $0x38;
	[tilespmem:$0x1BC00] =	vst v63  }
0x4b: {  	_ =	swait.ge [sflag:s24], $0x50  }
0x4c: {  	[sflag:s24] =	ssyncset.done $0x0  }
0x4d: {  	s18 =	rddreg [dreg:$0x9];
	[sflag:s24] =	ssyncadd.s32 $0xFFFFFFB0  }
0x4e: {  	[tilespmem:s25], [sflag:$0x4] =	stream.linear.gather [hbm4b:s18+s12], $0x50, $0x38;
	[tilespmem:$0x1BC00] =	vst v63  }
0x4f: {  	_ =	swait.ge [sflag:s24], $0x50  }
0x50: {  	[sflag:s24] =	ssyncset.done $0x0  }
0x51: {  	[sflag:s24] =	ssyncadd.s32 $0xFFFFFFB0  }
0x52: {  	[tilespmem:s28], [sflag:$0x1] =	stream.indirect.gather [hbm4b:s3+s26], $0x80, s12, s26, $0xb8;
	[tilespmem:$0x1BC00] =	vst v63  }
0x53: {  	s13 =	rddreg [dreg:$0xa]  }
0x54: {  	[tilespmem:s29], [sflag:$0x4] =	stream.linear.gather [hbm4b:s13+s12], $0x50, $0x38;
	[tilespmem:$0x1BC00] =	vst v63  }
0x55: {  	_ =	swait.ge [sflag:s24], $0x50  }
0x56: {  	[sflag:s24] =	ssyncset.done $0x0  }
0x57: {  	s14 =	rddreg [dreg:$0xb];
	[sflag:s24] =	ssyncadd.s32 $0xFFFFFFB0  }
0x58: {  	[tilespmem:s30], [sflag:$0x4] =	stream.linear.gather [hbm4b:s14+s12], $0x50, $0x38;
	[tilespmem:$0x1BC00] =	vst v63  }
0x59: {  	_ =	swait.ge [sflag:s24], $0x50  }
0x5a: {  	[sflag:s24] =	ssyncset.done $0x0  }
0x5b: {  	[sflag:s24] =	ssyncadd.s32 $0xFFFFFFB0  }
0x5c: {  	[tilespmem:s31], [sflag:$0x2] =	stream.indirect.gather [hbm4b:s3+s26], $0x80, s29, s26, $0xb8;
	[tilespmem:$0x1BC00] =	vst v63  }
0x5d: {  	s15 =	sadd.s32 $0x0, s22  }
0x5e: {  	[tilespmem:s0], [sflag:$0x4] =	stream.linear.gather [hbm4b:s15+s2], $0x50, $0x38;
	[tilespmem:$0x1BC00] =	vst v63  }
0x5f: {  	_ =	swait.ge [sflag:s24], $0x50  }
0x60: {  	[sflag:s24] =	ssyncset.done $0x0  }
0x61: {  	s18 =	sadd.s32 $0x0, s21;
	[sflag:s24] =	ssyncadd.s32 $0xFFFFFFB0  }
0x62: {  	[tilespmem:s16], [sflag:$0x4] =	stream.linear.gather [hbm4b:s18+s2], $0x50, $0x38;
	[tilespmem:$0x1BC00] =	vst v63  }
0x63: {  	_ =	swait.ge [sflag:s24], $0x50  }
0x64: {  	[sflag:s24] =	ssyncset.done $0x0  }
0x65: {  	[sflag:s24] =	ssyncadd.s32 $0xFFFFFFB0  }
0x66: {  	[tilespmem:s7], [sflag:$0x3] =	stream.indirect.gather [hbm4b:s3+s26], $0x80, s0, s26, $0xb8;
	[tilespmem:$0x1BC00] =	vst v63  }
0x67: {  	_ =	swait.ge [sflag:s17], $0x2800  }
0x68: {  	[sflag:s17] =	ssyncset.done $0x0  }
0x69: {  	[sflag:s17] =	ssyncadd.s32 $0xFFFFD800  }
0x6a: {  	[spmem:s1] =	stream.indirect.scatter.add.f32 [tilespmem:s28], [sflag:$0x4], $0x80, s25, s26, $0xb8;
	[tilespmem:$0x1BC00] =	vst v63  }
0x6b: {  	_ =	swait.ge [sflag:s24], $0x2800  }
0x6c: {  	s10 =	sshrl.u32 s20, $0x3;
	[sflag:s24] =	ssyncset.done $0x0  }
0x6d: {  	s14 =	sadd.s32 s5, s10;
	[sflag:s24] =	ssyncadd.s32 $0xFFFFD800  }
0x6e: {  	[tilespmem:s2], [sflag:$0x4] =	stream.linear.gather [hbm4b:s14+s2], $0x50, $0x38;
	[tilespmem:$0x1BC00] =	vst v63  }
0x6f: {  	_ =	swait.ge [sflag:s24], $0x50  }
0x70: {  	[sflag:s24] =	ssyncset.done $0x0  }
0x71: {  	s12 =	sadd.s32 s6, s10;
	[sflag:s24] =	ssyncadd.s32 $0xFFFFFFB0  }
0x72: {  	[tilespmem:s25], [sflag:$0x4] =	stream.linear.gather [hbm4b:s12+s2], $0x50, $0x38;
	[tilespmem:$0x1BC00] =	vst v63  }
0x73: {  	_ =	swait.ge [sflag:s24], $0x50  }
0x74: {  	[sflag:s24] =	ssyncset.done $0x0  }
0x75: {  	[sflag:s24] =	ssyncadd.s32 $0xFFFFFFB0  }
0x76: {  	[tilespmem:s28], [sflag:$0x1] =	stream.indirect.gather [hbm4b:s3+s26], $0x80, s2, s26, $0xb8;
	[tilespmem:$0x1BC00] =	vst v63  }
0x77: {  	_ =	swait.ge [sflag:s8], $0x2800  }
0x78: {  	[sflag:s8] =	ssyncset.done $0x0  }
0x79: {  	[sflag:s8] =	ssyncadd.s32 $0xFFFFD800  }
0x7a: {  	[spmem:s1] =	stream.indirect.scatter.add.f32 [tilespmem:s31], [sflag:$0x4], $0x80, s30, s26, $0xb8;
	[tilespmem:$0x1BC00] =	vst v63  }
0x7b: {  	_ =	swait.ge [sflag:s24], $0x2800  }
0x7c: {  	[sflag:s24] =	ssyncset.done $0x0  }
0x7d: {  	s15 =	sadd.s32 $0x0, s19;
	[sflag:s24] =	ssyncadd.s32 $0xFFFFD800  }
0x7e: {  	[tilespmem:s29], [sflag:$0x4] =	stream.linear.gather [hbm4b:s15+s2], $0x50, $0x38;
	[tilespmem:$0x1BC00] =	vst v63  }
0x7f: {  	_ =	swait.ge [sflag:s24], $0x50  }
0x80: {  	s18 =	rddreg [dreg:$0x3];
	[sflag:s24] =	ssyncset.done $0x0  }
0x81: {  	[sflag:s24] =	ssyncadd.s32 $0xFFFFFFB0;
	s12 =	sadd.s32 $0x0, s18  }
0x82: {  	[tilespmem:s30], [sflag:$0x4] =	stream.linear.gather [hbm4b:s12+s2], $0x50, $0x38;
	[tilespmem:$0x1BC00] =	vst v63  }
0x83: {  	_ =	swait.ge [sflag:s24], $0x50  }
0x84: {  	[sflag:s24] =	ssyncset.done $0x0  }
0x85: {  	[sflag:s24] =	ssyncadd.s32 $0xFFFFFFB0  }
0x86: {  	[tilespmem:s31], [sflag:$0x2] =	stream.indirect.gather [hbm4b:s3+s26], $0x80, s29, s26, $0xb8;
	[tilespmem:$0x1BC00] =	vst v63  }
0x87: {  	_ =	swait.ge [sflag:s4], $0x2800  }
0x88: {  	[sflag:s4] =	ssyncset.done $0x0  }
0x89: {  	[sflag:s4] =	ssyncadd.s32 $0xFFFFD800  }
0x8a: {  	[spmem:s1] =	stream.indirect.scatter.add.f32 [tilespmem:s7], [sflag:$0x4], $0x80, s16, s26, $0xb8;
	[tilespmem:$0x1BC00] =	vst v63  }
0x8b: {  	s13 =	sadd.s32 $0xF0, s20;
	_ =	swait.ge [sflag:s24], $0x2800  }
0x8c: {  	s14 =	simm.s32 $0x3C;
	s12 =	simm.s32 $0x1E;
	[sflag:s24] =	ssyncset.done $0x0  }
.LBB2_6:
0x8d: {  	s10 =	sadd.s32 s12, s22;
	[sflag:s24] =	ssyncadd.s32 $0xFFFFD800  }
0x8e: {  	[tilespmem:s0], [sflag:$0x4] =	stream.linear.gather [hbm4b:s10+s2], $0x50, $0x38;
	[tilespmem:$0x1BC00] =	vst v63  }
0x8f: {  	_ =	swait.ge [sflag:s24], $0x50  }
0x90: {  	s15 =	smov.u32 s14;
	s18 =	sadd.s32 $0x1E, s14;
	[sflag:s24] =	ssyncset.done $0x0  }
0x91: {  	p3 =	sne.s32 s14, $0x4B0;
	s14 =	sadd.s32 s12, s21;
	[sflag:s24] =	ssyncadd.s32 $0xFFFFFFB0  }
0x92: {  	[tilespmem:s16], [sflag:$0x4] =	stream.linear.gather [hbm4b:s14+s2], $0x50, $0x38;
	[tilespmem:$0x1BC00] =	vst v63  }
0x93: {  	_ =	swait.ge [sflag:s24], $0x50  }
0x94: {  	[sflag:s24] =	ssyncset.done $0x0  }
0x95: {  	[sflag:s24] =	ssyncadd.s32 $0xFFFFFFB0  }
0x96: {  	[tilespmem:s7], [sflag:$0x3] =	stream.indirect.gather [hbm4b:s3+s26], $0x80, s0, s26, $0xb8;
	[tilespmem:$0x1BC00] =	vst v63  }
0x97: {  	_ =	swait.ge [sflag:s17], $0x2800  }
0x98: {  	[sflag:s17] =	ssyncset.done $0x0  }
0x99: {  	[sflag:s17] =	ssyncadd.s32 $0xFFFFD800  }
0x9a: {  	[spmem:s1] =	stream.indirect.scatter.add.f32 [tilespmem:s28], [sflag:$0x4], $0x80, s25, s26, $0xb8;
	[tilespmem:$0x1BC00] =	vst v63  }
0x9b: {  	_ =	swait.ge [sflag:s24], $0x2800  }
0x9c: {  	s10 =	sshrl.u32 s13, $0x3;
	[sflag:s24] =	ssyncset.done $0x0  }
0x9d: {  	s14 =	sadd.s32 s5, s10;
	[sflag:s24] =	ssyncadd.s32 $0xFFFFD800  }
0x9e: {  	[tilespmem:s2], [sflag:$0x4] =	stream.linear.gather [hbm4b:s14+s2], $0x50, $0x38;
	[tilespmem:$0x1BC00] =	vst v63  }
0x9f: {  	_ =	swait.ge [sflag:s24], $0x50  }
0xa0: {  	[sflag:s24] =	ssyncset.done $0x0  }
0xa1: {  	s10 =	sadd.s32 s6, s10;
	[sflag:s24] =	ssyncadd.s32 $0xFFFFFFB0  }
0xa2: {  	[tilespmem:s25], [sflag:$0x4] =	stream.linear.gather [hbm4b:s10+s2], $0x50, $0x38;
	[tilespmem:$0x1BC00] =	vst v63  }
0xa3: {  	_ =	swait.ge [sflag:s24], $0x50  }
0xa4: {  	[sflag:s24] =	ssyncset.done $0x0  }
0xa5: {  	[sflag:s24] =	ssyncadd.s32 $0xFFFFFFB0  }
0xa6: {  	[tilespmem:s28], [sflag:$0x1] =	stream.indirect.gather [hbm4b:s3+s26], $0x80, s2, s26, $0xb8;
	[tilespmem:$0x1BC00] =	vst v63  }
0xa7: {  	_ =	swait.ge [sflag:s8], $0x2800  }
0xa8: {  	[sflag:s8] =	ssyncset.done $0x0  }
0xa9: {  	[sflag:s8] =	ssyncadd.s32 $0xFFFFD800  }
0xaa: {  	[spmem:s1] =	stream.indirect.scatter.add.f32 [tilespmem:s31], [sflag:$0x4], $0x80, s30, s26, $0xb8;
	[tilespmem:$0x1BC00] =	vst v63  }
0xab: {  	_ =	swait.ge [sflag:s24], $0x2800  }
0xac: {  	[sflag:s24] =	ssyncset.done $0x0  }
0xad: {  	s14 =	sadd.s32 s12, s19;
	[sflag:s24] =	ssyncadd.s32 $0xFFFFD800  }
0xae: {  	[tilespmem:s29], [sflag:$0x4] =	stream.linear.gather [hbm4b:s14+s2], $0x50, $0x38;
	[tilespmem:$0x1BC00] =	vst v63  }
0xaf: {  	_ =	swait.ge [sflag:s24], $0x50  }
0xb0: {  	s14 =	rddreg [dreg:$0x3];
	[sflag:s24] =	ssyncset.done $0x0  }
0xb1: {  	[sflag:s24] =	ssyncadd.s32 $0xFFFFFFB0;
	s10 =	sadd.s32 s12, s14  }
0xb2: {  	[tilespmem:s30], [sflag:$0x4] =	stream.linear.gather [hbm4b:s10+s2], $0x50, $0x38;
	[tilespmem:$0x1BC00] =	vst v63  }
0xb3: {  	_ =	swait.ge [sflag:s24], $0x50  }
0xb4: {  	[sflag:s24] =	ssyncset.done $0x0  }
0xb5: {  	[sflag:s24] =	ssyncadd.s32 $0xFFFFFFB0  }
0xb6: {  	[tilespmem:s31], [sflag:$0x2] =	stream.indirect.gather [hbm4b:s3+s26], $0x80, s29, s26, $0xb8;
	[tilespmem:$0x1BC00] =	vst v63  }
0xb7: {  	_ =	swait.ge [sflag:s4], $0x2800  }
.Ltmp4:
0xb8: {  	[sflag:s4] =	ssyncset.done $0x0;
	(pc) =	sbr.rel @p3 .LBB2_6-.Ltmp4, $4  }
0xb9: {  	[sflag:s4] =	ssyncadd.s32 $0xFFFFD800  }
0xba: {  	[spmem:s1] =	stream.indirect.scatter.add.f32 [tilespmem:s7], [sflag:$0x4], $0x80, s16, s26, $0xb8;
	[tilespmem:$0x1BC00] =	vst v63  }
0xbb: {  	s13 =	sadd.s32 $0xF0, s13;
	_ =	swait.ge [sflag:s24], $0x2800  }
0xbc: {  	s12 =	smov.u32 s15;
	s14 =	smov.u32 s18;
	[sflag:s24] =	ssyncset.done $0x0  }
0xbd: {  	s10 =	sadd.s32 s12, s22;
	[sflag:s24] =	ssyncadd.s32 $0xFFFFD800  }
0xbe: {  	[tilespmem:s0], [sflag:$0x4] =	stream.linear.gather [hbm4b:s10+s2], $0x50, $0x38;
	[tilespmem:$0x1BC00] =	vst v63  }
0xbf: {  	_ =	swait.ge [sflag:s24], $0x50  }
0xc0: {  	[sflag:s24] =	ssyncset.done $0x0  }
0xc1: {  	s15 =	sadd.s32 s12, s21;
	[sflag:s24] =	ssyncadd.s32 $0xFFFFFFB0  }
0xc2: {  	[tilespmem:s16], [sflag:$0x4] =	stream.linear.gather [hbm4b:s15+s2], $0x50, $0x38;
	[tilespmem:$0x1BC00] =	vst v63  }
0xc3: {  	_ =	swait.ge [sflag:s24], $0x50  }
0xc4: {  	[sflag:s24] =	ssyncset.done $0x0  }
0xc5: {  	[sflag:s24] =	ssyncadd.s32 $0xFFFFFFB0  }
0xc6: {  	[tilespmem:s7], [sflag:$0x3] =	stream.indirect.gather [hbm4b:s3+s26], $0x80, s0, s26, $0xb8;
	[tilespmem:$0x1BC00] =	vst v63  }
0xc7: {  	_ =	swait.ge [sflag:s17], $0x2800  }
0xc8: {  	[sflag:s17] =	ssyncset.done $0x0  }
0xc9: {  	[sflag:s17] =	ssyncadd.s32 $0xFFFFD800  }
0xca: {  	[spmem:s1] =	stream.indirect.scatter.add.f32 [tilespmem:s28], [sflag:$0x4], $0x80, s25, s26, $0xb8;
	[tilespmem:$0x1BC00] =	vst v63  }
0xcb: {  	_ =	swait.ge [sflag:s24], $0x2800  }
0xcc: {  	s18 =	sshrl.u32 s13, $0x3;
	[sflag:s24] =	ssyncset.done $0x0  }
0xcd: {  	s13 =	sadd.s32 s5, s18;
	[sflag:s24] =	ssyncadd.s32 $0xFFFFD800  }
0xce: {  	[tilespmem:s2], [sflag:$0x4] =	stream.linear.gather [hbm4b:s13+s2], $0x50, $0x38;
	[tilespmem:$0x1BC00] =	vst v63  }
0xcf: {  	_ =	swait.ge [sflag:s24], $0x50  }
0xd0: {  	[sflag:s24] =	ssyncset.done $0x0  }
0xd1: {  	s10 =	sadd.s32 s6, s18;
	[sflag:s24] =	ssyncadd.s32 $0xFFFFFFB0  }
0xd2: {  	[tilespmem:s25], [sflag:$0x4] =	stream.linear.gather [hbm4b:s10+s2], $0x50, $0x38;
	[tilespmem:$0x1BC00] =	vst v63  }
0xd3: {  	_ =	swait.ge [sflag:s24], $0x50  }
0xd4: {  	[sflag:s24] =	ssyncset.done $0x0  }
0xd5: {  	[sflag:s24] =	ssyncadd.s32 $0xFFFFFFB0  }
0xd6: {  	[tilespmem:s28], [sflag:$0x1] =	stream.indirect.gather [hbm4b:s3+s26], $0x80, s2, s26, $0xb8;
	[tilespmem:$0x1BC00] =	vst v63  }
0xd7: {  	_ =	swait.ge [sflag:s8], $0x2800  }
0xd8: {  	[sflag:s8] =	ssyncset.done $0x0  }
0xd9: {  	[sflag:s8] =	ssyncadd.s32 $0xFFFFD800  }
0xda: {  	[spmem:s1] =	stream.indirect.scatter.add.f32 [tilespmem:s31], [sflag:$0x4], $0x80, s30, s26, $0xb8;
	[tilespmem:$0x1BC00] =	vst v63  }
0xdb: {  	_ =	swait.ge [sflag:s24], $0x2800  }
0xdc: {  	[sflag:s24] =	ssyncset.done $0x0  }
0xdd: {  	s14 =	sadd.s32 s12, s19;
	[sflag:s24] =	ssyncadd.s32 $0xFFFFD800  }
0xde: {  	[tilespmem:s29], [sflag:$0x4] =	stream.linear.gather [hbm4b:s14+s2], $0x50, $0x38;
	[tilespmem:$0x1BC00] =	vst v63  }
0xdf: {  	_ =	swait.ge [sflag:s24], $0x50  }
0xe0: {  	s15 =	rddreg [dreg:$0x3];
	[sflag:s24] =	ssyncset.done $0x0  }
0xe1: {  	[sflag:s24] =	ssyncadd.s32 $0xFFFFFFB0;
	s10 =	sadd.s32 s12, s15  }
0xe2: {  	[tilespmem:s30], [sflag:$0x4] =	stream.linear.gather [hbm4b:s10+s2], $0x50, $0x38;
	[tilespmem:$0x1BC00] =	vst v63  }
0xe3: {  	_ =	swait.ge [sflag:s24], $0x50  }
0xe4: {  	[sflag:s24] =	ssyncset.done $0x0  }
0xe5: {  	[sflag:s24] =	ssyncadd.s32 $0xFFFFFFB0  }
0xe6: {  	[tilespmem:s31], [sflag:$0x2] =	stream.indirect.gather [hbm4b:s3+s26], $0x80, s29, s26, $0xb8;
	[tilespmem:$0x1BC00] =	vst v63  }
0xe7: {  	_ =	swait.ge [sflag:s4], $0x2800  }
0xe8: {  	[sflag:s4] =	ssyncset.done $0x0  }
0xe9: {  	[sflag:s4] =	ssyncadd.s32 $0xFFFFD800  }
0xea: {  	[spmem:s1] =	stream.indirect.scatter.add.f32 [tilespmem:s7], [sflag:$0x4], $0x80, s16, s26, $0xb8;
	[tilespmem:$0x1BC00] =	vst v63  }
0xeb: {  	_ =	swait.ge [sflag:s24], $0x2800  }
0xec: {  	[sflag:s24] =	ssyncset.done $0x0  }
0xed: {  	[sflag:s24] =	ssyncadd.s32 $0xFFFFD800  }
0xee: {  	_ =	swait.ge [sflag:s17], $0x2800  }
0xef: {  	[sflag:s17] =	ssyncset.done $0x0  }
0xf0: {  	[sflag:s17] =	ssyncadd.s32 $0xFFFFD800  }
0xf1: {  	[spmem:s1] =	stream.indirect.scatter.add.f32 [tilespmem:s28], [sflag:$0x4], $0x80, s25, s26, $0xb8;
	[tilespmem:$0x1BC00] =	vst v63  }
0xf2: {  	_ =	swait.ge [sflag:s24], $0x2800  }
0xf3: {  	[sflag:s24] =	ssyncset.done $0x0  }
0xf4: {  	[sflag:s24] =	ssyncadd.s32 $0xFFFFD800  }
0xf5: {  	_ =	swait.ge [sflag:s8], $0x2800  }
0xf6: {  	[sflag:s8] =	ssyncset.done $0x0  }
0xf7: {  	[sflag:s8] =	ssyncadd.s32 $0xFFFFD800  }
0xf8: {  	[spmem:s1] =	stream.indirect.scatter.add.f32 [tilespmem:s31], [sflag:$0x4], $0x80, s30, s26, $0xb8;
	[tilespmem:$0x1BC00] =	vst v63  }
.Ltmp5:
0xf9: {  	_ =	swait.ge [sflag:s24], $0x2800;
	(pc) =	sbr.rel @!p0 .LBB2_8-.Ltmp5, $4  }
0xfa: {  	[sflag:s24] =	ssyncset.done $0x0  }
0xfb: {  	s18 =	stileid.u32;
	[sflag:s24] =	ssyncadd.s32 $0xFFFFD800  }
0xfc: {  	s14 =	sshll.u32 s18, $0x6;
	[bflag:$0x0] =	sbarrier.arrive $0xFFFF  }
0xfd: {  	s13 =	sshrl.u32 s9, $0x3;
	s12 =	sor.u32 $0x1C04, s14  }
0xfe: {  	s12 =	sor.u32 $0x1C04, s14;
	s10 =	rddreg [dreg:$0xd]  }
0xff: {  	[hbm:s10], [sflag:s12] =	dma.local [spmem:s13], $0x2700  }
.Ltmp6:
0x100: {  	_ = 	snop;
	(pc) =	sbr.rel @p1 .LBB2_11-.Ltmp6, $4  }
.Ltmp7:
0x101: {  	_ = 	snop;
	(pc) =	sbr.rel @!p1 .LBB2_10-.Ltmp7, $4  }
0x102: {  	_ =	swait.ge [sflag:s24], $0x2700  }
0x103: {  	[sflag:s24] =	ssyncset.done $0x0  }
0x104: {  	s13 =	rddreg [dreg:$0x5];
	[sflag:s24] =	ssyncadd.s32 $0xFFFFD900  }
0x105: {  	_ = 	snop  }
.LBB2_8:
0x106: {  	s10 =	rddreg [dreg:$0xc]  }
0x107: {  	[hbm:s10], [sflag:s12] =	dma.local [spmem:s13], $0x2700  }
.Ltmp8:
0x108: {  	_ = 	snop;
	(pc) =	sbr.rel @p2 .LBB2_10-.Ltmp8, $4  }
.Ltmp9:
0x109: {  	_ = 	snop;
	(pc) =	sbr.rel @!p2 .LBB2_11-.Ltmp9, $4  }
0x10a: {  	_ =	swait.ge [sflag:s24], $0x2700  }
0x10b: {  	[sflag:s24] =	ssyncset.done $0x0  }
0x10c: {  	s13 =	rddreg [dreg:$0x4];
	[sflag:s24] =	ssyncadd.s32 $0xFFFFD900  }
0x10d: {  	_ = 	snop  }
.LBB2_12:
0x10e: {  	_ =	sfence.sel $0x180000  }
0x10f: {  	[bflag:$0x0] =	sbarrier.arrive $0xFFFF  }
0x110: {  	_ =	strace $0x90000050  }
0x111: {  	s0 =	stileid.u32;
	[bflag:$0x2] =	sbarrier.arrive $0xFFFF  }
0x112: {  	p0 =	sne.s32 s0, $0x0;
	s0 =	rddreg [dreg:$0x2]  }
0x113: {  	s0 =	sadd.s32 @!p0 $0x100000, s0  }
0x114: {  	[sflag:s0] =	ssyncadd.tile.s32 @!p0 $0x1;
	_ =	shalt  }
.Lfunc_end2:
_tile_overlayer_lowered:
.L_overlay_start_2:
0x115: {  	(tag) =	ssettag $0x2  }
0x116: {  	s0 =	rddreg [dreg:$0x0];
	s2 =	stileid.u32  }
0x117: {  	s1 =	rddreg [dreg:$0x1];
	p0 =	sne.s32 s2, $0x0  }
0x118: {  	s3 =	rddreg [dreg:$0x2];
	[bflag:$0x3] =	sbarrier.arrive $0xFFFF;
	s2 =	simm.s32 @!p0 $0x1C04  }
0x119: {  	[timem:s3], [sflag:s2] =	dma.local @!p0 [hbm:s0], s1  }
0x11a: {  	s0 =	simm.s32 @!p0 $0x4  }
0x11b: {  	_ =	swait.ge @!p0 [sflag:s0], s1  }
0x11c: {  	s1 =	ssub.s32 @!p0 $0x0, s1;
	[sflag:s0] =	ssyncset.done @!p0 $0x0  }
0x11d: {  	[sflag:s0] =	ssyncadd.s32 @!p0 s1  }
0x11e: {  	[bflag:$0x3] =	sbarrier.arrive $0xFFFF  }
0x11f: {  	_ =	shalt  }

</sc_bundles>
